<compile_context>
chip_gen: v7x
topology: tpu7x:2x2x1
jax: 0.10.2.dev20260603
libtpu: 0.0.44.dev20260713+nightly
codegen_flags: <defaults>
</compile_context>

<pallas_src>
import functools

import jax
import jax.numpy as jnp
from jax import lax
from jax.experimental import pallas as pl
from jax.experimental.pallas import tpu as pltpu
from jax.experimental.pallas import tpu_sc as plsc

_VOCAB = 100000
_D = 512
_NCL = 30
_B = 4096
_L = 200
_P = 32
_C0 = 104
_C1 = _L - _C0
_NBUF = 8

_info = plsc.get_sparse_core_info()
_NC, _NS = _info.num_cores, _info.num_subcores
_NW = _NC * _NS
_CPW = _B // _NW


def _proj_body(emb_ref, wp_ref, out_ref):
    x = emb_ref[...].reshape(out_ref.shape[0], 4, _D)
    for c in range(4):
        out_ref[:, 32 * c:32 * (c + 1)] = jnp.dot(
            x[:, c, :], wp_ref[...], preferred_element_type=jnp.float32)


def _project(emb_table, wp):
    rows = 4000
    return pl.pallas_call(
        _proj_body,
        grid=(_VOCAB // rows,),
        in_specs=[
            pl.BlockSpec((rows, _D), lambda i: (i, 0)),
            pl.BlockSpec((_D, _P), lambda i: (0, 0)),
        ],
        out_specs=pl.BlockSpec((rows // 4, 128), lambda i: (i, 0)),
        out_shape=jax.ShapeDtypeStruct((_VOCAB // 4, 128), jnp.float32),
    )(emb_table, wp)


_mesh = plsc.VectorSubcoreMesh(core_axis_name="c", subcore_axis_name="s")


@functools.partial(
    pl.kernel,
    out_type=(jax.ShapeDtypeStruct((_B, _P), jnp.float32),
              jax.ShapeDtypeStruct((_B, 16), jnp.float32)),
    mesh=_mesh,
    scratch_types=[
        pltpu.VMEM((_CPW, _L), jnp.int32),
        pltpu.VMEM((_NBUF, _L, _P), jnp.float32),
        pltpu.VMEM((_CPW, _P), jnp.float32),
        pltpu.VMEM((_CPW, 16), jnp.float32),
        pltpu.VMEM((_P,), jnp.float32),
        *([pltpu.SemaphoreType.DMA] * _NBUF),
    ],
    compiler_params=pltpu.CompilerParams(use_tc_tiling_on_sc=False,
                                         needs_layout_passes=False),
)
def _pool_kernel(tok_hbm, proj_hbm, bvec_hbm, probs_hbm, risk_hbm,
                 idx_v, rows_v, probs_v, risk_v, bvec_v, *sems):
    wid = lax.axis_index("s") * _NC + lax.axis_index("c")
    base = wid * _CPW
    pltpu.sync_copy(tok_hbm.at[pl.ds(base, _CPW)], idx_v)
    pltpu.sync_copy(bvec_hbm, bvec_v)
    bv_lo = bvec_v[0:16]
    bv_hi = bvec_v[16:32]

    def fire(b, slot):
        pltpu.async_copy(proj_hbm.at[idx_v.at[b, pl.ds(0, _C0)]],
                         rows_v.at[slot, pl.ds(0, _C0)], sems[slot])
        pltpu.async_copy(proj_hbm.at[idx_v.at[b, pl.ds(_C0, _C1)]],
                         rows_v.at[slot, pl.ds(_C0, _C1)], sems[slot])

    def wait_slot(slot):
        pltpu.make_async_copy(proj_hbm.at[pl.ds(0, _L)],
                              rows_v.at[slot], sems[slot]).wait()

    def accumulate(b, slot):
        def acc_body(i, carry):
            accs = list(carry)
            for j in range(8):
                r = i * 8 + j
                k = j % 4
                accs[k] = accs[k] + rows_v[slot, r, 0:16]
                accs[4 + k] = accs[4 + k] + rows_v[slot, r, 16:32]
            return tuple(accs)

        z = jnp.zeros((16,), jnp.float32)
        accs = lax.fori_loop(0, _L // 8, acc_body, (z,) * 8)
        scale = jnp.float32(1.0 / _L)
        a_lo = ((accs[0] + accs[1]) + (accs[2] + accs[3])) * scale
        a_hi = ((accs[4] + accs[5]) + (accs[6] + accs[7])) * scale
        l_lo = a_lo + bv_lo
        l_hi = a_hi + bv_hi
        m = jnp.maximum(jnp.max(l_lo), jnp.max(l_hi))
        e_lo = jnp.exp(l_lo - m)
        e_hi = jnp.exp(l_hi - m)
        s = jnp.sum(e_lo) + jnp.sum(e_hi)
        probs_v[b, 0:16] = e_lo / s
        probs_v[b, 16:32] = e_hi / s
        risk_v[b, 0:16] = 1.0 / (1.0 + jnp.exp(-a_hi))

    for s in range(_NBUF):
        fire(s, s)

    def ring_body(q, _):
        b0 = _NBUF * q
        for s in range(_NBUF):
            wait_slot(s)
            accumulate(b0 + s, s)

            @pl.when(q < _CPW // _NBUF - 1)
            def _(s=s):
                fire(b0 + _NBUF + s, s)

        return 0

    lax.fori_loop(0, _CPW // _NBUF, ring_body, 0)
    pltpu.sync_copy(probs_v, probs_hbm.at[pl.ds(base, _CPW)])
    pltpu.sync_copy(risk_v, risk_hbm.at[pl.ds(base, _CPW)])


def kernel(contract_tokens, emb_table, W, b):
    tokens = (contract_tokens if contract_tokens.dtype == jnp.int32
              else contract_tokens.astype(jnp.int32))
    e0 = jnp.zeros((_D, 2), jnp.float32).at[0, 0].set(1.0)
    wp = jnp.concatenate([W, e0], axis=1)
    bvec = jnp.concatenate([b, jnp.full((2,), -1e30, jnp.float32)])
    proj = _project(emb_table, wp).reshape(_VOCAB, _P)
    probs32, risk16 = _pool_kernel(tokens, proj, bvec)
    return (probs32[:, :_NCL], risk16[:, 14:15])

# --- scband reference (transcript-rebuilt; emitter-appended) ---
"""Pipeline reference for scband-contract-analyzer-29841432773453 (READ-ONLY COPY).

The authoritative reference and input builder live on the scoring server;
editing this copy changes nothing except your own understanding.
"""

import jax, jax.numpy as jnp
import numpy as np

VOCAB = 100000
D = 512
NUM_CLAUSES = 30
B = 4096
L = 200

def setup_inputs(seed: int = 0) -> dict:
    key = jax.random.key(seed)
    k1, k2, k3, k4 = jax.random.split(key, 4)
    contract_tokens = jax.random.randint(k1, (B, L), 0, VOCAB, dtype=jnp.int64 if jax.config.jax_enable_x64 else jnp.int32)
    emb_table = jax.random.normal(k2, (VOCAB, D), dtype=jnp.float32)
    W = jax.random.normal(k3, (D, NUM_CLAUSES), dtype=jnp.float32) * (1.0 / np.sqrt(D))
    b = jax.random.normal(k4, (NUM_CLAUSES,), dtype=jnp.float32) * 0.01
    return {"contract_tokens": contract_tokens, "emb_table": emb_table, "W": W, "b": b}

def reference(contract_tokens, emb_table, W, b):
    # encoded = Embedding(contract_tokens).mean(dim=1)
    gathered = jnp.take(emb_table, contract_tokens, axis=0)  # [B, L, D]
    encoded = gathered.mean(axis=1)  # [B, D]
    logits = encoded @ W + b  # [B, NUM_CLAUSES]
    clause_types = jax.nn.softmax(logits, axis=-1)
    risk_score = jax.nn.sigmoid(encoded[:, 0:1])
    return (clause_types, risk_score)

if __name__ == "__main__":
    import jax
    _d = setup_inputs()
    print(jax.jit(kernel)(*tuple(_d.values())))

</pallas_src>

<mosaic_0001>
#map = affine_map<(d0, d1) -> (0, 0)>
#map1 = affine_map<(d0, d1) -> (0)>
module attributes {stable_mosaic.version = 14 : i64} {
  func.func @_pool_kernel(%arg0: i32, %arg1: i32, %arg2: memref<4096x200xi32, #tpu.memory_space<hbm>>, %arg3: memref<100000x32xf32, #tpu.memory_space<hbm>>, %arg4: memref<32xf32, #tpu.memory_space<hbm>>, %arg5: memref<4096x32xf32, #tpu.memory_space<hbm>>, %arg6: memref<4096x16xf32, #tpu.memory_space<hbm>>, %arg7: memref<128x200xi32, #tpu.memory_space<vmem>>, %arg8: memref<8x200x32xf32, #tpu.memory_space<vmem>>, %arg9: memref<128x32xf32, #tpu.memory_space<vmem>>, %arg10: memref<128x16xf32, #tpu.memory_space<vmem>>, %arg11: memref<32xf32, #tpu.memory_space<vmem>>, %arg12: memref<!tpu.dma_semaphore, #tpu.memory_space<semaphore_mem>>, %arg13: memref<!tpu.dma_semaphore, #tpu.memory_space<semaphore_mem>>, %arg14: memref<!tpu.dma_semaphore, #tpu.memory_space<semaphore_mem>>, %arg15: memref<!tpu.dma_semaphore, #tpu.memory_space<semaphore_mem>>, %arg16: memref<!tpu.dma_semaphore, #tpu.memory_space<semaphore_mem>>, %arg17: memref<!tpu.dma_semaphore, #tpu.memory_space<semaphore_mem>>, %arg18: memref<!tpu.dma_semaphore, #tpu.memory_space<semaphore_mem>>, %arg19: memref<!tpu.dma_semaphore, #tpu.memory_space<semaphore_mem>>) attributes {dimension_semantics = [#tpu.dimension_semantics<core_parallel>, #tpu.dimension_semantics<subcore_parallel>], iteration_bounds = array<i64: 2, 16>, scalar_prefetch = 0 : i64, scratch_operands = 13 : i64, tpu.core_type = #tpu.core_type<sc_vector_subcore>, window_params = [{transform_indices = #map}, {transform_indices = #map}, {transform_indices = #map1}, {transform_indices = #map}, {transform_indices = #map}]} {
    %mul3A = arith.constant 2 : i32
    %mul3A_0 = arith.muli %arg1, %mul3A : i32
    %add3A = arith.addi %mul3A_0, %arg0 : i32
    %mul3A_1 = arith.constant 128 : i32
    %mul3A_2 = arith.muli %add3A, %mul3A_1 : i32
    "tpu.region"() ({
      %run_scoped3A = tpu.sem_alloc : memref<!tpu.dma_semaphore, #tpu.memory_space<semaphore_mem>>
      %dma_start3A_203 = arith.constant 0 : i32
      %dma_start3A_204 = tpu.memref_slice %arg2[%mul3A_2, %dma_start3A_203] : memref<4096x200xi32, #tpu.memory_space<hbm>> -> memref<128x200xi32, #tpu.memory_space<hbm>>
      %dma_start3A_205 = arith.constant 0 : i32
      %dma_start3A_206 = tpu.memref_slice %arg2[%mul3A_2, %dma_start3A_205] : memref<4096x200xi32, #tpu.memory_space<hbm>> -> memref<128x200xi32, #tpu.memory_space<hbm>>
      tpu.enqueue_dma source(%dma_start3A_206 : memref<128x200xi32, #tpu.memory_space<hbm>>) target(%arg7 : memref<128x200xi32, #tpu.memory_space<vmem>>) target_semaphore(%run_scoped3A : memref<!tpu.dma_semaphore, #tpu.memory_space<semaphore_mem>>)
      %dma_wait3A = arith.constant 0 : i32
      %dma_wait3A_207 = tpu.memref_slice %arg2[%mul3A_2, %dma_wait3A] : memref<4096x200xi32, #tpu.memory_space<hbm>> -> memref<128x200xi32, #tpu.memory_space<hbm>>
      %dma_wait3A_208 = arith.constant 0 : i32
      %dma_wait3A_209 = tpu.memref_slice %arg2[%mul3A_2, %dma_wait3A_208] : memref<4096x200xi32, #tpu.memory_space<hbm>> -> memref<128x200xi32, #tpu.memory_space<hbm>>
      tpu.wait_dma2 semaphore(%run_scoped3A : memref<!tpu.dma_semaphore, #tpu.memory_space<semaphore_mem>>) src(%dma_wait3A_209 : memref<128x200xi32, #tpu.memory_space<hbm>>) dst(%arg7 : memref<128x200xi32, #tpu.memory_space<vmem>>)
      tpu.yield
    }) : () -> ()
    "tpu.region"() ({
      %run_scoped3A = tpu.sem_alloc : memref<!tpu.dma_semaphore, #tpu.memory_space<semaphore_mem>>
      tpu.enqueue_dma source(%arg4 : memref<32xf32, #tpu.memory_space<hbm>>) target(%arg11 : memref<32xf32, #tpu.memory_space<vmem>>) target_semaphore(%run_scoped3A : memref<!tpu.dma_semaphore, #tpu.memory_space<semaphore_mem>>)
      tpu.wait_dma2 semaphore(%run_scoped3A : memref<!tpu.dma_semaphore, #tpu.memory_space<semaphore_mem>>) src(%arg4 : memref<32xf32, #tpu.memory_space<hbm>>) dst(%arg11 : memref<32xf32, #tpu.memory_space<vmem>>)
      tpu.yield
    }) : () -> ()
    %get3A = arith.constant 0 : index
    %get3A_3 = tpu.vector_load %arg11[%get3A] {strides = array<i32>} : memref<32xf32, #tpu.memory_space<vmem>>, vector<16xf32>,
    %get3A_4 = arith.constant 16 : index
    %get3A_5 = tpu.vector_load %arg11[%get3A_4] {strides = array<i32>} : memref<32xf32, #tpu.memory_space<vmem>>, vector<16xf32>,
    %dma_start3A = arith.constant 0 : i32
    %dma_start3A_6 = arith.constant 0 : i32
    %dma_start3A_7 = arith.constant 0 : i32
    %dma_start3A_8 = arith.constant 0 : i32
    %dma_start3A_9 = tpu.memref_slice %arg8[%dma_start3A_6, %dma_start3A_7, %dma_start3A_8] : memref<8x200x32xf32, #tpu.memory_space<vmem>> -> memref<1x104x32xf32, #tpu.memory_space<vmem>>
    %dma_start3A_10 = tpu.memref_squeeze %dma_start3A_9 : memref<1x104x32xf32, #tpu.memory_space<vmem>> -> memref<104x32xf32, #tpu.memory_space<vmem>>
    %dma_start3A_11 = arith.constant 0 : i32
    %dma_start3A_12 = tpu.memref_slice %arg7[%dma_start3A, %dma_start3A_11] : memref<128x200xi32, #tpu.memory_space<vmem>> -> memref<1x104xi32, #tpu.memory_space<vmem>>
    %dma_start3A_13 = tpu.memref_squeeze %dma_start3A_12 : memref<1x104xi32, #tpu.memory_space<vmem>> -> memref<104xi32, #tpu.memory_space<vmem>>
    %dma_start3A_14 = arith.constant 0 : i32
    %dma_start3A_15 = arith.constant 0 : i32
    %dma_start3A_16 = tpu.memref_slice %arg3[%dma_start3A_14, %dma_start3A_15] : memref<100000x32xf32, #tpu.memory_space<hbm>> -> memref<100000x32xf32, #tpu.memory_space<hbm>>
    tpu.enqueue_indirect_dma source(%dma_start3A_16 : memref<100000x32xf32, #tpu.memory_space<hbm>>) target(%dma_start3A_10 : memref<104x32xf32, #tpu.memory_space<vmem>>) offsets(%dma_start3A_13 : memref<104xi32, #tpu.memory_space<vmem>>) semaphore(%arg12 : memref<!tpu.dma_semaphore, #tpu.memory_space<semaphore_mem>>)
    %dma_start3A_17 = arith.constant 0 : i32
    %dma_start3A_18 = arith.constant 0 : i32
    %dma_start3A_19 = arith.constant 104 : i32
    %dma_start3A_20 = arith.constant 0 : i32
    %dma_start3A_21 = tpu.memref_slice %arg8[%dma_start3A_18, %dma_start3A_19, %dma_start3A_20] : memref<8x200x32xf32, #tpu.memory_space<vmem>> -> memref<1x96x32xf32, #tpu.memory_space<vmem>>
    %dma_start3A_22 = tpu.memref_squeeze %dma_start3A_21 : memref<1x96x32xf32, #tpu.memory_space<vmem>> -> memref<96x32xf32, #tpu.memory_space<vmem>>
    %dma_start3A_23 = arith.constant 104 : i32
    %dma_start3A_24 = tpu.memref_slice %arg7[%dma_start3A_17, %dma_start3A_23] : memref<128x200xi32, #tpu.memory_space<vmem>> -> memref<1x96xi32, #tpu.memory_space<vmem>>
    %dma_start3A_25 = tpu.memref_squeeze %dma_start3A_24 : memref<1x96xi32, #tpu.memory_space<vmem>> -> memref<96xi32, #tpu.memory_space<vmem>>
    %dma_start3A_26 = arith.constant 0 : i32
    %dma_start3A_27 = arith.constant 0 : i32
    %dma_start3A_28 = tpu.memref_slice %arg3[%dma_start3A_26, %dma_start3A_27] : memref<100000x32xf32, #tpu.memory_space<hbm>> -> memref<100000x32xf32, #tpu.memory_space<hbm>>
    tpu.enqueue_indirect_dma source(%dma_start3A_28 : memref<100000x32xf32, #tpu.memory_space<hbm>>) target(%dma_start3A_22 : memref<96x32xf32, #tpu.memory_space<vmem>>) offsets(%dma_start3A_25 : memref<96xi32, #tpu.memory_space<vmem>>) semaphore(%arg12 : memref<!tpu.dma_semaphore, #tpu.memory_space<semaphore_mem>>)
    %dma_start3A_29 = arith.constant 1 : i32
    %dma_start3A_30 = arith.constant 1 : i32
    %dma_start3A_31 = arith.constant 0 : i32
    %dma_start3A_32 = arith.constant 0 : i32
    %dma_start3A_33 = tpu.memref_slice %arg8[%dma_start3A_30, %dma_start3A_31, %dma_start3A_32] : memref<8x200x32xf32, #tpu.memory_space<vmem>> -> memref<1x104x32xf32, #tpu.memory_space<vmem>>
    %dma_start3A_34 = tpu.memref_squeeze %dma_start3A_33 : memref<1x104x32xf32, #tpu.memory_space<vmem>> -> memref<104x32xf32, #tpu.memory_space<vmem>>
    %dma_start3A_35 = arith.constant 0 : i32
    %dma_start3A_36 = tpu.memref_slice %arg7[%dma_start3A_29, %dma_start3A_35] : memref<128x200xi32, #tpu.memory_space<vmem>> -> memref<1x104xi32, #tpu.memory_space<vmem>>
    %dma_start3A_37 = tpu.memref_squeeze %dma_start3A_36 : memref<1x104xi32, #tpu.memory_space<vmem>> -> memref<104xi32, #tpu.memory_space<vmem>>
    %dma_start3A_38 = arith.constant 0 : i32
    %dma_start3A_39 = arith.constant 0 : i32
    %dma_start3A_40 = tpu.memref_slice %arg3[%dma_start3A_38, %dma_start3A_39] : memref<100000x32xf32, #tpu.memory_space<hbm>> -> memref<100000x32xf32, #tpu.memory_space<hbm>>
    tpu.enqueue_indirect_dma source(%dma_start3A_40 : memref<100000x32xf32, #tpu.memory_space<hbm>>) target(%dma_start3A_34 : memref<104x32xf32, #tpu.memory_space<vmem>>) offsets(%dma_start3A_37 : memref<104xi32, #tpu.memory_space<vmem>>) semaphore(%arg13 : memref<!tpu.dma_semaphore, #tpu.memory_space<semaphore_mem>>)
    %dma_start3A_41 = arith.constant 1 : i32
    %dma_start3A_42 = arith.constant 1 : i32
    %dma_start3A_43 = arith.constant 104 : i32
    %dma_start3A_44 = arith.constant 0 : i32
    %dma_start3A_45 = tpu.memref_slice %arg8[%dma_start3A_42, %dma_start3A_43, %dma_start3A_44] : memref<8x200x32xf32, #tpu.memory_space<vmem>> -> memref<1x96x32xf32, #tpu.memory_space<vmem>>
    %dma_start3A_46 = tpu.memref_squeeze %dma_start3A_45 : memref<1x96x32xf32, #tpu.memory_space<vmem>> -> memref<96x32xf32, #tpu.memory_space<vmem>>
    %dma_start3A_47 = arith.constant 104 : i32
    %dma_start3A_48 = tpu.memref_slice %arg7[%dma_start3A_41, %dma_start3A_47] : memref<128x200xi32, #tpu.memory_space<vmem>> -> memref<1x96xi32, #tpu.memory_space<vmem>>
    %dma_start3A_49 = tpu.memref_squeeze %dma_start3A_48 : memref<1x96xi32, #tpu.memory_space<vmem>> -> memref<96xi32, #tpu.memory_space<vmem>>
    %dma_start3A_50 = arith.constant 0 : i32
    %dma_start3A_51 = arith.constant 0 : i32
    %dma_start3A_52 = tpu.memref_slice %arg3[%dma_start3A_50, %dma_start3A_51] : memref<100000x32xf32, #tpu.memory_space<hbm>> -> memref<100000x32xf32, #tpu.memory_space<hbm>>
    tpu.enqueue_indirect_dma source(%dma_start3A_52 : memref<100000x32xf32, #tpu.memory_space<hbm>>) target(%dma_start3A_46 : memref<96x32xf32, #tpu.memory_space<vmem>>) offsets(%dma_start3A_49 : memref<96xi32, #tpu.memory_space<vmem>>) semaphore(%arg13 : memref<!tpu.dma_semaphore, #tpu.memory_space<semaphore_mem>>)
    %dma_start3A_53 = arith.constant 2 : i32
    %dma_start3A_54 = arith.constant 2 : i32
    %dma_start3A_55 = arith.constant 0 : i32
    %dma_start3A_56 = arith.constant 0 : i32
    %dma_start3A_57 = tpu.memref_slice %arg8[%dma_start3A_54, %dma_start3A_55, %dma_start3A_56] : memref<8x200x32xf32, #tpu.memory_space<vmem>> -> memref<1x104x32xf32, #tpu.memory_space<vmem>>
    %dma_start3A_58 = tpu.memref_squeeze %dma_start3A_57 : memref<1x104x32xf32, #tpu.memory_space<vmem>> -> memref<104x32xf32, #tpu.memory_space<vmem>>
    %dma_start3A_59 = arith.constant 0 : i32
    %dma_start3A_60 = tpu.memref_slice %arg7[%dma_start3A_53, %dma_start3A_59] : memref<128x200xi32, #tpu.memory_space<vmem>> -> memref<1x104xi32, #tpu.memory_space<vmem>>
    %dma_start3A_61 = tpu.memref_squeeze %dma_start3A_60 : memref<1x104xi32, #tpu.memory_space<vmem>> -> memref<104xi32, #tpu.memory_space<vmem>>
    %dma_start3A_62 = arith.constant 0 : i32
    %dma_start3A_63 = arith.constant 0 : i32
    %dma_start3A_64 = tpu.memref_slice %arg3[%dma_start3A_62, %dma_start3A_63] : memref<100000x32xf32, #tpu.memory_space<hbm>> -> memref<100000x32xf32, #tpu.memory_space<hbm>>
    tpu.enqueue_indirect_dma source(%dma_start3A_64 : memref<100000x32xf32, #tpu.memory_space<hbm>>) target(%dma_start3A_58 : memref<104x32xf32, #tpu.memory_space<vmem>>) offsets(%dma_start3A_61 : memref<104xi32, #tpu.memory_space<vmem>>) semaphore(%arg14 : memref<!tpu.dma_semaphore, #tpu.memory_space<semaphore_mem>>)
    %dma_start3A_65 = arith.constant 2 : i32
    %dma_start3A_66 = arith.constant 2 : i32
    %dma_start3A_67 = arith.constant 104 : i32
    %dma_start3A_68 = arith.constant 0 : i32
    %dma_start3A_69 = tpu.memref_slice %arg8[%dma_start3A_66, %dma_start3A_67, %dma_start3A_68] : memref<8x200x32xf32, #tpu.memory_space<vmem>> -> memref<1x96x32xf32, #tpu.memory_space<vmem>>
    %dma_start3A_70 = tpu.memref_squeeze %dma_start3A_69 : memref<1x96x32xf32, #tpu.memory_space<vmem>> -> memref<96x32xf32, #tpu.memory_space<vmem>>
    %dma_start3A_71 = arith.constant 104 : i32
    %dma_start3A_72 = tpu.memref_slice %arg7[%dma_start3A_65, %dma_start3A_71] : memref<128x200xi32, #tpu.memory_space<vmem>> -> memref<1x96xi32, #tpu.memory_space<vmem>>
    %dma_start3A_73 = tpu.memref_squeeze %dma_start3A_72 : memref<1x96xi32, #tpu.memory_space<vmem>> -> memref<96xi32, #tpu.memory_space<vmem>>
    %dma_start3A_74 = arith.constant 0 : i32
    %dma_start3A_75 = arith.constant 0 : i32
    %dma_start3A_76 = tpu.memref_slice %arg3[%dma_start3A_74, %dma_start3A_75] : memref<100000x32xf32, #tpu.memory_space<hbm>> -> memref<100000x32xf32, #tpu.memory_space<hbm>>
    tpu.enqueue_indirect_dma source(%dma_start3A_76 : memref<100000x32xf32, #tpu.memory_space<hbm>>) target(%dma_start3A_70 : memref<96x32xf32, #tpu.memory_space<vmem>>) offsets(%dma_start3A_73 : memref<96xi32, #tpu.memory_space<vmem>>) semaphore(%arg14 : memref<!tpu.dma_semaphore, #tpu.memory_space<semaphore_mem>>)
    %dma_start3A_77 = arith.constant 3 : i32
    %dma_start3A_78 = arith.constant 3 : i32
    %dma_start3A_79 = arith.constant 0 : i32
    %dma_start3A_80 = arith.constant 0 : i32
    %dma_start3A_81 = tpu.memref_slice %arg8[%dma_start3A_78, %dma_start3A_79, %dma_start3A_80] : memref<8x200x32xf32, #tpu.memory_space<vmem>> -> memref<1x104x32xf32, #tpu.memory_space<vmem>>
    %dma_start3A_82 = tpu.memref_squeeze %dma_start3A_81 : memref<1x104x32xf32, #tpu.memory_space<vmem>> -> memref<104x32xf32, #tpu.memory_space<vmem>>
    %dma_start3A_83 = arith.constant 0 : i32
    %dma_start3A_84 = tpu.memref_slice %arg7[%dma_start3A_77, %dma_start3A_83] : memref<128x200xi32, #tpu.memory_space<vmem>> -> memref<1x104xi32, #tpu.memory_space<vmem>>
    %dma_start3A_85 = tpu.memref_squeeze %dma_start3A_84 : memref<1x104xi32, #tpu.memory_space<vmem>> -> memref<104xi32, #tpu.memory_space<vmem>>
    %dma_start3A_86 = arith.constant 0 : i32
    %dma_start3A_87 = arith.constant 0 : i32
    %dma_start3A_88 = tpu.memref_slice %arg3[%dma_start3A_86, %dma_start3A_87] : memref<100000x32xf32, #tpu.memory_space<hbm>> -> memref<100000x32xf32, #tpu.memory_space<hbm>>
    tpu.enqueue_indirect_dma source(%dma_start3A_88 : memref<100000x32xf32, #tpu.memory_space<hbm>>) target(%dma_start3A_82 : memref<104x32xf32, #tpu.memory_space<vmem>>) offsets(%dma_start3A_85 : memref<104xi32, #tpu.memory_space<vmem>>) semaphore(%arg15 : memref<!tpu.dma_semaphore, #tpu.memory_space<semaphore_mem>>)
    %dma_start3A_89 = arith.constant 3 : i32
    %dma_start3A_90 = arith.constant 3 : i32
    %dma_start3A_91 = arith.constant 104 : i32
    %dma_start3A_92 = arith.constant 0 : i32
    %dma_start3A_93 = tpu.memref_slice %arg8[%dma_start3A_90, %dma_start3A_91, %dma_start3A_92] : memref<8x200x32xf32, #tpu.memory_space<vmem>> -> memref<1x96x32xf32, #tpu.memory_space<vmem>>
    %dma_start3A_94 = tpu.memref_squeeze %dma_start3A_93 : memref<1x96x32xf32, #tpu.memory_space<vmem>> -> memref<96x32xf32, #tpu.memory_space<vmem>>
    %dma_start3A_95 = arith.constant 104 : i32
    %dma_start3A_96 = tpu.memref_slice %arg7[%dma_start3A_89, %dma_start3A_95] : memref<128x200xi32, #tpu.memory_space<vmem>> -> memref<1x96xi32, #tpu.memory_space<vmem>>
    %dma_start3A_97 = tpu.memref_squeeze %dma_start3A_96 : memref<1x96xi32, #tpu.memory_space<vmem>> -> memref<96xi32, #tpu.memory_space<vmem>>
    %dma_start3A_98 = arith.constant 0 : i32
    %dma_start3A_99 = arith.constant 0 : i32
    %dma_start3A_100 = tpu.memref_slice %arg3[%dma_start3A_98, %dma_start3A_99] : memref<100000x32xf32, #tpu.memory_space<hbm>> -> memref<100000x32xf32, #tpu.memory_space<hbm>>
    tpu.enqueue_indirect_dma source(%dma_start3A_100 : memref<100000x32xf32, #tpu.memory_space<hbm>>) target(%dma_start3A_94 : memref<96x32xf32, #tpu.memory_space<vmem>>) offsets(%dma_start3A_97 : memref<96xi32, #tpu.memory_space<vmem>>) semaphore(%arg15 : memref<!tpu.dma_semaphore, #tpu.memory_space<semaphore_mem>>)
    %dma_start3A_101 = arith.constant 4 : i32
    %dma_start3A_102 = arith.constant 4 : i32
    %dma_start3A_103 = arith.constant 0 : i32
    %dma_start3A_104 = arith.constant 0 : i32
    %dma_start3A_105 = tpu.memref_slice %arg8[%dma_start3A_102, %dma_start3A_103, %dma_start3A_104] : memref<8x200x32xf32, #tpu.memory_space<vmem>> -> memref<1x104x32xf32, #tpu.memory_space<vmem>>
    %dma_start3A_106 = tpu.memref_squeeze %dma_start3A_105 : memref<1x104x32xf32, #tpu.memory_space<vmem>> -> memref<104x32xf32, #tpu.memory_space<vmem>>
    %dma_start3A_107 = arith.constant 0 : i32
    %dma_start3A_108 = tpu.memref_slice %arg7[%dma_start3A_101, %dma_start3A_107] : memref<128x200xi32, #tpu.memory_space<vmem>> -> memref<1x104xi32, #tpu.memory_space<vmem>>
    %dma_start3A_109 = tpu.memref_squeeze %dma_start3A_108 : memref<1x104xi32, #tpu.memory_space<vmem>> -> memref<104xi32, #tpu.memory_space<vmem>>
    %dma_start3A_110 = arith.constant 0 : i32
    %dma_start3A_111 = arith.constant 0 : i32
    %dma_start3A_112 = tpu.memref_slice %arg3[%dma_start3A_110, %dma_start3A_111] : memref<100000x32xf32, #tpu.memory_space<hbm>> -> memref<100000x32xf32, #tpu.memory_space<hbm>>
    tpu.enqueue_indirect_dma source(%dma_start3A_112 : memref<100000x32xf32, #tpu.memory_space<hbm>>) target(%dma_start3A_106 : memref<104x32xf32, #tpu.memory_space<vmem>>) offsets(%dma_start3A_109 : memref<104xi32, #tpu.memory_space<vmem>>) semaphore(%arg16 : memref<!tpu.dma_semaphore, #tpu.memory_space<semaphore_mem>>)
    %dma_start3A_113 = arith.constant 4 : i32
    %dma_start3A_114 = arith.constant 4 : i32
    %dma_start3A_115 = arith.constant 104 : i32
    %dma_start3A_116 = arith.constant 0 : i32
    %dma_start3A_117 = tpu.memref_slice %arg8[%dma_start3A_114, %dma_start3A_115, %dma_start3A_116] : memref<8x200x32xf32, #tpu.memory_space<vmem>> -> memref<1x96x32xf32, #tpu.memory_space<vmem>>
    %dma_start3A_118 = tpu.memref_squeeze %dma_start3A_117 : memref<1x96x32xf32, #tpu.memory_space<vmem>> -> memref<96x32xf32, #tpu.memory_space<vmem>>
    %dma_start3A_119 = arith.constant 104 : i32
    %dma_start3A_120 = tpu.memref_slice %arg7[%dma_start3A_113, %dma_start3A_119] : memref<128x200xi32, #tpu.memory_space<vmem>> -> memref<1x96xi32, #tpu.memory_space<vmem>>
    %dma_start3A_121 = tpu.memref_squeeze %dma_start3A_120 : memref<1x96xi32, #tpu.memory_space<vmem>> -> memref<96xi32, #tpu.memory_space<vmem>>
    %dma_start3A_122 = arith.constant 0 : i32
    %dma_start3A_123 = arith.constant 0 : i32
    %dma_start3A_124 = tpu.memref_slice %arg3[%dma_start3A_122, %dma_start3A_123] : memref<100000x32xf32, #tpu.memory_space<hbm>> -> memref<100000x32xf32, #tpu.memory_space<hbm>>
    tpu.enqueue_indirect_dma source(%dma_start3A_124 : memref<100000x32xf32, #tpu.memory_space<hbm>>) target(%dma_start3A_118 : memref<96x32xf32, #tpu.memory_space<vmem>>) offsets(%dma_start3A_121 : memref<96xi32, #tpu.memory_space<vmem>>) semaphore(%arg16 : memref<!tpu.dma_semaphore, #tpu.memory_space<semaphore_mem>>)
    %dma_start3A_125 = arith.constant 5 : i32
    %dma_start3A_126 = arith.constant 5 : i32
    %dma_start3A_127 = arith.constant 0 : i32
    %dma_start3A_128 = arith.constant 0 : i32
    %dma_start3A_129 = tpu.memref_slice %arg8[%dma_start3A_126, %dma_start3A_127, %dma_start3A_128] : memref<8x200x32xf32, #tpu.memory_space<vmem>> -> memref<1x104x32xf32, #tpu.memory_space<vmem>>
    %dma_start3A_130 = tpu.memref_squeeze %dma_start3A_129 : memref<1x104x32xf32, #tpu.memory_space<vmem>> -> memref<104x32xf32, #tpu.memory_space<vmem>>
    %dma_start3A_131 = arith.constant 0 : i32
    %dma_start3A_132 = tpu.memref_slice %arg7[%dma_start3A_125, %dma_start3A_131] : memref<128x200xi32, #tpu.memory_space<vmem>> -> memref<1x104xi32, #tpu.memory_space<vmem>>
    %dma_start3A_133 = tpu.memref_squeeze %dma_start3A_132 : memref<1x104xi32, #tpu.memory_space<vmem>> -> memref<104xi32, #tpu.memory_space<vmem>>
    %dma_start3A_134 = arith.constant 0 : i32
    %dma_start3A_135 = arith.constant 0 : i32
    %dma_start3A_136 = tpu.memref_slice %arg3[%dma_start3A_134, %dma_start3A_135] : memref<100000x32xf32, #tpu.memory_space<hbm>> -> memref<100000x32xf32, #tpu.memory_space<hbm>>
    tpu.enqueue_indirect_dma source(%dma_start3A_136 : memref<100000x32xf32, #tpu.memory_space<hbm>>) target(%dma_start3A_130 : memref<104x32xf32, #tpu.memory_space<vmem>>) offsets(%dma_start3A_133 : memref<104xi32, #tpu.memory_space<vmem>>) semaphore(%arg17 : memref<!tpu.dma_semaphore, #tpu.memory_space<semaphore_mem>>)
    %dma_start3A_137 = arith.constant 5 : i32
    %dma_start3A_138 = arith.constant 5 : i32
    %dma_start3A_139 = arith.constant 104 : i32
    %dma_start3A_140 = arith.constant 0 : i32
    %dma_start3A_141 = tpu.memref_slice %arg8[%dma_start3A_138, %dma_start3A_139, %dma_start3A_140] : memref<8x200x32xf32, #tpu.memory_space<vmem>> -> memref<1x96x32xf32, #tpu.memory_space<vmem>>
    %dma_start3A_142 = tpu.memref_squeeze %dma_start3A_141 : memref<1x96x32xf32, #tpu.memory_space<vmem>> -> memref<96x32xf32, #tpu.memory_space<vmem>>
    %dma_start3A_143 = arith.constant 104 : i32
    %dma_start3A_144 = tpu.memref_slice %arg7[%dma_start3A_137, %dma_start3A_143] : memref<128x200xi32, #tpu.memory_space<vmem>> -> memref<1x96xi32, #tpu.memory_space<vmem>>
    %dma_start3A_145 = tpu.memref_squeeze %dma_start3A_144 : memref<1x96xi32, #tpu.memory_space<vmem>> -> memref<96xi32, #tpu.memory_space<vmem>>
    %dma_start3A_146 = arith.constant 0 : i32
    %dma_start3A_147 = arith.constant 0 : i32
    %dma_start3A_148 = tpu.memref_slice %arg3[%dma_start3A_146, %dma_start3A_147] : memref<100000x32xf32, #tpu.memory_space<hbm>> -> memref<100000x32xf32, #tpu.memory_space<hbm>>
    tpu.enqueue_indirect_dma source(%dma_start3A_148 : memref<100000x32xf32, #tpu.memory_space<hbm>>) target(%dma_start3A_142 : memref<96x32xf32, #tpu.memory_space<vmem>>) offsets(%dma_start3A_145 : memref<96xi32, #tpu.memory_space<vmem>>) semaphore(%arg17 : memref<!tpu.dma_semaphore, #tpu.memory_space<semaphore_mem>>)
    %dma_start3A_149 = arith.constant 6 : i32
    %dma_start3A_150 = arith.constant 6 : i32
    %dma_start3A_151 = arith.constant 0 : i32
    %dma_start3A_152 = arith.constant 0 : i32
    %dma_start3A_153 = tpu.memref_slice %arg8[%dma_start3A_150, %dma_start3A_151, %dma_start3A_152] : memref<8x200x32xf32, #tpu.memory_space<vmem>> -> memref<1x104x32xf32, #tpu.memory_space<vmem>>
    %dma_start3A_154 = tpu.memref_squeeze %dma_start3A_153 : memref<1x104x32xf32, #tpu.memory_space<vmem>> -> memref<104x32xf32, #tpu.memory_space<vmem>>
    %dma_start3A_155 = arith.constant 0 : i32
    %dma_start3A_156 = tpu.memref_slice %arg7[%dma_start3A_149, %dma_start3A_155] : memref<128x200xi32, #tpu.memory_space<vmem>> -> memref<1x104xi32, #tpu.memory_space<vmem>>
    %dma_start3A_157 = tpu.memref_squeeze %dma_start3A_156 : memref<1x104xi32, #tpu.memory_space<vmem>> -> memref<104xi32, #tpu.memory_space<vmem>>
    %dma_start3A_158 = arith.constant 0 : i32
    %dma_start3A_159 = arith.constant 0 : i32
    %dma_start3A_160 = tpu.memref_slice %arg3[%dma_start3A_158, %dma_start3A_159] : memref<100000x32xf32, #tpu.memory_space<hbm>> -> memref<100000x32xf32, #tpu.memory_space<hbm>>
    tpu.enqueue_indirect_dma source(%dma_start3A_160 : memref<100000x32xf32, #tpu.memory_space<hbm>>) target(%dma_start3A_154 : memref<104x32xf32, #tpu.memory_space<vmem>>) offsets(%dma_start3A_157 : memref<104xi32, #tpu.memory_space<vmem>>) semaphore(%arg18 : memref<!tpu.dma_semaphore, #tpu.memory_space<semaphore_mem>>)
    %dma_start3A_161 = arith.constant 6 : i32
    %dma_start3A_162 = arith.constant 6 : i32
    %dma_start3A_163 = arith.constant 104 : i32
    %dma_start3A_164 = arith.constant 0 : i32
    %dma_start3A_165 = tpu.memref_slice %arg8[%dma_start3A_162, %dma_start3A_163, %dma_start3A_164] : memref<8x200x32xf32, #tpu.memory_space<vmem>> -> memref<1x96x32xf32, #tpu.memory_space<vmem>>
    %dma_start3A_166 = tpu.memref_squeeze %dma_start3A_165 : memref<1x96x32xf32, #tpu.memory_space<vmem>> -> memref<96x32xf32, #tpu.memory_space<vmem>>
    %dma_start3A_167 = arith.constant 104 : i32
    %dma_start3A_168 = tpu.memref_slice %arg7[%dma_start3A_161, %dma_start3A_167] : memref<128x200xi32, #tpu.memory_space<vmem>> -> memref<1x96xi32, #tpu.memory_space<vmem>>
    %dma_start3A_169 = tpu.memref_squeeze %dma_start3A_168 : memref<1x96xi32, #tpu.memory_space<vmem>> -> memref<96xi32, #tpu.memory_space<vmem>>
    %dma_start3A_170 = arith.constant 0 : i32
    %dma_start3A_171 = arith.constant 0 : i32
    %dma_start3A_172 = tpu.memref_slice %arg3[%dma_start3A_170, %dma_start3A_171] : memref<100000x32xf32, #tpu.memory_space<hbm>> -> memref<100000x32xf32, #tpu.memory_space<hbm>>
    tpu.enqueue_indirect_dma source(%dma_start3A_172 : memref<100000x32xf32, #tpu.memory_space<hbm>>) target(%dma_start3A_166 : memref<96x32xf32, #tpu.memory_space<vmem>>) offsets(%dma_start3A_169 : memref<96xi32, #tpu.memory_space<vmem>>) semaphore(%arg18 : memref<!tpu.dma_semaphore, #tpu.memory_space<semaphore_mem>>)
    %dma_start3A_173 = arith.constant 7 : i32
    %dma_start3A_174 = arith.constant 7 : i32
    %dma_start3A_175 = arith.constant 0 : i32
    %dma_start3A_176 = arith.constant 0 : i32
    %dma_start3A_177 = tpu.memref_slice %arg8[%dma_start3A_174, %dma_start3A_175, %dma_start3A_176] : memref<8x200x32xf32, #tpu.memory_space<vmem>> -> memref<1x104x32xf32, #tpu.memory_space<vmem>>
    %dma_start3A_178 = tpu.memref_squeeze %dma_start3A_177 : memref<1x104x32xf32, #tpu.memory_space<vmem>> -> memref<104x32xf32, #tpu.memory_space<vmem>>
    %dma_start3A_179 = arith.constant 0 : i32
    %dma_start3A_180 = tpu.memref_slice %arg7[%dma_start3A_173, %dma_start3A_179] : memref<128x200xi32, #tpu.memory_space<vmem>> -> memref<1x104xi32, #tpu.memory_space<vmem>>
    %dma_start3A_181 = tpu.memref_squeeze %dma_start3A_180 : memref<1x104xi32, #tpu.memory_space<vmem>> -> memref<104xi32, #tpu.memory_space<vmem>>
    %dma_start3A_182 = arith.constant 0 : i32
    %dma_start3A_183 = arith.constant 0 : i32
    %dma_start3A_184 = tpu.memref_slice %arg3[%dma_start3A_182, %dma_start3A_183] : memref<100000x32xf32, #tpu.memory_space<hbm>> -> memref<100000x32xf32, #tpu.memory_space<hbm>>
    tpu.enqueue_indirect_dma source(%dma_start3A_184 : memref<100000x32xf32, #tpu.memory_space<hbm>>) target(%dma_start3A_178 : memref<104x32xf32, #tpu.memory_space<vmem>>) offsets(%dma_start3A_181 : memref<104xi32, #tpu.memory_space<vmem>>) semaphore(%arg19 : memref<!tpu.dma_semaphore, #tpu.memory_space<semaphore_mem>>)
    %dma_start3A_185 = arith.constant 7 : i32
    %dma_start3A_186 = arith.constant 7 : i32
    %dma_start3A_187 = arith.constant 104 : i32
    %dma_start3A_188 = arith.constant 0 : i32
    %dma_start3A_189 = tpu.memref_slice %arg8[%dma_start3A_186, %dma_start3A_187, %dma_start3A_188] : memref<8x200x32xf32, #tpu.memory_space<vmem>> -> memref<1x96x32xf32, #tpu.memory_space<vmem>>
    %dma_start3A_190 = tpu.memref_squeeze %dma_start3A_189 : memref<1x96x32xf32, #tpu.memory_space<vmem>> -> memref<96x32xf32, #tpu.memory_space<vmem>>
    %dma_start3A_191 = arith.constant 104 : i32
    %dma_start3A_192 = tpu.memref_slice %arg7[%dma_start3A_185, %dma_start3A_191] : memref<128x200xi32, #tpu.memory_space<vmem>> -> memref<1x96xi32, #tpu.memory_space<vmem>>
    %dma_start3A_193 = tpu.memref_squeeze %dma_start3A_192 : memref<1x96xi32, #tpu.memory_space<vmem>> -> memref<96xi32, #tpu.memory_space<vmem>>
    %dma_start3A_194 = arith.constant 0 : i32
    %dma_start3A_195 = arith.constant 0 : i32
    %dma_start3A_196 = tpu.memref_slice %arg3[%dma_start3A_194, %dma_start3A_195] : memref<100000x32xf32, #tpu.memory_space<hbm>> -> memref<100000x32xf32, #tpu.memory_space<hbm>>
    tpu.enqueue_indirect_dma source(%dma_start3A_196 : memref<100000x32xf32, #tpu.memory_space<hbm>>) target(%dma_start3A_190 : memref<96x32xf32, #tpu.memory_space<vmem>>) offsets(%dma_start3A_193 : memref<96xi32, #tpu.memory_space<vmem>>) semaphore(%arg19 : memref<!tpu.dma_semaphore, #tpu.memory_space<semaphore_mem>>)
    %scan3A = arith.constant 0 : i32
    %scan3A_197 = arith.constant 0 : i32
    %scan3A_198 = arith.constant 16 : i32
    %scan3A_199 = arith.addi %scan3A_197, %scan3A_198 : i32
    %scan3A_200 = arith.constant 1 : i32
    %scan3A_201 = scf.for %scan3A_203 = %scan3A_197 to %scan3A_199 step %scan3A_200 iter_args(%scan3A_204 = %scan3A) -> (i32)  : i32 {
      %mul3A_205 = arith.constant 8 : i32
      %mul3A_206 = arith.muli %mul3A_205, %scan3A_203 : i32
      %dma_wait3A = arith.constant 0 : i32
      %dma_wait3A_207 = arith.constant 0 : i32
      %dma_wait3A_208 = arith.constant 0 : i32
      %dma_wait3A_209 = tpu.memref_slice %arg8[%dma_wait3A, %dma_wait3A_207, %dma_wait3A_208] : memref<8x200x32xf32, #tpu.memory_space<vmem>> -> memref<1x200x32xf32, #tpu.memory_space<vmem>>
      %dma_wait3A_210 = tpu.memref_squeeze %dma_wait3A_209 : memref<1x200x32xf32, #tpu.memory_space<vmem>> -> memref<200x32xf32, #tpu.memory_space<vmem>>
      %dma_wait3A_211 = arith.constant 0 : i32
      %dma_wait3A_212 = arith.constant 0 : i32
      %dma_wait3A_213 = tpu.memref_slice %arg3[%dma_wait3A_211, %dma_wait3A_212] : memref<100000x32xf32, #tpu.memory_space<hbm>> -> memref<200x32xf32, #tpu.memory_space<hbm>>
      %dma_wait3A_214 = arith.constant 0 : i32
      %dma_wait3A_215 = arith.constant 0 : i32
      %dma_wait3A_216 = tpu.memref_slice %arg8[%dma_wait3A, %dma_wait3A_214, %dma_wait3A_215] : memref<8x200x32xf32, #tpu.memory_space<vmem>> -> memref<1x200x32xf32, #tpu.memory_space<vmem>>
      %dma_wait3A_217 = tpu.memref_squeeze %dma_wait3A_216 : memref<1x200x32xf32, #tpu.memory_space<vmem>> -> memref<200x32xf32, #tpu.memory_space<vmem>>
      %dma_wait3A_218 = arith.constant 0 : i32
      %dma_wait3A_219 = arith.constant 0 : i32
      %dma_wait3A_220 = tpu.memref_slice %arg3[%dma_wait3A_218, %dma_wait3A_219] : memref<100000x32xf32, #tpu.memory_space<hbm>> -> memref<200x32xf32, #tpu.memory_space<hbm>>
      tpu.wait_dma2 semaphore(%arg12 : memref<!tpu.dma_semaphore, #tpu.memory_space<semaphore_mem>>) src(%dma_wait3A_220 : memref<200x32xf32, #tpu.memory_space<hbm>>) dst(%dma_wait3A_217 : memref<200x32xf32, #tpu.memory_space<vmem>>)
      %add3A_221 = arith.constant 0 : i32
      %add3A_222 = arith.addi %mul3A_206, %add3A_221 : i32
      %broadcast_in_dim3A = arith.constant 0.000000e+00 : f32
      %broadcast_in_dim3A_223 = vector.broadcast %broadcast_in_dim3A : f32 to vector<16xf32>
      %scan3A_224 = arith.constant 0 : i32
      %scan3A_225 = arith.constant 25 : i32
      %scan3A_226 = arith.addi %scan3A_224, %scan3A_225 : i32
      %scan3A_227 = arith.constant 1 : i32
      %scan3A_228:8 = scf.for %scan3A_923 = %scan3A_224 to %scan3A_226 step %scan3A_227 iter_args(%scan3A_924 = %broadcast_in_dim3A_223, %scan3A_925 = %broadcast_in_dim3A_223, %scan3A_926 = %broadcast_in_dim3A_223, %scan3A_927 = %broadcast_in_dim3A_223, %scan3A_928 = %broadcast_in_dim3A_223, %scan3A_929 = %broadcast_in_dim3A_223, %scan3A_930 = %broadcast_in_dim3A_223, %scan3A_931 = %broadcast_in_dim3A_223) -> (vector<16xf32>, vector<16xf32>, vector<16xf32>, vector<16xf32>, vector<16xf32>, vector<16xf32>, vector<16xf32>, vector<16xf32>)  : i32 {
        %mul3A_932 = arith.constant 8 : i32
        %mul3A_933 = arith.muli %scan3A_923, %mul3A_932 : i32
        %add3A_934 = arith.constant 0 : i32
        %add3A_935 = arith.addi %mul3A_933, %add3A_934 : i32
        %get3A_936 = arith.constant 0 : i32
        %get3A_937 = arith.index_cast %get3A_936 : i32 to index
        %get3A_938 = arith.index_cast %add3A_935 : i32 to index
        %get3A_939 = arith.constant 0 : index
        %get3A_940 = tpu.vector_load %arg8[%get3A_937, %get3A_938, %get3A_939] {strides = array<i32>} : memref<8x200x32xf32, #tpu.memory_space<vmem>>, vector<16xf32>,
        %add3A_941 = arith.addf %scan3A_924, %get3A_940 : vector<16xf32>
        %get3A_942 = arith.constant 0 : i32
        %get3A_943 = arith.index_cast %get3A_942 : i32 to index
        %get3A_944 = arith.index_cast %add3A_935 : i32 to index
        %get3A_945 = arith.constant 16 : index
        %get3A_946 = tpu.vector_load %arg8[%get3A_943, %get3A_944, %get3A_945] {strides = array<i32>} : memref<8x200x32xf32, #tpu.memory_space<vmem>>, vector<16xf32>,
        %add3A_947 = arith.addf %scan3A_928, %get3A_946 : vector<16xf32>
        %mul3A_948 = arith.constant 8 : i32
        %mul3A_949 = arith.muli %scan3A_923, %mul3A_948 : i32
        %add3A_950 = arith.constant 1 : i32
        %add3A_951 = arith.addi %mul3A_949, %add3A_950 : i32
        %get3A_952 = arith.constant 0 : i32
        %get3A_953 = arith.index_cast %get3A_952 : i32 to index
        %get3A_954 = arith.index_cast %add3A_951 : i32 to index
        %get3A_955 = arith.constant 0 : index
        %get3A_956 = tpu.vector_load %arg8[%get3A_953, %get3A_954, %get3A_955] {strides = array<i32>} : memref<8x200x32xf32, #tpu.memory_space<vmem>>, vector<16xf32>,
        %add3A_957 = arith.addf %scan3A_925, %get3A_956 : vector<16xf32>
        %get3A_958 = arith.constant 0 : i32
        %get3A_959 = arith.index_cast %get3A_958 : i32 to index
        %get3A_960 = arith.index_cast %add3A_951 : i32 to index
        %get3A_961 = arith.constant 16 : index
        %get3A_962 = tpu.vector_load %arg8[%get3A_959, %get3A_960, %get3A_961] {strides = array<i32>} : memref<8x200x32xf32, #tpu.memory_space<vmem>>, vector<16xf32>,
        %add3A_963 = arith.addf %scan3A_929, %get3A_962 : vector<16xf32>
        %mul3A_964 = arith.constant 8 : i32
        %mul3A_965 = arith.muli %scan3A_923, %mul3A_964 : i32
        %add3A_966 = arith.constant 2 : i32
        %add3A_967 = arith.addi %mul3A_965, %add3A_966 : i32
        %get3A_968 = arith.constant 0 : i32
        %get3A_969 = arith.index_cast %get3A_968 : i32 to index
        %get3A_970 = arith.index_cast %add3A_967 : i32 to index
        %get3A_971 = arith.constant 0 : index
        %get3A_972 = tpu.vector_load %arg8[%get3A_969, %get3A_970, %get3A_971] {strides = array<i32>} : memref<8x200x32xf32, #tpu.memory_space<vmem>>, vector<16xf32>,
        %add3A_973 = arith.addf %scan3A_926, %get3A_972 : vector<16xf32>
        %get3A_974 = arith.constant 0 : i32
        %get3A_975 = arith.index_cast %get3A_974 : i32 to index
        %get3A_976 = arith.index_cast %add3A_967 : i32 to index
        %get3A_977 = arith.constant 16 : index
        %get3A_978 = tpu.vector_load %arg8[%get3A_975, %get3A_976, %get3A_977] {strides = array<i32>} : memref<8x200x32xf32, #tpu.memory_space<vmem>>, vector<16xf32>,
        %add3A_979 = arith.addf %scan3A_930, %get3A_978 : vector<16xf32>
        %mul3A_980 = arith.constant 8 : i32
        %mul3A_981 = arith.muli %scan3A_923, %mul3A_980 : i32
        %add3A_982 = arith.constant 3 : i32
        %add3A_983 = arith.addi %mul3A_981, %add3A_982 : i32
        %get3A_984 = arith.constant 0 : i32
        %get3A_985 = arith.index_cast %get3A_984 : i32 to index
        %get3A_986 = arith.index_cast %add3A_983 : i32 to index
        %get3A_987 = arith.constant 0 : index
        %get3A_988 = tpu.vector_load %arg8[%get3A_985, %get3A_986, %get3A_987] {strides = array<i32>} : memref<8x200x32xf32, #tpu.memory_space<vmem>>, vector<16xf32>,
        %add3A_989 = arith.addf %scan3A_927, %get3A_988 : vector<16xf32>
        %get3A_990 = arith.constant 0 : i32
        %get3A_991 = arith.index_cast %get3A_990 : i32 to index
        %get3A_992 = arith.index_cast %add3A_983 : i32 to index
        %get3A_993 = arith.constant 16 : index
        %get3A_994 = tpu.vector_load %arg8[%get3A_991, %get3A_992, %get3A_993] {strides = array<i32>} : memref<8x200x32xf32, #tpu.memory_space<vmem>>, vector<16xf32>,
        %add3A_995 = arith.addf %scan3A_931, %get3A_994 : vector<16xf32>
        %mul3A_996 = arith.constant 8 : i32
        %mul3A_997 = arith.muli %scan3A_923, %mul3A_996 : i32
        %add3A_998 = arith.constant 4 : i32
        %add3A_999 = arith.addi %mul3A_997, %add3A_998 : i32
        %get3A_1000 = arith.constant 0 : i32
        %get3A_1001 = arith.index_cast %get3A_1000 : i32 to index
        %get3A_1002 = arith.index_cast %add3A_999 : i32 to index
        %get3A_1003 = arith.constant 0 : index
        %get3A_1004 = tpu.vector_load %arg8[%get3A_1001, %get3A_1002, %get3A_1003] {strides = array<i32>} : memref<8x200x32xf32, #tpu.memory_space<vmem>>, vector<16xf32>,
        %add3A_1005 = arith.addf %add3A_941, %get3A_1004 : vector<16xf32>
        %get3A_1006 = arith.constant 0 : i32
        %get3A_1007 = arith.index_cast %get3A_1006 : i32 to index
        %get3A_1008 = arith.index_cast %add3A_999 : i32 to index
        %get3A_1009 = arith.constant 16 : index
        %get3A_1010 = tpu.vector_load %arg8[%get3A_1007, %get3A_1008, %get3A_1009] {strides = array<i32>} : memref<8x200x32xf32, #tpu.memory_space<vmem>>, vector<16xf32>,
        %add3A_1011 = arith.addf %add3A_947, %get3A_1010 : vector<16xf32>
        %mul3A_1012 = arith.constant 8 : i32
        %mul3A_1013 = arith.muli %scan3A_923, %mul3A_1012 : i32
        %add3A_1014 = arith.constant 5 : i32
        %add3A_1015 = arith.addi %mul3A_1013, %add3A_1014 : i32
        %get3A_1016 = arith.constant 0 : i32
        %get3A_1017 = arith.index_cast %get3A_1016 : i32 to index
        %get3A_1018 = arith.index_cast %add3A_1015 : i32 to index
        %get3A_1019 = arith.constant 0 : index
        %get3A_1020 = tpu.vector_load %arg8[%get3A_1017, %get3A_1018, %get3A_1019] {strides = array<i32>} : memref<8x200x32xf32, #tpu.memory_space<vmem>>, vector<16xf32>,
        %add3A_1021 = arith.addf %add3A_957, %get3A_1020 : vector<16xf32>
        %get3A_1022 = arith.constant 0 : i32
        %get3A_1023 = arith.index_cast %get3A_1022 : i32 to index
        %get3A_1024 = arith.index_cast %add3A_1015 : i32 to index
        %get3A_1025 = arith.constant 16 : index
        %get3A_1026 = tpu.vector_load %arg8[%get3A_1023, %get3A_1024, %get3A_1025] {strides = array<i32>} : memref<8x200x32xf32, #tpu.memory_space<vmem>>, vector<16xf32>,
        %add3A_1027 = arith.addf %add3A_963, %get3A_1026 : vector<16xf32>
        %mul3A_1028 = arith.constant 8 : i32
        %mul3A_1029 = arith.muli %scan3A_923, %mul3A_1028 : i32
        %add3A_1030 = arith.constant 6 : i32
        %add3A_1031 = arith.addi %mul3A_1029, %add3A_1030 : i32
        %get3A_1032 = arith.constant 0 : i32
        %get3A_1033 = arith.index_cast %get3A_1032 : i32 to index
        %get3A_1034 = arith.index_cast %add3A_1031 : i32 to index
        %get3A_1035 = arith.constant 0 : index
        %get3A_1036 = tpu.vector_load %arg8[%get3A_1033, %get3A_1034, %get3A_1035] {strides = array<i32>} : memref<8x200x32xf32, #tpu.memory_space<vmem>>, vector<16xf32>,
        %add3A_1037 = arith.addf %add3A_973, %get3A_1036 : vector<16xf32>
        %get3A_1038 = arith.constant 0 : i32
        %get3A_1039 = arith.index_cast %get3A_1038 : i32 to index
        %get3A_1040 = arith.index_cast %add3A_1031 : i32 to index
        %get3A_1041 = arith.constant 16 : index
        %get3A_1042 = tpu.vector_load %arg8[%get3A_1039, %get3A_1040, %get3A_1041] {strides = array<i32>} : memref<8x200x32xf32, #tpu.memory_space<vmem>>, vector<16xf32>,
        %add3A_1043 = arith.addf %add3A_979, %get3A_1042 : vector<16xf32>
        %mul3A_1044 = arith.constant 8 : i32
        %mul3A_1045 = arith.muli %scan3A_923, %mul3A_1044 : i32
        %add3A_1046 = arith.constant 7 : i32
        %add3A_1047 = arith.addi %mul3A_1045, %add3A_1046 : i32
        %get3A_1048 = arith.constant 0 : i32
        %get3A_1049 = arith.index_cast %get3A_1048 : i32 to index
        %get3A_1050 = arith.index_cast %add3A_1047 : i32 to index
        %get3A_1051 = arith.constant 0 : index
        %get3A_1052 = tpu.vector_load %arg8[%get3A_1049, %get3A_1050, %get3A_1051] {strides = array<i32>} : memref<8x200x32xf32, #tpu.memory_space<vmem>>, vector<16xf32>,
        %add3A_1053 = arith.addf %add3A_989, %get3A_1052 : vector<16xf32>
        %get3A_1054 = arith.constant 0 : i32
        %get3A_1055 = arith.index_cast %get3A_1054 : i32 to index
        %get3A_1056 = arith.index_cast %add3A_1047 : i32 to index
        %get3A_1057 = arith.constant 16 : index
        %get3A_1058 = tpu.vector_load %arg8[%get3A_1055, %get3A_1056, %get3A_1057] {strides = array<i32>} : memref<8x200x32xf32, #tpu.memory_space<vmem>>, vector<16xf32>,
        %add3A_1059 = arith.addf %add3A_995, %get3A_1058 : vector<16xf32>
        scf.yield %add3A_1005, %add3A_1021, %add3A_1037, %add3A_1053, %add3A_1011, %add3A_1027, %add3A_1043, %add3A_1059 : vector<16xf32>, vector<16xf32>, vector<16xf32>, vector<16xf32>, vector<16xf32>, vector<16xf32>, vector<16xf32>, vector<16xf32>
      }
      %scan3A_229 = arith.constant 25 : i32
      %add3A_230 = arith.addf %scan3A_228#0, %scan3A_228#1 : vector<16xf32>
      %add3A_231 = arith.addf %scan3A_228#2, %scan3A_228#3 : vector<16xf32>
      %add3A_232 = arith.addf %add3A_230, %add3A_231 : vector<16xf32>
      %mul3A_233 = arith.constant 5.000000e-03 : f32
      %mul3A_234 = vector.broadcast %mul3A_233 : f32 to vector<16xf32>
      %mul3A_235 = arith.mulf %add3A_232, %mul3A_234 : vector<16xf32>
      %add3A_236 = arith.addf %scan3A_228#4, %scan3A_228#5 : vector<16xf32>
      %add3A_237 = arith.addf %scan3A_228#6, %scan3A_228#7 : vector<16xf32>
      %add3A_238 = arith.addf %add3A_236, %add3A_237 : vector<16xf32>
      %mul3A_239 = arith.constant 5.000000e-03 : f32
      %mul3A_240 = vector.broadcast %mul3A_239 : f32 to vector<16xf32>
      %mul3A_241 = arith.mulf %add3A_238, %mul3A_240 : vector<16xf32>
      %add3A_242 = arith.addf %mul3A_235, %get3A_3 : vector<16xf32>
      %add3A_243 = arith.addf %mul3A_241, %get3A_5 : vector<16xf32>
      %reduce_max3A = arith.constant true
      %reduce_max3A_244 = vector.broadcast %reduce_max3A : i1 to vector<16xi1>
      %reduce_max3A_245 = tpu.scan <max>, %add3A_242 masked %reduce_max3A_244 : vector<16xf32>, vector<16xi1> -> vector<16xf32>
      %reduce_max3A_246 = vector.extract %reduce_max3A_245[15] : f32 from vector<16xf32>
      %reduce_max3A_247 = arith.constant true
      %reduce_max3A_248 = vector.broadcast %reduce_max3A_247 : i1 to vector<16xi1>
      %reduce_max3A_249 = tpu.scan <max>, %add3A_243 masked %reduce_max3A_248 : vector<16xf32>, vector<16xi1> -> vector<16xf32>
      %reduce_max3A_250 = vector.extract %reduce_max3A_249[15] : f32 from vector<16xf32>
      %max3A = arith.maximumf %reduce_max3A_246, %reduce_max3A_250 : f32
      %sub3A = vector.broadcast %max3A : f32 to vector<16xf32>
      %sub3A_251 = arith.subf %add3A_242, %sub3A : vector<16xf32>
      %exp3A = math.exp %sub3A_251 : vector<16xf32>
      %sub3A_252 = vector.broadcast %max3A : f32 to vector<16xf32>
      %sub3A_253 = arith.subf %add3A_243, %sub3A_252 : vector<16xf32>
      %exp3A_254 = math.exp %sub3A_253 : vector<16xf32>
      %reduce_sum3A = arith.constant true
      %reduce_sum3A_255 = vector.broadcast %reduce_sum3A : i1 to vector<16xi1>
      %reduce_sum3A_256 = tpu.scan <sum>, %exp3A masked %reduce_sum3A_255 : vector<16xf32>, vector<16xi1> -> vector<16xf32>
      %reduce_sum3A_257 = vector.extract %reduce_sum3A_256[15] : f32 from vector<16xf32>
      %reduce_sum3A_258 = arith.constant true
      %reduce_sum3A_259 = vector.broadcast %reduce_sum3A_258 : i1 to vector<16xi1>
      %reduce_sum3A_260 = tpu.scan <sum>, %exp3A_254 masked %reduce_sum3A_259 : vector<16xf32>, vector<16xi1> -> vector<16xf32>
      %reduce_sum3A_261 = vector.extract %reduce_sum3A_260[15] : f32 from vector<16xf32>
      %add3A_262 = arith.addf %reduce_sum3A_257, %reduce_sum3A_261 : f32
      %div3A = vector.broadcast %add3A_262 : f32 to vector<16xf32>
      %div3A_263 = arith.divf %exp3A, %div3A : vector<16xf32>
      %swap3A = arith.index_cast %add3A_222 : i32 to index
      %swap3A_264 = arith.constant 0 : index
      %swap3A_265 = tpu.vector_load %arg9[%swap3A, %swap3A_264] {strides = array<i32>} : memref<128x32xf32, #tpu.memory_space<vmem>>, vector<16xf32>,
      tpu.vector_store %arg9[%swap3A, %swap3A_264], %div3A_263 {strides = array<i32>} : memref<128x32xf32, #tpu.memory_space<vmem>>, vector<16xf32>,
      %div3A_266 = vector.broadcast %add3A_262 : f32 to vector<16xf32>
      %div3A_267 = arith.divf %exp3A_254, %div3A_266 : vector<16xf32>
      %swap3A_268 = arith.index_cast %add3A_222 : i32 to index
      %swap3A_269 = arith.constant 16 : index
      %swap3A_270 = tpu.vector_load %arg9[%swap3A_268, %swap3A_269] {strides = array<i32>} : memref<128x32xf32, #tpu.memory_space<vmem>>, vector<16xf32>,
      tpu.vector_store %arg9[%swap3A_268, %swap3A_269], %div3A_267 {strides = array<i32>} : memref<128x32xf32, #tpu.memory_space<vmem>>, vector<16xf32>,
      %neg3A = arith.constant 0.000000e+00 : f32
      %neg3A_271 = vector.broadcast %neg3A : f32 to vector<16xf32>
      %neg3A_272 = arith.subf %neg3A_271, %mul3A_241 : vector<16xf32>
      %exp3A_273 = math.exp %neg3A_272 : vector<16xf32>
      %add3A_274 = arith.constant 1.000000e+00 : f32
      %add3A_275 = vector.broadcast %add3A_274 : f32 to vector<16xf32>
      %add3A_276 = arith.addf %add3A_275, %exp3A_273 : vector<16xf32>
      %div3A_277 = arith.constant 1.000000e+00 : f32
      %div3A_278 = vector.broadcast %div3A_277 : f32 to vector<16xf32>
      %div3A_279 = arith.divf %div3A_278, %add3A_276 : vector<16xf32>
      %swap3A_280 = arith.index_cast %add3A_222 : i32 to index
      %swap3A_281 = arith.constant 0 : index
      %swap3A_282 = tpu.vector_load %arg10[%swap3A_280, %swap3A_281] {strides = array<i32>} : memref<128x16xf32, #tpu.memory_space<vmem>>, vector<16xf32>,
      tpu.vector_store %arg10[%swap3A_280, %swap3A_281], %div3A_279 {strides = array<i32>} : memref<128x16xf32, #tpu.memory_space<vmem>>, vector<16xf32>,
      %lt3A = arith.constant 15 : i32
      %lt3A_283 = arith.cmpi slt, %scan3A_203, %lt3A : i32
      %convert_element_type3A = arith.extui %lt3A_283 : i1 to i32
      %cond3A = arith.constant 0 : i32
      %cond3A_284 = arith.cmpi ne, %convert_element_type3A, %cond3A : i32
      scf.if %cond3A_284 {
        %add3A_923 = arith.constant 8 : i32
        %add3A_924 = arith.addi %mul3A_206, %add3A_923 : i32
        %add3A_925 = arith.constant 0 : i32
        %add3A_926 = arith.addi %add3A_924, %add3A_925 : i32
        %dma_start3A_927 = arith.constant 0 : i32
        %dma_start3A_928 = arith.constant 0 : i32
        %dma_start3A_929 = arith.constant 0 : i32
        %dma_start3A_930 = tpu.memref_slice %arg8[%dma_start3A_927, %dma_start3A_928, %dma_start3A_929] : memref<8x200x32xf32, #tpu.memory_space<vmem>> -> memref<1x104x32xf32, #tpu.memory_space<vmem>>
        %dma_start3A_931 = tpu.memref_squeeze %dma_start3A_930 : memref<1x104x32xf32, #tpu.memory_space<vmem>> -> memref<104x32xf32, #tpu.memory_space<vmem>>
        %dma_start3A_932 = arith.constant 0 : i32
        %dma_start3A_933 = tpu.memref_slice %arg7[%add3A_926, %dma_start3A_932] : memref<128x200xi32, #tpu.memory_space<vmem>> -> memref<1x104xi32, #tpu.memory_space<vmem>>
        %dma_start3A_934 = tpu.memref_squeeze %dma_start3A_933 : memref<1x104xi32, #tpu.memory_space<vmem>> -> memref<104xi32, #tpu.memory_space<vmem>>
        %dma_start3A_935 = arith.constant 0 : i32
        %dma_start3A_936 = arith.constant 0 : i32
        %dma_start3A_937 = tpu.memref_slice %arg3[%dma_start3A_935, %dma_start3A_936] : memref<100000x32xf32, #tpu.memory_space<hbm>> -> memref<100000x32xf32, #tpu.memory_space<hbm>>
        tpu.enqueue_indirect_dma source(%dma_start3A_937 : memref<100000x32xf32, #tpu.memory_space<hbm>>) target(%dma_start3A_931 : memref<104x32xf32, #tpu.memory_space<vmem>>) offsets(%dma_start3A_934 : memref<104xi32, #tpu.memory_space<vmem>>) semaphore(%arg12 : memref<!tpu.dma_semaphore, #tpu.memory_space<semaphore_mem>>)
        %dma_start3A_938 = arith.constant 0 : i32
        %dma_start3A_939 = arith.constant 104 : i32
        %dma_start3A_940 = arith.constant 0 : i32
        %dma_start3A_941 = tpu.memref_slice %arg8[%dma_start3A_938, %dma_start3A_939, %dma_start3A_940] : memref<8x200x32xf32, #tpu.memory_space<vmem>> -> memref<1x96x32xf32, #tpu.memory_space<vmem>>
        %dma_start3A_942 = tpu.memref_squeeze %dma_start3A_941 : memref<1x96x32xf32, #tpu.memory_space<vmem>> -> memref<96x32xf32, #tpu.memory_space<vmem>>
        %dma_start3A_943 = arith.constant 104 : i32
        %dma_start3A_944 = tpu.memref_slice %arg7[%add3A_926, %dma_start3A_943] : memref<128x200xi32, #tpu.memory_space<vmem>> -> memref<1x96xi32, #tpu.memory_space<vmem>>
        %dma_start3A_945 = tpu.memref_squeeze %dma_start3A_944 : memref<1x96xi32, #tpu.memory_space<vmem>> -> memref<96xi32, #tpu.memory_space<vmem>>
        %dma_start3A_946 = arith.constant 0 : i32
        %dma_start3A_947 = arith.constant 0 : i32
        %dma_start3A_948 = tpu.memref_slice %arg3[%dma_start3A_946, %dma_start3A_947] : memref<100000x32xf32, #tpu.memory_space<hbm>> -> memref<100000x32xf32, #tpu.memory_space<hbm>>
        tpu.enqueue_indirect_dma source(%dma_start3A_948 : memref<100000x32xf32, #tpu.memory_space<hbm>>) target(%dma_start3A_942 : memref<96x32xf32, #tpu.memory_space<vmem>>) offsets(%dma_start3A_945 : memref<96xi32, #tpu.memory_space<vmem>>) semaphore(%arg12 : memref<!tpu.dma_semaphore, #tpu.memory_space<semaphore_mem>>)
      } else {
      }
      %dma_wait3A_285 = arith.constant 1 : i32
      %dma_wait3A_286 = arith.constant 0 : i32
      %dma_wait3A_287 = arith.constant 0 : i32
      %dma_wait3A_288 = tpu.memref_slice %arg8[%dma_wait3A_285, %dma_wait3A_286, %dma_wait3A_287] : memref<8x200x32xf32, #tpu.memory_space<vmem>> -> memref<1x200x32xf32, #tpu.memory_space<vmem>>
      %dma_wait3A_289 = tpu.memref_squeeze %dma_wait3A_288 : memref<1x200x32xf32, #tpu.memory_space<vmem>> -> memref<200x32xf32, #tpu.memory_space<vmem>>
      %dma_wait3A_290 = arith.constant 0 : i32
      %dma_wait3A_291 = arith.constant 0 : i32
      %dma_wait3A_292 = tpu.memref_slice %arg3[%dma_wait3A_290, %dma_wait3A_291] : memref<100000x32xf32, #tpu.memory_space<hbm>> -> memref<200x32xf32, #tpu.memory_space<hbm>>
      %dma_wait3A_293 = arith.constant 0 : i32
      %dma_wait3A_294 = arith.constant 0 : i32
      %dma_wait3A_295 = tpu.memref_slice %arg8[%dma_wait3A_285, %dma_wait3A_293, %dma_wait3A_294] : memref<8x200x32xf32, #tpu.memory_space<vmem>> -> memref<1x200x32xf32, #tpu.memory_space<vmem>>
      %dma_wait3A_296 = tpu.memref_squeeze %dma_wait3A_295 : memref<1x200x32xf32, #tpu.memory_space<vmem>> -> memref<200x32xf32, #tpu.memory_space<vmem>>
      %dma_wait3A_297 = arith.constant 0 : i32
      %dma_wait3A_298 = arith.constant 0 : i32
      %dma_wait3A_299 = tpu.memref_slice %arg3[%dma_wait3A_297, %dma_wait3A_298] : memref<100000x32xf32, #tpu.memory_space<hbm>> -> memref<200x32xf32, #tpu.memory_space<hbm>>
      tpu.wait_dma2 semaphore(%arg13 : memref<!tpu.dma_semaphore, #tpu.memory_space<semaphore_mem>>) src(%dma_wait3A_299 : memref<200x32xf32, #tpu.memory_space<hbm>>) dst(%dma_wait3A_296 : memref<200x32xf32, #tpu.memory_space<vmem>>)
      %add3A_300 = arith.constant 1 : i32
      %add3A_301 = arith.addi %mul3A_206, %add3A_300 : i32
      %broadcast_in_dim3A_302 = arith.constant 0.000000e+00 : f32
      %broadcast_in_dim3A_303 = vector.broadcast %broadcast_in_dim3A_302 : f32 to vector<16xf32>
      %scan3A_304 = arith.constant 0 : i32
      %scan3A_305 = arith.constant 25 : i32
      %scan3A_306 = arith.addi %scan3A_304, %scan3A_305 : i32
      %scan3A_307 = arith.constant 1 : i32
      %scan3A_308:8 = scf.for %scan3A_923 = %scan3A_304 to %scan3A_306 step %scan3A_307 iter_args(%scan3A_924 = %broadcast_in_dim3A_303, %scan3A_925 = %broadcast_in_dim3A_303, %scan3A_926 = %broadcast_in_dim3A_303, %scan3A_927 = %broadcast_in_dim3A_303, %scan3A_928 = %broadcast_in_dim3A_303, %scan3A_929 = %broadcast_in_dim3A_303, %scan3A_930 = %broadcast_in_dim3A_303, %scan3A_931 = %broadcast_in_dim3A_303) -> (vector<16xf32>, vector<16xf32>, vector<16xf32>, vector<16xf32>, vector<16xf32>, vector<16xf32>, vector<16xf32>, vector<16xf32>)  : i32 {
        %mul3A_932 = arith.constant 8 : i32
        %mul3A_933 = arith.muli %scan3A_923, %mul3A_932 : i32
        %add3A_934 = arith.constant 0 : i32
        %add3A_935 = arith.addi %mul3A_933, %add3A_934 : i32
        %get3A_936 = arith.constant 1 : i32
        %get3A_937 = arith.index_cast %get3A_936 : i32 to index
        %get3A_938 = arith.index_cast %add3A_935 : i32 to index
        %get3A_939 = arith.constant 0 : index
        %get3A_940 = tpu.vector_load %arg8[%get3A_937, %get3A_938, %get3A_939] {strides = array<i32>} : memref<8x200x32xf32, #tpu.memory_space<vmem>>, vector<16xf32>,
        %add3A_941 = arith.addf %scan3A_924, %get3A_940 : vector<16xf32>
        %get3A_942 = arith.constant 1 : i32
        %get3A_943 = arith.index_cast %get3A_942 : i32 to index
        %get3A_944 = arith.index_cast %add3A_935 : i32 to index
        %get3A_945 = arith.constant 16 : index
        %get3A_946 = tpu.vector_load %arg8[%get3A_943, %get3A_944, %get3A_945] {strides = array<i32>} : memref<8x200x32xf32, #tpu.memory_space<vmem>>, vector<16xf32>,
        %add3A_947 = arith.addf %scan3A_928, %get3A_946 : vector<16xf32>
        %mul3A_948 = arith.constant 8 : i32
        %mul3A_949 = arith.muli %scan3A_923, %mul3A_948 : i32
        %add3A_950 = arith.constant 1 : i32
        %add3A_951 = arith.addi %mul3A_949, %add3A_950 : i32
        %get3A_952 = arith.constant 1 : i32
        %get3A_953 = arith.index_cast %get3A_952 : i32 to index
        %get3A_954 = arith.index_cast %add3A_951 : i32 to index
        %get3A_955 = arith.constant 0 : index
        %get3A_956 = tpu.vector_load %arg8[%get3A_953, %get3A_954, %get3A_955] {strides = array<i32>} : memref<8x200x32xf32, #tpu.memory_space<vmem>>, vector<16xf32>,
        %add3A_957 = arith.addf %scan3A_925, %get3A_956 : vector<16xf32>
        %get3A_958 = arith.constant 1 : i32
        %get3A_959 = arith.index_cast %get3A_958 : i32 to index
        %get3A_960 = arith.index_cast %add3A_951 : i32 to index
        %get3A_961 = arith.constant 16 : index
        %get3A_962 = tpu.vector_load %arg8[%get3A_959, %get3A_960, %get3A_961] {strides = array<i32>} : memref<8x200x32xf32, #tpu.memory_space<vmem>>, vector<16xf32>,
        %add3A_963 = arith.addf %scan3A_929, %get3A_962 : vector<16xf32>
        %mul3A_964 = arith.constant 8 : i32
        %mul3A_965 = arith.muli %scan3A_923, %mul3A_964 : i32
        %add3A_966 = arith.constant 2 : i32
        %add3A_967 = arith.addi %mul3A_965, %add3A_966 : i32
        %get3A_968 = arith.constant 1 : i32
        %get3A_969 = arith.index_cast %get3A_968 : i32 to index
        %get3A_970 = arith.index_cast %add3A_967 : i32 to index
        %get3A_971 = arith.constant 0 : index
        %get3A_972 = tpu.vector_load %arg8[%get3A_969, %get3A_970, %get3A_971] {strides = array<i32>} : memref<8x200x32xf32, #tpu.memory_space<vmem>>, vector<16xf32>,
        %add3A_973 = arith.addf %scan3A_926, %get3A_972 : vector<16xf32>
        %get3A_974 = arith.constant 1 : i32
        %get3A_975 = arith.index_cast %get3A_974 : i32 to index
        %get3A_976 = arith.index_cast %add3A_967 : i32 to index
        %get3A_977 = arith.constant 16 : index
        %get3A_978 = tpu.vector_load %arg8[%get3A_975, %get3A_976, %get3A_977] {strides = array<i32>} : memref<8x200x32xf32, #tpu.memory_space<vmem>>, vector<16xf32>,
        %add3A_979 = arith.addf %scan3A_930, %get3A_978 : vector<16xf32>
        %mul3A_980 = arith.constant 8 : i32
        %mul3A_981 = arith.muli %scan3A_923, %mul3A_980 : i32
        %add3A_982 = arith.constant 3 : i32
        %add3A_983 = arith.addi %mul3A_981, %add3A_982 : i32
        %get3A_984 = arith.constant 1 : i32
        %get3A_985 = arith.index_cast %get3A_984 : i32 to index
        %get3A_986 = arith.index_cast %add3A_983 : i32 to index
        %get3A_987 = arith.constant 0 : index
        %get3A_988 = tpu.vector_load %arg8[%get3A_985, %get3A_986, %get3A_987] {strides = array<i32>} : memref<8x200x32xf32, #tpu.memory_space<vmem>>, vector<16xf32>,
        %add3A_989 = arith.addf %scan3A_927, %get3A_988 : vector<16xf32>
        %get3A_990 = arith.constant 1 : i32
        %get3A_991 = arith.index_cast %get3A_990 : i32 to index
        %get3A_992 = arith.index_cast %add3A_983 : i32 to index
        %get3A_993 = arith.constant 16 : index
        %get3A_994 = tpu.vector_load %arg8[%get3A_991, %get3A_992, %get3A_993] {strides = array<i32>} : memref<8x200x32xf32, #tpu.memory_space<vmem>>, vector<16xf32>,
        %add3A_995 = arith.addf %scan3A_931, %get3A_994 : vector<16xf32>
        %mul3A_996 = arith.constant 8 : i32
        %mul3A_997 = arith.muli %scan3A_923, %mul3A_996 : i32
        %add3A_998 = arith.constant 4 : i32
        %add3A_999 = arith.addi %mul3A_997, %add3A_998 : i32
        %get3A_1000 = arith.constant 1 : i32
        %get3A_1001 = arith.index_cast %get3A_1000 : i32 to index
        %get3A_1002 = arith.index_cast %add3A_999 : i32 to index
        %get3A_1003 = arith.constant 0 : index
        %get3A_1004 = tpu.vector_load %arg8[%get3A_1001, %get3A_1002, %get3A_1003] {strides = array<i32>} : memref<8x200x32xf32, #tpu.memory_space<vmem>>, vector<16xf32>,
        %add3A_1005 = arith.addf %add3A_941, %get3A_1004 : vector<16xf32>
        %get3A_1006 = arith.constant 1 : i32
        %get3A_1007 = arith.index_cast %get3A_1006 : i32 to index
        %get3A_1008 = arith.index_cast %add3A_999 : i32 to index
        %get3A_1009 = arith.constant 16 : index
        %get3A_1010 = tpu.vector_load %arg8[%get3A_1007, %get3A_1008, %get3A_1009] {strides = array<i32>} : memref<8x200x32xf32, #tpu.memory_space<vmem>>, vector<16xf32>,
        %add3A_1011 = arith.addf %add3A_947, %get3A_1010 : vector<16xf32>
        %mul3A_1012 = arith.constant 8 : i32
        %mul3A_1013 = arith.muli %scan3A_923, %mul3A_1012 : i32
        %add3A_1014 = arith.constant 5 : i32
        %add3A_1015 = arith.addi %mul3A_1013, %add3A_1014 : i32
        %get3A_1016 = arith.constant 1 : i32
        %get3A_1017 = arith.index_cast %get3A_1016 : i32 to index
        %get3A_1018 = arith.index_cast %add3A_1015 : i32 to index
        %get3A_1019 = arith.constant 0 : index
        %get3A_1020 = tpu.vector_load %arg8[%get3A_1017, %get3A_1018, %get3A_1019] {strides = array<i32>} : memref<8x200x32xf32, #tpu.memory_space<vmem>>, vector<16xf32>,
        %add3A_1021 = arith.addf %add3A_957, %get3A_1020 : vector<16xf32>
        %get3A_1022 = arith.constant 1 : i32
        %get3A_1023 = arith.index_cast %get3A_1022 : i32 to index
        %get3A_1024 = arith.index_cast %add3A_1015 : i32 to index
        %get3A_1025 = arith.constant 16 : index
        %get3A_1026 = tpu.vector_load %arg8[%get3A_1023, %get3A_1024, %get3A_1025] {strides = array<i32>} : memref<8x200x32xf32, #tpu.memory_space<vmem>>, vector<16xf32>,
        %add3A_1027 = arith.addf %add3A_963, %get3A_1026 : vector<16xf32>
        %mul3A_1028 = arith.constant 8 : i32
        %mul3A_1029 = arith.muli %scan3A_923, %mul3A_1028 : i32
        %add3A_1030 = arith.constant 6 : i32
        %add3A_1031 = arith.addi %mul3A_1029, %add3A_1030 : i32
        %get3A_1032 = arith.constant 1 : i32
        %get3A_1033 = arith.index_cast %get3A_1032 : i32 to index
        %get3A_1034 = arith.index_cast %add3A_1031 : i32 to index
        %get3A_1035 = arith.constant 0 : index
        %get3A_1036 = tpu.vector_load %arg8[%get3A_1033, %get3A_1034, %get3A_1035] {strides = array<i32>} : memref<8x200x32xf32, #tpu.memory_space<vmem>>, vector<16xf32>,
        %add3A_1037 = arith.addf %add3A_973, %get3A_1036 : vector<16xf32>
        %get3A_1038 = arith.constant 1 : i32
        %get3A_1039 = arith.index_cast %get3A_1038 : i32 to index
        %get3A_1040 = arith.index_cast %add3A_1031 : i32 to index
        %get3A_1041 = arith.constant 16 : index
        %get3A_1042 = tpu.vector_load %arg8[%get3A_1039, %get3A_1040, %get3A_1041] {strides = array<i32>} : memref<8x200x32xf32, #tpu.memory_space<vmem>>, vector<16xf32>,
        %add3A_1043 = arith.addf %add3A_979, %get3A_1042 : vector<16xf32>
        %mul3A_1044 = arith.constant 8 : i32
        %mul3A_1045 = arith.muli %scan3A_923, %mul3A_1044 : i32
        %add3A_1046 = arith.constant 7 : i32
        %add3A_1047 = arith.addi %mul3A_1045, %add3A_1046 : i32
        %get3A_1048 = arith.constant 1 : i32
        %get3A_1049 = arith.index_cast %get3A_1048 : i32 to index
        %get3A_1050 = arith.index_cast %add3A_1047 : i32 to index
        %get3A_1051 = arith.constant 0 : index
        %get3A_1052 = tpu.vector_load %arg8[%get3A_1049, %get3A_1050, %get3A_1051] {strides = array<i32>} : memref<8x200x32xf32, #tpu.memory_space<vmem>>, vector<16xf32>,
        %add3A_1053 = arith.addf %add3A_989, %get3A_1052 : vector<16xf32>
        %get3A_1054 = arith.constant 1 : i32
        %get3A_1055 = arith.index_cast %get3A_1054 : i32 to index
        %get3A_1056 = arith.index_cast %add3A_1047 : i32 to index
        %get3A_1057 = arith.constant 16 : index
        %get3A_1058 = tpu.vector_load %arg8[%get3A_1055, %get3A_1056, %get3A_1057] {strides = array<i32>} : memref<8x200x32xf32, #tpu.memory_space<vmem>>, vector<16xf32>,
        %add3A_1059 = arith.addf %add3A_995, %get3A_1058 : vector<16xf32>
        scf.yield %add3A_1005, %add3A_1021, %add3A_1037, %add3A_1053, %add3A_1011, %add3A_1027, %add3A_1043, %add3A_1059 : vector<16xf32>, vector<16xf32>, vector<16xf32>, vector<16xf32>, vector<16xf32>, vector<16xf32>, vector<16xf32>, vector<16xf32>
      }
      %scan3A_309 = arith.constant 25 : i32
      %add3A_310 = arith.addf %scan3A_308#0, %scan3A_308#1 : vector<16xf32>
      %add3A_311 = arith.addf %scan3A_308#2, %scan3A_308#3 : vector<16xf32>
      %add3A_312 = arith.addf %add3A_310, %add3A_311 : vector<16xf32>
      %mul3A_313 = arith.constant 5.000000e-03 : f32
      %mul3A_314 = vector.broadcast %mul3A_313 : f32 to vector<16xf32>
      %mul3A_315 = arith.mulf %add3A_312, %mul3A_314 : vector<16xf32>
      %add3A_316 = arith.addf %scan3A_308#4, %scan3A_308#5 : vector<16xf32>
      %add3A_317 = arith.addf %scan3A_308#6, %scan3A_308#7 : vector<16xf32>
      %add3A_318 = arith.addf %add3A_316, %add3A_317 : vector<16xf32>
      %mul3A_319 = arith.constant 5.000000e-03 : f32
      %mul3A_320 = vector.broadcast %mul3A_319 : f32 to vector<16xf32>
      %mul3A_321 = arith.mulf %add3A_318, %mul3A_320 : vector<16xf32>
      %add3A_322 = arith.addf %mul3A_315, %get3A_3 : vector<16xf32>
      %add3A_323 = arith.addf %mul3A_321, %get3A_5 : vector<16xf32>
      %reduce_max3A_324 = arith.constant true
      %reduce_max3A_325 = vector.broadcast %reduce_max3A_324 : i1 to vector<16xi1>
      %reduce_max3A_326 = tpu.scan <max>, %add3A_322 masked %reduce_max3A_325 : vector<16xf32>, vector<16xi1> -> vector<16xf32>
      %reduce_max3A_327 = vector.extract %reduce_max3A_326[15] : f32 from vector<16xf32>
      %reduce_max3A_328 = arith.constant true
      %reduce_max3A_329 = vector.broadcast %reduce_max3A_328 : i1 to vector<16xi1>
      %reduce_max3A_330 = tpu.scan <max>, %add3A_323 masked %reduce_max3A_329 : vector<16xf32>, vector<16xi1> -> vector<16xf32>
      %reduce_max3A_331 = vector.extract %reduce_max3A_330[15] : f32 from vector<16xf32>
      %max3A_332 = arith.maximumf %reduce_max3A_327, %reduce_max3A_331 : f32
      %sub3A_333 = vector.broadcast %max3A_332 : f32 to vector<16xf32>
      %sub3A_334 = arith.subf %add3A_322, %sub3A_333 : vector<16xf32>
      %exp3A_335 = math.exp %sub3A_334 : vector<16xf32>
      %sub3A_336 = vector.broadcast %max3A_332 : f32 to vector<16xf32>
      %sub3A_337 = arith.subf %add3A_323, %sub3A_336 : vector<16xf32>
      %exp3A_338 = math.exp %sub3A_337 : vector<16xf32>
      %reduce_sum3A_339 = arith.constant true
      %reduce_sum3A_340 = vector.broadcast %reduce_sum3A_339 : i1 to vector<16xi1>
      %reduce_sum3A_341 = tpu.scan <sum>, %exp3A_335 masked %reduce_sum3A_340 : vector<16xf32>, vector<16xi1> -> vector<16xf32>
      %reduce_sum3A_342 = vector.extract %reduce_sum3A_341[15] : f32 from vector<16xf32>
      %reduce_sum3A_343 = arith.constant true
      %reduce_sum3A_344 = vector.broadcast %reduce_sum3A_343 : i1 to vector<16xi1>
      %reduce_sum3A_345 = tpu.scan <sum>, %exp3A_338 masked %reduce_sum3A_344 : vector<16xf32>, vector<16xi1> -> vector<16xf32>
      %reduce_sum3A_346 = vector.extract %reduce_sum3A_345[15] : f32 from vector<16xf32>
      %add3A_347 = arith.addf %reduce_sum3A_342, %reduce_sum3A_346 : f32
      %div3A_348 = vector.broadcast %add3A_347 : f32 to vector<16xf32>
      %div3A_349 = arith.divf %exp3A_335, %div3A_348 : vector<16xf32>
      %swap3A_350 = arith.index_cast %add3A_301 : i32 to index
      %swap3A_351 = arith.constant 0 : index
      %swap3A_352 = tpu.vector_load %arg9[%swap3A_350, %swap3A_351] {strides = array<i32>} : memref<128x32xf32, #tpu.memory_space<vmem>>, vector<16xf32>,
      tpu.vector_store %arg9[%swap3A_350, %swap3A_351], %div3A_349 {strides = array<i32>} : memref<128x32xf32, #tpu.memory_space<vmem>>, vector<16xf32>,
      %div3A_353 = vector.broadcast %add3A_347 : f32 to vector<16xf32>
      %div3A_354 = arith.divf %exp3A_338, %div3A_353 : vector<16xf32>
      %swap3A_355 = arith.index_cast %add3A_301 : i32 to index
      %swap3A_356 = arith.constant 16 : index
      %swap3A_357 = tpu.vector_load %arg9[%swap3A_355, %swap3A_356] {strides = array<i32>} : memref<128x32xf32, #tpu.memory_space<vmem>>, vector<16xf32>,
      tpu.vector_store %arg9[%swap3A_355, %swap3A_356], %div3A_354 {strides = array<i32>} : memref<128x32xf32, #tpu.memory_space<vmem>>, vector<16xf32>,
      %neg3A_358 = arith.constant 0.000000e+00 : f32
      %neg3A_359 = vector.broadcast %neg3A_358 : f32 to vector<16xf32>
      %neg3A_360 = arith.subf %neg3A_359, %mul3A_321 : vector<16xf32>
      %exp3A_361 = math.exp %neg3A_360 : vector<16xf32>
      %add3A_362 = arith.constant 1.000000e+00 : f32
      %add3A_363 = vector.broadcast %add3A_362 : f32 to vector<16xf32>
      %add3A_364 = arith.addf %add3A_363, %exp3A_361 : vector<16xf32>
      %div3A_365 = arith.constant 1.000000e+00 : f32
      %div3A_366 = vector.broadcast %div3A_365 : f32 to vector<16xf32>
      %div3A_367 = arith.divf %div3A_366, %add3A_364 : vector<16xf32>
      %swap3A_368 = arith.index_cast %add3A_301 : i32 to index
      %swap3A_369 = arith.constant 0 : index
      %swap3A_370 = tpu.vector_load %arg10[%swap3A_368, %swap3A_369] {strides = array<i32>} : memref<128x16xf32, #tpu.memory_space<vmem>>, vector<16xf32>,
      tpu.vector_store %arg10[%swap3A_368, %swap3A_369], %div3A_367 {strides = array<i32>} : memref<128x16xf32, #tpu.memory_space<vmem>>, vector<16xf32>,
      %lt3A_371 = arith.constant 15 : i32
      %lt3A_372 = arith.cmpi slt, %scan3A_203, %lt3A_371 : i32
      %convert_element_type3A_373 = arith.extui %lt3A_372 : i1 to i32
      %cond3A_374 = arith.constant 0 : i32
      %cond3A_375 = arith.cmpi ne, %convert_element_type3A_373, %cond3A_374 : i32
      scf.if %cond3A_375 {
        %add3A_923 = arith.constant 8 : i32
        %add3A_924 = arith.addi %mul3A_206, %add3A_923 : i32
        %add3A_925 = arith.constant 1 : i32
        %add3A_926 = arith.addi %add3A_924, %add3A_925 : i32
        %dma_start3A_927 = arith.constant 1 : i32
        %dma_start3A_928 = arith.constant 0 : i32
        %dma_start3A_929 = arith.constant 0 : i32
        %dma_start3A_930 = tpu.memref_slice %arg8[%dma_start3A_927, %dma_start3A_928, %dma_start3A_929] : memref<8x200x32xf32, #tpu.memory_space<vmem>> -> memref<1x104x32xf32, #tpu.memory_space<vmem>>
        %dma_start3A_931 = tpu.memref_squeeze %dma_start3A_930 : memref<1x104x32xf32, #tpu.memory_space<vmem>> -> memref<104x32xf32, #tpu.memory_space<vmem>>
        %dma_start3A_932 = arith.constant 0 : i32
        %dma_start3A_933 = tpu.memref_slice %arg7[%add3A_926, %dma_start3A_932] : memref<128x200xi32, #tpu.memory_space<vmem>> -> memref<1x104xi32, #tpu.memory_space<vmem>>
        %dma_start3A_934 = tpu.memref_squeeze %dma_start3A_933 : memref<1x104xi32, #tpu.memory_space<vmem>> -> memref<104xi32, #tpu.memory_space<vmem>>
        %dma_start3A_935 = arith.constant 0 : i32
        %dma_start3A_936 = arith.constant 0 : i32
        %dma_start3A_937 = tpu.memref_slice %arg3[%dma_start3A_935, %dma_start3A_936] : memref<100000x32xf32, #tpu.memory_space<hbm>> -> memref<100000x32xf32, #tpu.memory_space<hbm>>
        tpu.enqueue_indirect_dma source(%dma_start3A_937 : memref<100000x32xf32, #tpu.memory_space<hbm>>) target(%dma_start3A_931 : memref<104x32xf32, #tpu.memory_space<vmem>>) offsets(%dma_start3A_934 : memref<104xi32, #tpu.memory_space<vmem>>) semaphore(%arg13 : memref<!tpu.dma_semaphore, #tpu.memory_space<semaphore_mem>>)
        %dma_start3A_938 = arith.constant 1 : i32
        %dma_start3A_939 = arith.constant 104 : i32
        %dma_start3A_940 = arith.constant 0 : i32
        %dma_start3A_941 = tpu.memref_slice %arg8[%dma_start3A_938, %dma_start3A_939, %dma_start3A_940] : memref<8x200x32xf32, #tpu.memory_space<vmem>> -> memref<1x96x32xf32, #tpu.memory_space<vmem>>
        %dma_start3A_942 = tpu.memref_squeeze %dma_start3A_941 : memref<1x96x32xf32, #tpu.memory_space<vmem>> -> memref<96x32xf32, #tpu.memory_space<vmem>>
        %dma_start3A_943 = arith.constant 104 : i32
        %dma_start3A_944 = tpu.memref_slice %arg7[%add3A_926, %dma_start3A_943] : memref<128x200xi32, #tpu.memory_space<vmem>> -> memref<1x96xi32, #tpu.memory_space<vmem>>
        %dma_start3A_945 = tpu.memref_squeeze %dma_start3A_944 : memref<1x96xi32, #tpu.memory_space<vmem>> -> memref<96xi32, #tpu.memory_space<vmem>>
        %dma_start3A_946 = arith.constant 0 : i32
        %dma_start3A_947 = arith.constant 0 : i32
        %dma_start3A_948 = tpu.memref_slice %arg3[%dma_start3A_946, %dma_start3A_947] : memref<100000x32xf32, #tpu.memory_space<hbm>> -> memref<100000x32xf32, #tpu.memory_space<hbm>>
        tpu.enqueue_indirect_dma source(%dma_start3A_948 : memref<100000x32xf32, #tpu.memory_space<hbm>>) target(%dma_start3A_942 : memref<96x32xf32, #tpu.memory_space<vmem>>) offsets(%dma_start3A_945 : memref<96xi32, #tpu.memory_space<vmem>>) semaphore(%arg13 : memref<!tpu.dma_semaphore, #tpu.memory_space<semaphore_mem>>)
      } else {
      }
      %dma_wait3A_376 = arith.constant 2 : i32
      %dma_wait3A_377 = arith.constant 0 : i32
      %dma_wait3A_378 = arith.constant 0 : i32
      %dma_wait3A_379 = tpu.memref_slice %arg8[%dma_wait3A_376, %dma_wait3A_377, %dma_wait3A_378] : memref<8x200x32xf32, #tpu.memory_space<vmem>> -> memref<1x200x32xf32, #tpu.memory_space<vmem>>
      %dma_wait3A_380 = tpu.memref_squeeze %dma_wait3A_379 : memref<1x200x32xf32, #tpu.memory_space<vmem>> -> memref<200x32xf32, #tpu.memory_space<vmem>>
      %dma_wait3A_381 = arith.constant 0 : i32
      %dma_wait3A_382 = arith.constant 0 : i32
      %dma_wait3A_383 = tpu.memref_slice %arg3[%dma_wait3A_381, %dma_wait3A_382] : memref<100000x32xf32, #tpu.memory_space<hbm>> -> memref<200x32xf32, #tpu.memory_space<hbm>>
      %dma_wait3A_384 = arith.constant 0 : i32
      %dma_wait3A_385 = arith.constant 0 : i32
      %dma_wait3A_386 = tpu.memref_slice %arg8[%dma_wait3A_376, %dma_wait3A_384, %dma_wait3A_385] : memref<8x200x32xf32, #tpu.memory_space<vmem>> -> memref<1x200x32xf32, #tpu.memory_space<vmem>>
      %dma_wait3A_387 = tpu.memref_squeeze %dma_wait3A_386 : memref<1x200x32xf32, #tpu.memory_space<vmem>> -> memref<200x32xf32, #tpu.memory_space<vmem>>
      %dma_wait3A_388 = arith.constant 0 : i32
      %dma_wait3A_389 = arith.constant 0 : i32
      %dma_wait3A_390 = tpu.memref_slice %arg3[%dma_wait3A_388, %dma_wait3A_389] : memref<100000x32xf32, #tpu.memory_space<hbm>> -> memref<200x32xf32, #tpu.memory_space<hbm>>
      tpu.wait_dma2 semaphore(%arg14 : memref<!tpu.dma_semaphore, #tpu.memory_space<semaphore_mem>>) src(%dma_wait3A_390 : memref<200x32xf32, #tpu.memory_space<hbm>>) dst(%dma_wait3A_387 : memref<200x32xf32, #tpu.memory_space<vmem>>)
      %add3A_391 = arith.constant 2 : i32
      %add3A_392 = arith.addi %mul3A_206, %add3A_391 : i32
      %broadcast_in_dim3A_393 = arith.constant 0.000000e+00 : f32
      %broadcast_in_dim3A_394 = vector.broadcast %broadcast_in_dim3A_393 : f32 to vector<16xf32>
      %scan3A_395 = arith.constant 0 : i32
      %scan3A_396 = arith.constant 25 : i32
      %scan3A_397 = arith.addi %scan3A_395, %scan3A_396 : i32
      %scan3A_398 = arith.constant 1 : i32
      %scan3A_399:8 = scf.for %scan3A_923 = %scan3A_395 to %scan3A_397 step %scan3A_398 iter_args(%scan3A_924 = %broadcast_in_dim3A_394, %scan3A_925 = %broadcast_in_dim3A_394, %scan3A_926 = %broadcast_in_dim3A_394, %scan3A_927 = %broadcast_in_dim3A_394, %scan3A_928 = %broadcast_in_dim3A_394, %scan3A_929 = %broadcast_in_dim3A_394, %scan3A_930 = %broadcast_in_dim3A_394, %scan3A_931 = %broadcast_in_dim3A_394) -> (vector<16xf32>, vector<16xf32>, vector<16xf32>, vector<16xf32>, vector<16xf32>, vector<16xf32>, vector<16xf32>, vector<16xf32>)  : i32 {
        %mul3A_932 = arith.constant 8 : i32
        %mul3A_933 = arith.muli %scan3A_923, %mul3A_932 : i32
        %add3A_934 = arith.constant 0 : i32
        %add3A_935 = arith.addi %mul3A_933, %add3A_934 : i32
        %get3A_936 = arith.constant 2 : i32
        %get3A_937 = arith.index_cast %get3A_936 : i32 to index
        %get3A_938 = arith.index_cast %add3A_935 : i32 to index
        %get3A_939 = arith.constant 0 : index
        %get3A_940 = tpu.vector_load %arg8[%get3A_937, %get3A_938, %get3A_939] {strides = array<i32>} : memref<8x200x32xf32, #tpu.memory_space<vmem>>, vector<16xf32>,
        %add3A_941 = arith.addf %scan3A_924, %get3A_940 : vector<16xf32>
        %get3A_942 = arith.constant 2 : i32
        %get3A_943 = arith.index_cast %get3A_942 : i32 to index
        %get3A_944 = arith.index_cast %add3A_935 : i32 to index
        %get3A_945 = arith.constant 16 : index
        %get3A_946 = tpu.vector_load %arg8[%get3A_943, %get3A_944, %get3A_945] {strides = array<i32>} : memref<8x200x32xf32, #tpu.memory_space<vmem>>, vector<16xf32>,
        %add3A_947 = arith.addf %scan3A_928, %get3A_946 : vector<16xf32>
        %mul3A_948 = arith.constant 8 : i32
        %mul3A_949 = arith.muli %scan3A_923, %mul3A_948 : i32
        %add3A_950 = arith.constant 1 : i32
        %add3A_951 = arith.addi %mul3A_949, %add3A_950 : i32
        %get3A_952 = arith.constant 2 : i32
        %get3A_953 = arith.index_cast %get3A_952 : i32 to index
        %get3A_954 = arith.index_cast %add3A_951 : i32 to index
        %get3A_955 = arith.constant 0 : index
        %get3A_956 = tpu.vector_load %arg8[%get3A_953, %get3A_954, %get3A_955] {strides = array<i32>} : memref<8x200x32xf32, #tpu.memory_space<vmem>>, vector<16xf32>,
        %add3A_957 = arith.addf %scan3A_925, %get3A_956 : vector<16xf32>
        %get3A_958 = arith.constant 2 : i32
        %get3A_959 = arith.index_cast %get3A_958 : i32 to index
        %get3A_960 = arith.index_cast %add3A_951 : i32 to index
        %get3A_961 = arith.constant 16 : index
        %get3A_962 = tpu.vector_load %arg8[%get3A_959, %get3A_960, %get3A_961] {strides = array<i32>} : memref<8x200x32xf32, #tpu.memory_space<vmem>>, vector<16xf32>,
        %add3A_963 = arith.addf %scan3A_929, %get3A_962 : vector<16xf32>
        %mul3A_964 = arith.constant 8 : i32
        %mul3A_965 = arith.muli %scan3A_923, %mul3A_964 : i32
        %add3A_966 = arith.constant 2 : i32
        %add3A_967 = arith.addi %mul3A_965, %add3A_966 : i32
        %get3A_968 = arith.constant 2 : i32
        %get3A_969 = arith.index_cast %get3A_968 : i32 to index
        %get3A_970 = arith.index_cast %add3A_967 : i32 to index
        %get3A_971 = arith.constant 0 : index
        %get3A_972 = tpu.vector_load %arg8[%get3A_969, %get3A_970, %get3A_971] {strides = array<i32>} : memref<8x200x32xf32, #tpu.memory_space<vmem>>, vector<16xf32>,
        %add3A_973 = arith.addf %scan3A_926, %get3A_972 : vector<16xf32>
        %get3A_974 = arith.constant 2 : i32
        %get3A_975 = arith.index_cast %get3A_974 : i32 to index
        %get3A_976 = arith.index_cast %add3A_967 : i32 to index
        %get3A_977 = arith.constant 16 : index
        %get3A_978 = tpu.vector_load %arg8[%get3A_975, %get3A_976, %get3A_977] {strides = array<i32>} : memref<8x200x32xf32, #tpu.memory_space<vmem>>, vector<16xf32>,
        %add3A_979 = arith.addf %scan3A_930, %get3A_978 : vector<16xf32>
        %mul3A_980 = arith.constant 8 : i32
        %mul3A_981 = arith.muli %scan3A_923, %mul3A_980 : i32
        %add3A_982 = arith.constant 3 : i32
        %add3A_983 = arith.addi %mul3A_981, %add3A_982 : i32
        %get3A_984 = arith.constant 2 : i32
        %get3A_985 = arith.index_cast %get3A_984 : i32 to index
        %get3A_986 = arith.index_cast %add3A_983 : i32 to index
        %get3A_987 = arith.constant 0 : index
        %get3A_988 = tpu.vector_load %arg8[%get3A_985, %get3A_986, %get3A_987] {strides = array<i32>} : memref<8x200x32xf32, #tpu.memory_space<vmem>>, vector<16xf32>,
        %add3A_989 = arith.addf %scan3A_927, %get3A_988 : vector<16xf32>
        %get3A_990 = arith.constant 2 : i32
        %get3A_991 = arith.index_cast %get3A_990 : i32 to index
        %get3A_992 = arith.index_cast %add3A_983 : i32 to index
        %get3A_993 = arith.constant 16 : index
        %get3A_994 = tpu.vector_load %arg8[%get3A_991, %get3A_992, %get3A_993] {strides = array<i32>} : memref<8x200x32xf32, #tpu.memory_space<vmem>>, vector<16xf32>,
        %add3A_995 = arith.addf %scan3A_931, %get3A_994 : vector<16xf32>
        %mul3A_996 = arith.constant 8 : i32
        %mul3A_997 = arith.muli %scan3A_923, %mul3A_996 : i32
        %add3A_998 = arith.constant 4 : i32
        %add3A_999 = arith.addi %mul3A_997, %add3A_998 : i32
        %get3A_1000 = arith.constant 2 : i32
        %get3A_1001 = arith.index_cast %get3A_1000 : i32 to index
        %get3A_1002 = arith.index_cast %add3A_999 : i32 to index
        %get3A_1003 = arith.constant 0 : index
        %get3A_1004 = tpu.vector_load %arg8[%get3A_1001, %get3A_1002, %get3A_1003] {strides = array<i32>} : memref<8x200x32xf32, #tpu.memory_space<vmem>>, vector<16xf32>,
        %add3A_1005 = arith.addf %add3A_941, %get3A_1004 : vector<16xf32>
        %get3A_1006 = arith.constant 2 : i32
        %get3A_1007 = arith.index_cast %get3A_1006 : i32 to index
        %get3A_1008 = arith.index_cast %add3A_999 : i32 to index
        %get3A_1009 = arith.constant 16 : index
        %get3A_1010 = tpu.vector_load %arg8[%get3A_1007, %get3A_1008, %get3A_1009] {strides = array<i32>} : memref<8x200x32xf32, #tpu.memory_space<vmem>>, vector<16xf32>,
        %add3A_1011 = arith.addf %add3A_947, %get3A_1010 : vector<16xf32>
        %mul3A_1012 = arith.constant 8 : i32
        %mul3A_1013 = arith.muli %scan3A_923, %mul3A_1012 : i32
        %add3A_1014 = arith.constant 5 : i32
        %add3A_1015 = arith.addi %mul3A_1013, %add3A_1014 : i32
        %get3A_1016 = arith.constant 2 : i32
        %get3A_1017 = arith.index_cast %get3A_1016 : i32 to index
        %get3A_1018 = arith.index_cast %add3A_1015 : i32 to index
        %get3A_1019 = arith.constant 0 : index
        %get3A_1020 = tpu.vector_load %arg8[%get3A_1017, %get3A_1018, %get3A_1019] {strides = array<i32>} : memref<8x200x32xf32, #tpu.memory_space<vmem>>, vector<16xf32>,
        %add3A_1021 = arith.addf %add3A_957, %get3A_1020 : vector<16xf32>
        %get3A_1022 = arith.constant 2 : i32
        %get3A_1023 = arith.index_cast %get3A_1022 : i32 to index
        %get3A_1024 = arith.index_cast %add3A_1015 : i32 to index
        %get3A_1025 = arith.constant 16 : index
        %get3A_1026 = tpu.vector_load %arg8[%get3A_1023, %get3A_1024, %get3A_1025] {strides = array<i32>} : memref<8x200x32xf32, #tpu.memory_space<vmem>>, vector<16xf32>,
        %add3A_1027 = arith.addf %add3A_963, %get3A_1026 : vector<16xf32>
        %mul3A_1028 = arith.constant 8 : i32
        %mul3A_1029 = arith.muli %scan3A_923, %mul3A_1028 : i32
        %add3A_1030 = arith.constant 6 : i32
        %add3A_1031 = arith.addi %mul3A_1029, %add3A_1030 : i32
        %get3A_1032 = arith.constant 2 : i32
        %get3A_1033 = arith.index_cast %get3A_1032 : i32 to index
        %get3A_1034 = arith.index_cast %add3A_1031 : i32 to index
        %get3A_1035 = arith.constant 0 : index
        %get3A_1036 = tpu.vector_load %arg8[%get3A_1033, %get3A_1034, %get3A_1035] {strides = array<i32>} : memref<8x200x32xf32, #tpu.memory_space<vmem>>, vector<16xf32>,
        %add3A_1037 = arith.addf %add3A_973, %get3A_1036 : vector<16xf32>
        %get3A_1038 = arith.constant 2 : i32
        %get3A_1039 = arith.index_cast %get3A_1038 : i32 to index
        %get3A_1040 = arith.index_cast %add3A_1031 : i32 to index
        %get3A_1041 = arith.constant 16 : index
        %get3A_1042 = tpu.vector_load %arg8[%get3A_1039, %get3A_1040, %get3A_1041] {strides = array<i32>} : memref<8x200x32xf32, #tpu.memory_space<vmem>>, vector<16xf32>,
        %add3A_1043 = arith.addf %add3A_979, %get3A_1042 : vector<16xf32>
        %mul3A_1044 = arith.constant 8 : i32
        %mul3A_1045 = arith.muli %scan3A_923, %mul3A_1044 : i32
        %add3A_1046 = arith.constant 7 : i32
        %add3A_1047 = arith.addi %mul3A_1045, %add3A_1046 : i32
        %get3A_1048 = arith.constant 2 : i32
        %get3A_1049 = arith.index_cast %get3A_1048 : i32 to index
        %get3A_1050 = arith.index_cast %add3A_1047 : i32 to index
        %get3A_1051 = arith.constant 0 : index
        %get3A_1052 = tpu.vector_load %arg8[%get3A_1049, %get3A_1050, %get3A_1051] {strides = array<i32>} : memref<8x200x32xf32, #tpu.memory_space<vmem>>, vector<16xf32>,
        %add3A_1053 = arith.addf %add3A_989, %get3A_1052 : vector<16xf32>
        %get3A_1054 = arith.constant 2 : i32
        %get3A_1055 = arith.index_cast %get3A_1054 : i32 to index
        %get3A_1056 = arith.index_cast %add3A_1047 : i32 to index
        %get3A_1057 = arith.constant 16 : index
        %get3A_1058 = tpu.vector_load %arg8[%get3A_1055, %get3A_1056, %get3A_1057] {strides = array<i32>} : memref<8x200x32xf32, #tpu.memory_space<vmem>>, vector<16xf32>,
        %add3A_1059 = arith.addf %add3A_995, %get3A_1058 : vector<16xf32>
        scf.yield %add3A_1005, %add3A_1021, %add3A_1037, %add3A_1053, %add3A_1011, %add3A_1027, %add3A_1043, %add3A_1059 : vector<16xf32>, vector<16xf32>, vector<16xf32>, vector<16xf32>, vector<16xf32>, vector<16xf32>, vector<16xf32>, vector<16xf32>
      }
      %scan3A_400 = arith.constant 25 : i32
      %add3A_401 = arith.addf %scan3A_399#0, %scan3A_399#1 : vector<16xf32>
      %add3A_402 = arith.addf %scan3A_399#2, %scan3A_399#3 : vector<16xf32>
      %add3A_403 = arith.addf %add3A_401, %add3A_402 : vector<16xf32>
      %mul3A_404 = arith.constant 5.000000e-03 : f32
      %mul3A_405 = vector.broadcast %mul3A_404 : f32 to vector<16xf32>
      %mul3A_406 = arith.mulf %add3A_403, %mul3A_405 : vector<16xf32>
      %add3A_407 = arith.addf %scan3A_399#4, %scan3A_399#5 : vector<16xf32>
      %add3A_408 = arith.addf %scan3A_399#6, %scan3A_399#7 : vector<16xf32>
      %add3A_409 = arith.addf %add3A_407, %add3A_408 : vector<16xf32>
      %mul3A_410 = arith.constant 5.000000e-03 : f32
      %mul3A_411 = vector.broadcast %mul3A_410 : f32 to vector<16xf32>
      %mul3A_412 = arith.mulf %add3A_409, %mul3A_411 : vector<16xf32>
      %add3A_413 = arith.addf %mul3A_406, %get3A_3 : vector<16xf32>
      %add3A_414 = arith.addf %mul3A_412, %get3A_5 : vector<16xf32>
      %reduce_max3A_415 = arith.constant true
      %reduce_max3A_416 = vector.broadcast %reduce_max3A_415 : i1 to vector<16xi1>
      %reduce_max3A_417 = tpu.scan <max>, %add3A_413 masked %reduce_max3A_416 : vector<16xf32>, vector<16xi1> -> vector<16xf32>
      %reduce_max3A_418 = vector.extract %reduce_max3A_417[15] : f32 from vector<16xf32>
      %reduce_max3A_419 = arith.constant true
      %reduce_max3A_420 = vector.broadcast %reduce_max3A_419 : i1 to vector<16xi1>
      %reduce_max3A_421 = tpu.scan <max>, %add3A_414 masked %reduce_max3A_420 : vector<16xf32>, vector<16xi1> -> vector<16xf32>
      %reduce_max3A_422 = vector.extract %reduce_max3A_421[15] : f32 from vector<16xf32>
      %max3A_423 = arith.maximumf %reduce_max3A_418, %reduce_max3A_422 : f32
      %sub3A_424 = vector.broadcast %max3A_423 : f32 to vector<16xf32>
      %sub3A_425 = arith.subf %add3A_413, %sub3A_424 : vector<16xf32>
      %exp3A_426 = math.exp %sub3A_425 : vector<16xf32>
      %sub3A_427 = vector.broadcast %max3A_423 : f32 to vector<16xf32>
      %sub3A_428 = arith.subf %add3A_414, %sub3A_427 : vector<16xf32>
      %exp3A_429 = math.exp %sub3A_428 : vector<16xf32>
      %reduce_sum3A_430 = arith.constant true
      %reduce_sum3A_431 = vector.broadcast %reduce_sum3A_430 : i1 to vector<16xi1>
      %reduce_sum3A_432 = tpu.scan <sum>, %exp3A_426 masked %reduce_sum3A_431 : vector<16xf32>, vector<16xi1> -> vector<16xf32>
      %reduce_sum3A_433 = vector.extract %reduce_sum3A_432[15] : f32 from vector<16xf32>
      %reduce_sum3A_434 = arith.constant true
      %reduce_sum3A_435 = vector.broadcast %reduce_sum3A_434 : i1 to vector<16xi1>
      %reduce_sum3A_436 = tpu.scan <sum>, %exp3A_429 masked %reduce_sum3A_435 : vector<16xf32>, vector<16xi1> -> vector<16xf32>
      %reduce_sum3A_437 = vector.extract %reduce_sum3A_436[15] : f32 from vector<16xf32>
      %add3A_438 = arith.addf %reduce_sum3A_433, %reduce_sum3A_437 : f32
      %div3A_439 = vector.broadcast %add3A_438 : f32 to vector<16xf32>
      %div3A_440 = arith.divf %exp3A_426, %div3A_439 : vector<16xf32>
      %swap3A_441 = arith.index_cast %add3A_392 : i32 to index
      %swap3A_442 = arith.constant 0 : index
      %swap3A_443 = tpu.vector_load %arg9[%swap3A_441, %swap3A_442] {strides = array<i32>} : memref<128x32xf32, #tpu.memory_space<vmem>>, vector<16xf32>,
      tpu.vector_store %arg9[%swap3A_441, %swap3A_442], %div3A_440 {strides = array<i32>} : memref<128x32xf32, #tpu.memory_space<vmem>>, vector<16xf32>,
      %div3A_444 = vector.broadcast %add3A_438 : f32 to vector<16xf32>
      %div3A_445 = arith.divf %exp3A_429, %div3A_444 : vector<16xf32>
      %swap3A_446 = arith.index_cast %add3A_392 : i32 to index
      %swap3A_447 = arith.constant 16 : index
      %swap3A_448 = tpu.vector_load %arg9[%swap3A_446, %swap3A_447] {strides = array<i32>} : memref<128x32xf32, #tpu.memory_space<vmem>>, vector<16xf32>,
      tpu.vector_store %arg9[%swap3A_446, %swap3A_447], %div3A_445 {strides = array<i32>} : memref<128x32xf32, #tpu.memory_space<vmem>>, vector<16xf32>,
      %neg3A_449 = arith.constant 0.000000e+00 : f32
      %neg3A_450 = vector.broadcast %neg3A_449 : f32 to vector<16xf32>
      %neg3A_451 = arith.subf %neg3A_450, %mul3A_412 : vector<16xf32>
      %exp3A_452 = math.exp %neg3A_451 : vector<16xf32>
      %add3A_453 = arith.constant 1.000000e+00 : f32
      %add3A_454 = vector.broadcast %add3A_453 : f32 to vector<16xf32>
      %add3A_455 = arith.addf %add3A_454, %exp3A_452 : vector<16xf32>
      %div3A_456 = arith.constant 1.000000e+00 : f32
      %div3A_457 = vector.broadcast %div3A_456 : f32 to vector<16xf32>
      %div3A_458 = arith.divf %div3A_457, %add3A_455 : vector<16xf32>
      %swap3A_459 = arith.index_cast %add3A_392 : i32 to index
      %swap3A_460 = arith.constant 0 : index
      %swap3A_461 = tpu.vector_load %arg10[%swap3A_459, %swap3A_460] {strides = array<i32>} : memref<128x16xf32, #tpu.memory_space<vmem>>, vector<16xf32>,
      tpu.vector_store %arg10[%swap3A_459, %swap3A_460], %div3A_458 {strides = array<i32>} : memref<128x16xf32, #tpu.memory_space<vmem>>, vector<16xf32>,
      %lt3A_462 = arith.constant 15 : i32
      %lt3A_463 = arith.cmpi slt, %scan3A_203, %lt3A_462 : i32
      %convert_element_type3A_464 = arith.extui %lt3A_463 : i1 to i32
      %cond3A_465 = arith.constant 0 : i32
      %cond3A_466 = arith.cmpi ne, %convert_element_type3A_464, %cond3A_465 : i32
      scf.if %cond3A_466 {
        %add3A_923 = arith.constant 8 : i32
        %add3A_924 = arith.addi %mul3A_206, %add3A_923 : i32
        %add3A_925 = arith.constant 2 : i32
        %add3A_926 = arith.addi %add3A_924, %add3A_925 : i32
        %dma_start3A_927 = arith.constant 2 : i32
        %dma_start3A_928 = arith.constant 0 : i32
        %dma_start3A_929 = arith.constant 0 : i32
        %dma_start3A_930 = tpu.memref_slice %arg8[%dma_start3A_927, %dma_start3A_928, %dma_start3A_929] : memref<8x200x32xf32, #tpu.memory_space<vmem>> -> memref<1x104x32xf32, #tpu.memory_space<vmem>>
        %dma_start3A_931 = tpu.memref_squeeze %dma_start3A_930 : memref<1x104x32xf32, #tpu.memory_space<vmem>> -> memref<104x32xf32, #tpu.memory_space<vmem>>
        %dma_start3A_932 = arith.constant 0 : i32
        %dma_start3A_933 = tpu.memref_slice %arg7[%add3A_926, %dma_start3A_932] : memref<128x200xi32, #tpu.memory_space<vmem>> -> memref<1x104xi32, #tpu.memory_space<vmem>>
        %dma_start3A_934 = tpu.memref_squeeze %dma_start3A_933 : memref<1x104xi32, #tpu.memory_space<vmem>> -> memref<104xi32, #tpu.memory_space<vmem>>
        %dma_start3A_935 = arith.constant 0 : i32
        %dma_start3A_936 = arith.constant 0 : i32
        %dma_start3A_937 = tpu.memref_slice %arg3[%dma_start3A_935, %dma_start3A_936] : memref<100000x32xf32, #tpu.memory_space<hbm>> -> memref<100000x32xf32, #tpu.memory_space<hbm>>
        tpu.enqueue_indirect_dma source(%dma_start3A_937 : memref<100000x32xf32, #tpu.memory_space<hbm>>) target(%dma_start3A_931 : memref<104x32xf32, #tpu.memory_space<vmem>>) offsets(%dma_start3A_934 : memref<104xi32, #tpu.memory_space<vmem>>) semaphore(%arg14 : memref<!tpu.dma_semaphore, #tpu.memory_space<semaphore_mem>>)
        %dma_start3A_938 = arith.constant 2 : i32
        %dma_start3A_939 = arith.constant 104 : i32
        %dma_start3A_940 = arith.constant 0 : i32
        %dma_start3A_941 = tpu.memref_slice %arg8[%dma_start3A_938, %dma_start3A_939, %dma_start3A_940] : memref<8x200x32xf32, #tpu.memory_space<vmem>> -> memref<1x96x32xf32, #tpu.memory_space<vmem>>
        %dma_start3A_942 = tpu.memref_squeeze %dma_start3A_941 : memref<1x96x32xf32, #tpu.memory_space<vmem>> -> memref<96x32xf32, #tpu.memory_space<vmem>>
        %dma_start3A_943 = arith.constant 104 : i32
        %dma_start3A_944 = tpu.memref_slice %arg7[%add3A_926, %dma_start3A_943] : memref<128x200xi32, #tpu.memory_space<vmem>> -> memref<1x96xi32, #tpu.memory_space<vmem>>
        %dma_start3A_945 = tpu.memref_squeeze %dma_start3A_944 : memref<1x96xi32, #tpu.memory_space<vmem>> -> memref<96xi32, #tpu.memory_space<vmem>>
        %dma_start3A_946 = arith.constant 0 : i32
        %dma_start3A_947 = arith.constant 0 : i32
        %dma_start3A_948 = tpu.memref_slice %arg3[%dma_start3A_946, %dma_start3A_947] : memref<100000x32xf32, #tpu.memory_space<hbm>> -> memref<100000x32xf32, #tpu.memory_space<hbm>>
        tpu.enqueue_indirect_dma source(%dma_start3A_948 : memref<100000x32xf32, #tpu.memory_space<hbm>>) target(%dma_start3A_942 : memref<96x32xf32, #tpu.memory_space<vmem>>) offsets(%dma_start3A_945 : memref<96xi32, #tpu.memory_space<vmem>>) semaphore(%arg14 : memref<!tpu.dma_semaphore, #tpu.memory_space<semaphore_mem>>)
      } else {
      }
      %dma_wait3A_467 = arith.constant 3 : i32
      %dma_wait3A_468 = arith.constant 0 : i32
      %dma_wait3A_469 = arith.constant 0 : i32
      %dma_wait3A_470 = tpu.memref_slice %arg8[%dma_wait3A_467, %dma_wait3A_468, %dma_wait3A_469] : memref<8x200x32xf32, #tpu.memory_space<vmem>> -> memref<1x200x32xf32, #tpu.memory_space<vmem>>
      %dma_wait3A_471 = tpu.memref_squeeze %dma_wait3A_470 : memref<1x200x32xf32, #tpu.memory_space<vmem>> -> memref<200x32xf32, #tpu.memory_space<vmem>>
      %dma_wait3A_472 = arith.constant 0 : i32
      %dma_wait3A_473 = arith.constant 0 : i32
      %dma_wait3A_474 = tpu.memref_slice %arg3[%dma_wait3A_472, %dma_wait3A_473] : memref<100000x32xf32, #tpu.memory_space<hbm>> -> memref<200x32xf32, #tpu.memory_space<hbm>>
      %dma_wait3A_475 = arith.constant 0 : i32
      %dma_wait3A_476 = arith.constant 0 : i32
      %dma_wait3A_477 = tpu.memref_slice %arg8[%dma_wait3A_467, %dma_wait3A_475, %dma_wait3A_476] : memref<8x200x32xf32, #tpu.memory_space<vmem>> -> memref<1x200x32xf32, #tpu.memory_space<vmem>>
      %dma_wait3A_478 = tpu.memref_squeeze %dma_wait3A_477 : memref<1x200x32xf32, #tpu.memory_space<vmem>> -> memref<200x32xf32, #tpu.memory_space<vmem>>
      %dma_wait3A_479 = arith.constant 0 : i32
      %dma_wait3A_480 = arith.constant 0 : i32
      %dma_wait3A_481 = tpu.memref_slice %arg3[%dma_wait3A_479, %dma_wait3A_480] : memref<100000x32xf32, #tpu.memory_space<hbm>> -> memref<200x32xf32, #tpu.memory_space<hbm>>
      tpu.wait_dma2 semaphore(%arg15 : memref<!tpu.dma_semaphore, #tpu.memory_space<semaphore_mem>>) src(%dma_wait3A_481 : memref<200x32xf32, #tpu.memory_space<hbm>>) dst(%dma_wait3A_478 : memref<200x32xf32, #tpu.memory_space<vmem>>)
      %add3A_482 = arith.constant 3 : i32
      %add3A_483 = arith.addi %mul3A_206, %add3A_482 : i32
      %broadcast_in_dim3A_484 = arith.constant 0.000000e+00 : f32
      %broadcast_in_dim3A_485 = vector.broadcast %broadcast_in_dim3A_484 : f32 to vector<16xf32>
      %scan3A_486 = arith.constant 0 : i32
      %scan3A_487 = arith.constant 25 : i32
      %scan3A_488 = arith.addi %scan3A_486, %scan3A_487 : i32
      %scan3A_489 = arith.constant 1 : i32
      %scan3A_490:8 = scf.for %scan3A_923 = %scan3A_486 to %scan3A_488 step %scan3A_489 iter_args(%scan3A_924 = %broadcast_in_dim3A_485, %scan3A_925 = %broadcast_in_dim3A_485, %scan3A_926 = %broadcast_in_dim3A_485, %scan3A_927 = %broadcast_in_dim3A_485, %scan3A_928 = %broadcast_in_dim3A_485, %scan3A_929 = %broadcast_in_dim3A_485, %scan3A_930 = %broadcast_in_dim3A_485, %scan3A_931 = %broadcast_in_dim3A_485) -> (vector<16xf32>, vector<16xf32>, vector<16xf32>, vector<16xf32>, vector<16xf32>, vector<16xf32>, vector<16xf32>, vector<16xf32>)  : i32 {
        %mul3A_932 = arith.constant 8 : i32
        %mul3A_933 = arith.muli %scan3A_923, %mul3A_932 : i32
        %add3A_934 = arith.constant 0 : i32
        %add3A_935 = arith.addi %mul3A_933, %add3A_934 : i32
        %get3A_936 = arith.constant 3 : i32
        %get3A_937 = arith.index_cast %get3A_936 : i32 to index
        %get3A_938 = arith.index_cast %add3A_935 : i32 to index
        %get3A_939 = arith.constant 0 : index
        %get3A_940 = tpu.vector_load %arg8[%get3A_937, %get3A_938, %get3A_939] {strides = array<i32>} : memref<8x200x32xf32, #tpu.memory_space<vmem>>, vector<16xf32>,
        %add3A_941 = arith.addf %scan3A_924, %get3A_940 : vector<16xf32>
        %get3A_942 = arith.constant 3 : i32
        %get3A_943 = arith.index_cast %get3A_942 : i32 to index
        %get3A_944 = arith.index_cast %add3A_935 : i32 to index
        %get3A_945 = arith.constant 16 : index
        %get3A_946 = tpu.vector_load %arg8[%get3A_943, %get3A_944, %get3A_945] {strides = array<i32>} : memref<8x200x32xf32, #tpu.memory_space<vmem>>, vector<16xf32>,
        %add3A_947 = arith.addf %scan3A_928, %get3A_946 : vector<16xf32>
        %mul3A_948 = arith.constant 8 : i32
        %mul3A_949 = arith.muli %scan3A_923, %mul3A_948 : i32
        %add3A_950 = arith.constant 1 : i32
        %add3A_951 = arith.addi %mul3A_949, %add3A_950 : i32
        %get3A_952 = arith.constant 3 : i32
        %get3A_953 = arith.index_cast %get3A_952 : i32 to index
        %get3A_954 = arith.index_cast %add3A_951 : i32 to index
        %get3A_955 = arith.constant 0 : index
        %get3A_956 = tpu.vector_load %arg8[%get3A_953, %get3A_954, %get3A_955] {strides = array<i32>} : memref<8x200x32xf32, #tpu.memory_space<vmem>>, vector<16xf32>,
        %add3A_957 = arith.addf %scan3A_925, %get3A_956 : vector<16xf32>
        %get3A_958 = arith.constant 3 : i32
        %get3A_959 = arith.index_cast %get3A_958 : i32 to index
        %get3A_960 = arith.index_cast %add3A_951 : i32 to index
        %get3A_961 = arith.constant 16 : index
        %get3A_962 = tpu.vector_load %arg8[%get3A_959, %get3A_960, %get3A_961] {strides = array<i32>} : memref<8x200x32xf32, #tpu.memory_space<vmem>>, vector<16xf32>,
        %add3A_963 = arith.addf %scan3A_929, %get3A_962 : vector<16xf32>
        %mul3A_964 = arith.constant 8 : i32
        %mul3A_965 = arith.muli %scan3A_923, %mul3A_964 : i32
        %add3A_966 = arith.constant 2 : i32
        %add3A_967 = arith.addi %mul3A_965, %add3A_966 : i32
        %get3A_968 = arith.constant 3 : i32
        %get3A_969 = arith.index_cast %get3A_968 : i32 to index
        %get3A_970 = arith.index_cast %add3A_967 : i32 to index
        %get3A_971 = arith.constant 0 : index
        %get3A_972 = tpu.vector_load %arg8[%get3A_969, %get3A_970, %get3A_971] {strides = array<i32>} : memref<8x200x32xf32, #tpu.memory_space<vmem>>, vector<16xf32>,
        %add3A_973 = arith.addf %scan3A_926, %get3A_972 : vector<16xf32>
        %get3A_974 = arith.constant 3 : i32
        %get3A_975 = arith.index_cast %get3A_974 : i32 to index
        %get3A_976 = arith.index_cast %add3A_967 : i32 to index
        %get3A_977 = arith.constant 16 : index
        %get3A_978 = tpu.vector_load %arg8[%get3A_975, %get3A_976, %get3A_977] {strides = array<i32>} : memref<8x200x32xf32, #tpu.memory_space<vmem>>, vector<16xf32>,
        %add3A_979 = arith.addf %scan3A_930, %get3A_978 : vector<16xf32>
        %mul3A_980 = arith.constant 8 : i32
        %mul3A_981 = arith.muli %scan3A_923, %mul3A_980 : i32
        %add3A_982 = arith.constant 3 : i32
        %add3A_983 = arith.addi %mul3A_981, %add3A_982 : i32
        %get3A_984 = arith.constant 3 : i32
        %get3A_985 = arith.index_cast %get3A_984 : i32 to index
        %get3A_986 = arith.index_cast %add3A_983 : i32 to index
        %get3A_987 = arith.constant 0 : index
        %get3A_988 = tpu.vector_load %arg8[%get3A_985, %get3A_986, %get3A_987] {strides = array<i32>} : memref<8x200x32xf32, #tpu.memory_space<vmem>>, vector<16xf32>,
        %add3A_989 = arith.addf %scan3A_927, %get3A_988 : vector<16xf32>
        %get3A_990 = arith.constant 3 : i32
        %get3A_991 = arith.index_cast %get3A_990 : i32 to index
        %get3A_992 = arith.index_cast %add3A_983 : i32 to index
        %get3A_993 = arith.constant 16 : index
        %get3A_994 = tpu.vector_load %arg8[%get3A_991, %get3A_992, %get3A_993] {strides = array<i32>} : memref<8x200x32xf32, #tpu.memory_space<vmem>>, vector<16xf32>,
        %add3A_995 = arith.addf %scan3A_931, %get3A_994 : vector<16xf32>
        %mul3A_996 = arith.constant 8 : i32
        %mul3A_997 = arith.muli %scan3A_923, %mul3A_996 : i32
        %add3A_998 = arith.constant 4 : i32
        %add3A_999 = arith.addi %mul3A_997, %add3A_998 : i32
        %get3A_1000 = arith.constant 3 : i32
        %get3A_1001 = arith.index_cast %get3A_1000 : i32 to index
        %get3A_1002 = arith.index_cast %add3A_999 : i32 to index
        %get3A_1003 = arith.constant 0 : index
        %get3A_1004 = tpu.vector_load %arg8[%get3A_1001, %get3A_1002, %get3A_1003] {strides = array<i32>} : memref<8x200x32xf32, #tpu.memory_space<vmem>>, vector<16xf32>,
        %add3A_1005 = arith.addf %add3A_941, %get3A_1004 : vector<16xf32>
        %get3A_1006 = arith.constant 3 : i32
        %get3A_1007 = arith.index_cast %get3A_1006 : i32 to index
        %get3A_1008 = arith.index_cast %add3A_999 : i32 to index
        %get3A_1009 = arith.constant 16 : index
        %get3A_1010 = tpu.vector_load %arg8[%get3A_1007, %get3A_1008, %get3A_1009] {strides = array<i32>} : memref<8x200x32xf32, #tpu.memory_space<vmem>>, vector<16xf32>,
        %add3A_1011 = arith.addf %add3A_947, %get3A_1010 : vector<16xf32>
        %mul3A_1012 = arith.constant 8 : i32
        %mul3A_1013 = arith.muli %scan3A_923, %mul3A_1012 : i32
        %add3A_1014 = arith.constant 5 : i32
        %add3A_1015 = arith.addi %mul3A_1013, %add3A_1014 : i32
        %get3A_1016 = arith.constant 3 : i32
        %get3A_1017 = arith.index_cast %get3A_1016 : i32 to index
        %get3A_1018 = arith.index_cast %add3A_1015 : i32 to index
        %get3A_1019 = arith.constant 0 : index
        %get3A_1020 = tpu.vector_load %arg8[%get3A_1017, %get3A_1018, %get3A_1019] {strides = array<i32>} : memref<8x200x32xf32, #tpu.memory_space<vmem>>, vector<16xf32>,
        %add3A_1021 = arith.addf %add3A_957, %get3A_1020 : vector<16xf32>
        %get3A_1022 = arith.constant 3 : i32
        %get3A_1023 = arith.index_cast %get3A_1022 : i32 to index
        %get3A_1024 = arith.index_cast %add3A_1015 : i32 to index
        %get3A_1025 = arith.constant 16 : index
        %get3A_1026 = tpu.vector_load %arg8[%get3A_1023, %get3A_1024, %get3A_1025] {strides = array<i32>} : memref<8x200x32xf32, #tpu.memory_space<vmem>>, vector<16xf32>,
        %add3A_1027 = arith.addf %add3A_963, %get3A_1026 : vector<16xf32>
        %mul3A_1028 = arith.constant 8 : i32
        %mul3A_1029 = arith.muli %scan3A_923, %mul3A_1028 : i32
        %add3A_1030 = arith.constant 6 : i32
        %add3A_1031 = arith.addi %mul3A_1029, %add3A_1030 : i32
        %get3A_1032 = arith.constant 3 : i32
        %get3A_1033 = arith.index_cast %get3A_1032 : i32 to index
        %get3A_1034 = arith.index_cast %add3A_1031 : i32 to index
        %get3A_1035 = arith.constant 0 : index
        %get3A_1036 = tpu.vector_load %arg8[%get3A_1033, %get3A_1034, %get3A_1035] {strides = array<i32>} : memref<8x200x32xf32, #tpu.memory_space<vmem>>, vector<16xf32>,
        %add3A_1037 = arith.addf %add3A_973, %get3A_1036 : vector<16xf32>
        %get3A_1038 = arith.constant 3 : i32
        %get3A_1039 = arith.index_cast %get3A_1038 : i32 to index
        %get3A_1040 = arith.index_cast %add3A_1031 : i32 to index
        %get3A_1041 = arith.constant 16 : index
        %get3A_1042 = tpu.vector_load %arg8[%get3A_1039, %get3A_1040, %get3A_1041] {strides = array<i32>} : memref<8x200x32xf32, #tpu.memory_space<vmem>>, vector<16xf32>,
        %add3A_1043 = arith.addf %add3A_979, %get3A_1042 : vector<16xf32>
        %mul3A_1044 = arith.constant 8 : i32
        %mul3A_1045 = arith.muli %scan3A_923, %mul3A_1044 : i32
        %add3A_1046 = arith.constant 7 : i32
        %add3A_1047 = arith.addi %mul3A_1045, %add3A_1046 : i32
        %get3A_1048 = arith.constant 3 : i32
        %get3A_1049 = arith.index_cast %get3A_1048 : i32 to index
        %get3A_1050 = arith.index_cast %add3A_1047 : i32 to index
        %get3A_1051 = arith.constant 0 : index
        %get3A_1052 = tpu.vector_load %arg8[%get3A_1049, %get3A_1050, %get3A_1051] {strides = array<i32>} : memref<8x200x32xf32, #tpu.memory_space<vmem>>, vector<16xf32>,
        %add3A_1053 = arith.addf %add3A_989, %get3A_1052 : vector<16xf32>
        %get3A_1054 = arith.constant 3 : i32
        %get3A_1055 = arith.index_cast %get3A_1054 : i32 to index
        %get3A_1056 = arith.index_cast %add3A_1047 : i32 to index
        %get3A_1057 = arith.constant 16 : index
        %get3A_1058 = tpu.vector_load %arg8[%get3A_1055, %get3A_1056, %get3A_1057] {strides = array<i32>} : memref<8x200x32xf32, #tpu.memory_space<vmem>>, vector<16xf32>,
        %add3A_1059 = arith.addf %add3A_995, %get3A_1058 : vector<16xf32>
        scf.yield %add3A_1005, %add3A_1021, %add3A_1037, %add3A_1053, %add3A_1011, %add3A_1027, %add3A_1043, %add3A_1059 : vector<16xf32>, vector<16xf32>, vector<16xf32>, vector<16xf32>, vector<16xf32>, vector<16xf32>, vector<16xf32>, vector<16xf32>
      }
      %scan3A_491 = arith.constant 25 : i32
      %add3A_492 = arith.addf %scan3A_490#0, %scan3A_490#1 : vector<16xf32>
      %add3A_493 = arith.addf %scan3A_490#2, %scan3A_490#3 : vector<16xf32>
      %add3A_494 = arith.addf %add3A_492, %add3A_493 : vector<16xf32>
      %mul3A_495 = arith.constant 5.000000e-03 : f32
      %mul3A_496 = vector.broadcast %mul3A_495 : f32 to vector<16xf32>
      %mul3A_497 = arith.mulf %add3A_494, %mul3A_496 : vector<16xf32>
      %add3A_498 = arith.addf %scan3A_490#4, %scan3A_490#5 : vector<16xf32>
      %add3A_499 = arith.addf %scan3A_490#6, %scan3A_490#7 : vector<16xf32>
      %add3A_500 = arith.addf %add3A_498, %add3A_499 : vector<16xf32>
      %mul3A_501 = arith.constant 5.000000e-03 : f32
      %mul3A_502 = vector.broadcast %mul3A_501 : f32 to vector<16xf32>
      %mul3A_503 = arith.mulf %add3A_500, %mul3A_502 : vector<16xf32>
      %add3A_504 = arith.addf %mul3A_497, %get3A_3 : vector<16xf32>
      %add3A_505 = arith.addf %mul3A_503, %get3A_5 : vector<16xf32>
      %reduce_max3A_506 = arith.constant true
      %reduce_max3A_507 = vector.broadcast %reduce_max3A_506 : i1 to vector<16xi1>
      %reduce_max3A_508 = tpu.scan <max>, %add3A_504 masked %reduce_max3A_507 : vector<16xf32>, vector<16xi1> -> vector<16xf32>
      %reduce_max3A_509 = vector.extract %reduce_max3A_508[15] : f32 from vector<16xf32>
      %reduce_max3A_510 = arith.constant true
      %reduce_max3A_511 = vector.broadcast %reduce_max3A_510 : i1 to vector<16xi1>
      %reduce_max3A_512 = tpu.scan <max>, %add3A_505 masked %reduce_max3A_511 : vector<16xf32>, vector<16xi1> -> vector<16xf32>
      %reduce_max3A_513 = vector.extract %reduce_max3A_512[15] : f32 from vector<16xf32>
      %max3A_514 = arith.maximumf %reduce_max3A_509, %reduce_max3A_513 : f32
      %sub3A_515 = vector.broadcast %max3A_514 : f32 to vector<16xf32>
      %sub3A_516 = arith.subf %add3A_504, %sub3A_515 : vector<16xf32>
      %exp3A_517 = math.exp %sub3A_516 : vector<16xf32>
      %sub3A_518 = vector.broadcast %max3A_514 : f32 to vector<16xf32>
      %sub3A_519 = arith.subf %add3A_505, %sub3A_518 : vector<16xf32>
      %exp3A_520 = math.exp %sub3A_519 : vector<16xf32>
      %reduce_sum3A_521 = arith.constant true
      %reduce_sum3A_522 = vector.broadcast %reduce_sum3A_521 : i1 to vector<16xi1>
      %reduce_sum3A_523 = tpu.scan <sum>, %exp3A_517 masked %reduce_sum3A_522 : vector<16xf32>, vector<16xi1> -> vector<16xf32>
      %reduce_sum3A_524 = vector.extract %reduce_sum3A_523[15] : f32 from vector<16xf32>
      %reduce_sum3A_525 = arith.constant true
      %reduce_sum3A_526 = vector.broadcast %reduce_sum3A_525 : i1 to vector<16xi1>
      %reduce_sum3A_527 = tpu.scan <sum>, %exp3A_520 masked %reduce_sum3A_526 : vector<16xf32>, vector<16xi1> -> vector<16xf32>
      %reduce_sum3A_528 = vector.extract %reduce_sum3A_527[15] : f32 from vector<16xf32>
      %add3A_529 = arith.addf %reduce_sum3A_524, %reduce_sum3A_528 : f32
      %div3A_530 = vector.broadcast %add3A_529 : f32 to vector<16xf32>
      %div3A_531 = arith.divf %exp3A_517, %div3A_530 : vector<16xf32>
      %swap3A_532 = arith.index_cast %add3A_483 : i32 to index
      %swap3A_533 = arith.constant 0 : index
      %swap3A_534 = tpu.vector_load %arg9[%swap3A_532, %swap3A_533] {strides = array<i32>} : memref<128x32xf32, #tpu.memory_space<vmem>>, vector<16xf32>,
      tpu.vector_store %arg9[%swap3A_532, %swap3A_533], %div3A_531 {strides = array<i32>} : memref<128x32xf32, #tpu.memory_space<vmem>>, vector<16xf32>,
      %div3A_535 = vector.broadcast %add3A_529 : f32 to vector<16xf32>
      %div3A_536 = arith.divf %exp3A_520, %div3A_535 : vector<16xf32>
      %swap3A_537 = arith.index_cast %add3A_483 : i32 to index
      %swap3A_538 = arith.constant 16 : index
      %swap3A_539 = tpu.vector_load %arg9[%swap3A_537, %swap3A_538] {strides = array<i32>} : memref<128x32xf32, #tpu.memory_space<vmem>>, vector<16xf32>,
      tpu.vector_store %arg9[%swap3A_537, %swap3A_538], %div3A_536 {strides = array<i32>} : memref<128x32xf32, #tpu.memory_space<vmem>>, vector<16xf32>,
      %neg3A_540 = arith.constant 0.000000e+00 : f32
      %neg3A_541 = vector.broadcast %neg3A_540 : f32 to vector<16xf32>
      %neg3A_542 = arith.subf %neg3A_541, %mul3A_503 : vector<16xf32>
      %exp3A_543 = math.exp %neg3A_542 : vector<16xf32>
      %add3A_544 = arith.constant 1.000000e+00 : f32
      %add3A_545 = vector.broadcast %add3A_544 : f32 to vector<16xf32>
      %add3A_546 = arith.addf %add3A_545, %exp3A_543 : vector<16xf32>
      %div3A_547 = arith.constant 1.000000e+00 : f32
      %div3A_548 = vector.broadcast %div3A_547 : f32 to vector<16xf32>
      %div3A_549 = arith.divf %div3A_548, %add3A_546 : vector<16xf32>
      %swap3A_550 = arith.index_cast %add3A_483 : i32 to index
      %swap3A_551 = arith.constant 0 : index
      %swap3A_552 = tpu.vector_load %arg10[%swap3A_550, %swap3A_551] {strides = array<i32>} : memref<128x16xf32, #tpu.memory_space<vmem>>, vector<16xf32>,
      tpu.vector_store %arg10[%swap3A_550, %swap3A_551], %div3A_549 {strides = array<i32>} : memref<128x16xf32, #tpu.memory_space<vmem>>, vector<16xf32>,
      %lt3A_553 = arith.constant 15 : i32
      %lt3A_554 = arith.cmpi slt, %scan3A_203, %lt3A_553 : i32
      %convert_element_type3A_555 = arith.extui %lt3A_554 : i1 to i32
      %cond3A_556 = arith.constant 0 : i32
      %cond3A_557 = arith.cmpi ne, %convert_element_type3A_555, %cond3A_556 : i32
      scf.if %cond3A_557 {
        %add3A_923 = arith.constant 8 : i32
        %add3A_924 = arith.addi %mul3A_206, %add3A_923 : i32
        %add3A_925 = arith.constant 3 : i32
        %add3A_926 = arith.addi %add3A_924, %add3A_925 : i32
        %dma_start3A_927 = arith.constant 3 : i32
        %dma_start3A_928 = arith.constant 0 : i32
        %dma_start3A_929 = arith.constant 0 : i32
        %dma_start3A_930 = tpu.memref_slice %arg8[%dma_start3A_927, %dma_start3A_928, %dma_start3A_929] : memref<8x200x32xf32, #tpu.memory_space<vmem>> -> memref<1x104x32xf32, #tpu.memory_space<vmem>>
        %dma_start3A_931 = tpu.memref_squeeze %dma_start3A_930 : memref<1x104x32xf32, #tpu.memory_space<vmem>> -> memref<104x32xf32, #tpu.memory_space<vmem>>
        %dma_start3A_932 = arith.constant 0 : i32
        %dma_start3A_933 = tpu.memref_slice %arg7[%add3A_926, %dma_start3A_932] : memref<128x200xi32, #tpu.memory_space<vmem>> -> memref<1x104xi32, #tpu.memory_space<vmem>>
        %dma_start3A_934 = tpu.memref_squeeze %dma_start3A_933 : memref<1x104xi32, #tpu.memory_space<vmem>> -> memref<104xi32, #tpu.memory_space<vmem>>
        %dma_start3A_935 = arith.constant 0 : i32
        %dma_start3A_936 = arith.constant 0 : i32
        %dma_start3A_937 = tpu.memref_slice %arg3[%dma_start3A_935, %dma_start3A_936] : memref<100000x32xf32, #tpu.memory_space<hbm>> -> memref<100000x32xf32, #tpu.memory_space<hbm>>
        tpu.enqueue_indirect_dma source(%dma_start3A_937 : memref<100000x32xf32, #tpu.memory_space<hbm>>) target(%dma_start3A_931 : memref<104x32xf32, #tpu.memory_space<vmem>>) offsets(%dma_start3A_934 : memref<104xi32, #tpu.memory_space<vmem>>) semaphore(%arg15 : memref<!tpu.dma_semaphore, #tpu.memory_space<semaphore_mem>>)
        %dma_start3A_938 = arith.constant 3 : i32
        %dma_start3A_939 = arith.constant 104 : i32
        %dma_start3A_940 = arith.constant 0 : i32
        %dma_start3A_941 = tpu.memref_slice %arg8[%dma_start3A_938, %dma_start3A_939, %dma_start3A_940] : memref<8x200x32xf32, #tpu.memory_space<vmem>> -> memref<1x96x32xf32, #tpu.memory_space<vmem>>
        %dma_start3A_942 = tpu.memref_squeeze %dma_start3A_941 : memref<1x96x32xf32, #tpu.memory_space<vmem>> -> memref<96x32xf32, #tpu.memory_space<vmem>>
        %dma_start3A_943 = arith.constant 104 : i32
        %dma_start3A_944 = tpu.memref_slice %arg7[%add3A_926, %dma_start3A_943] : memref<128x200xi32, #tpu.memory_space<vmem>> -> memref<1x96xi32, #tpu.memory_space<vmem>>
        %dma_start3A_945 = tpu.memref_squeeze %dma_start3A_944 : memref<1x96xi32, #tpu.memory_space<vmem>> -> memref<96xi32, #tpu.memory_space<vmem>>
        %dma_start3A_946 = arith.constant 0 : i32
        %dma_start3A_947 = arith.constant 0 : i32
        %dma_start3A_948 = tpu.memref_slice %arg3[%dma_start3A_946, %dma_start3A_947] : memref<100000x32xf32, #tpu.memory_space<hbm>> -> memref<100000x32xf32, #tpu.memory_space<hbm>>
        tpu.enqueue_indirect_dma source(%dma_start3A_948 : memref<100000x32xf32, #tpu.memory_space<hbm>>) target(%dma_start3A_942 : memref<96x32xf32, #tpu.memory_space<vmem>>) offsets(%dma_start3A_945 : memref<96xi32, #tpu.memory_space<vmem>>) semaphore(%arg15 : memref<!tpu.dma_semaphore, #tpu.memory_space<semaphore_mem>>)
      } else {
      }
      %dma_wait3A_558 = arith.constant 4 : i32
      %dma_wait3A_559 = arith.constant 0 : i32
      %dma_wait3A_560 = arith.constant 0 : i32
      %dma_wait3A_561 = tpu.memref_slice %arg8[%dma_wait3A_558, %dma_wait3A_559, %dma_wait3A_560] : memref<8x200x32xf32, #tpu.memory_space<vmem>> -> memref<1x200x32xf32, #tpu.memory_space<vmem>>
      %dma_wait3A_562 = tpu.memref_squeeze %dma_wait3A_561 : memref<1x200x32xf32, #tpu.memory_space<vmem>> -> memref<200x32xf32, #tpu.memory_space<vmem>>
      %dma_wait3A_563 = arith.constant 0 : i32
      %dma_wait3A_564 = arith.constant 0 : i32
      %dma_wait3A_565 = tpu.memref_slice %arg3[%dma_wait3A_563, %dma_wait3A_564] : memref<100000x32xf32, #tpu.memory_space<hbm>> -> memref<200x32xf32, #tpu.memory_space<hbm>>
      %dma_wait3A_566 = arith.constant 0 : i32
      %dma_wait3A_567 = arith.constant 0 : i32
      %dma_wait3A_568 = tpu.memref_slice %arg8[%dma_wait3A_558, %dma_wait3A_566, %dma_wait3A_567] : memref<8x200x32xf32, #tpu.memory_space<vmem>> -> memref<1x200x32xf32, #tpu.memory_space<vmem>>
      %dma_wait3A_569 = tpu.memref_squeeze %dma_wait3A_568 : memref<1x200x32xf32, #tpu.memory_space<vmem>> -> memref<200x32xf32, #tpu.memory_space<vmem>>
      %dma_wait3A_570 = arith.constant 0 : i32
      %dma_wait3A_571 = arith.constant 0 : i32
      %dma_wait3A_572 = tpu.memref_slice %arg3[%dma_wait3A_570, %dma_wait3A_571] : memref<100000x32xf32, #tpu.memory_space<hbm>> -> memref<200x32xf32, #tpu.memory_space<hbm>>
      tpu.wait_dma2 semaphore(%arg16 : memref<!tpu.dma_semaphore, #tpu.memory_space<semaphore_mem>>) src(%dma_wait3A_572 : memref<200x32xf32, #tpu.memory_space<hbm>>) dst(%dma_wait3A_569 : memref<200x32xf32, #tpu.memory_space<vmem>>)
      %add3A_573 = arith.constant 4 : i32
      %add3A_574 = arith.addi %mul3A_206, %add3A_573 : i32
      %broadcast_in_dim3A_575 = arith.constant 0.000000e+00 : f32
      %broadcast_in_dim3A_576 = vector.broadcast %broadcast_in_dim3A_575 : f32 to vector<16xf32>
      %scan3A_577 = arith.constant 0 : i32
      %scan3A_578 = arith.constant 25 : i32
      %scan3A_579 = arith.addi %scan3A_577, %scan3A_578 : i32
      %scan3A_580 = arith.constant 1 : i32
      %scan3A_581:8 = scf.for %scan3A_923 = %scan3A_577 to %scan3A_579 step %scan3A_580 iter_args(%scan3A_924 = %broadcast_in_dim3A_576, %scan3A_925 = %broadcast_in_dim3A_576, %scan3A_926 = %broadcast_in_dim3A_576, %scan3A_927 = %broadcast_in_dim3A_576, %scan3A_928 = %broadcast_in_dim3A_576, %scan3A_929 = %broadcast_in_dim3A_576, %scan3A_930 = %broadcast_in_dim3A_576, %scan3A_931 = %broadcast_in_dim3A_576) -> (vector<16xf32>, vector<16xf32>, vector<16xf32>, vector<16xf32>, vector<16xf32>, vector<16xf32>, vector<16xf32>, vector<16xf32>)  : i32 {
        %mul3A_932 = arith.constant 8 : i32
        %mul3A_933 = arith.muli %scan3A_923, %mul3A_932 : i32
        %add3A_934 = arith.constant 0 : i32
        %add3A_935 = arith.addi %mul3A_933, %add3A_934 : i32
        %get3A_936 = arith.constant 4 : i32
        %get3A_937 = arith.index_cast %get3A_936 : i32 to index
        %get3A_938 = arith.index_cast %add3A_935 : i32 to index
        %get3A_939 = arith.constant 0 : index
        %get3A_940 = tpu.vector_load %arg8[%get3A_937, %get3A_938, %get3A_939] {strides = array<i32>} : memref<8x200x32xf32, #tpu.memory_space<vmem>>, vector<16xf32>,
        %add3A_941 = arith.addf %scan3A_924, %get3A_940 : vector<16xf32>
        %get3A_942 = arith.constant 4 : i32
        %get3A_943 = arith.index_cast %get3A_942 : i32 to index
        %get3A_944 = arith.index_cast %add3A_935 : i32 to index
        %get3A_945 = arith.constant 16 : index
        %get3A_946 = tpu.vector_load %arg8[%get3A_943, %get3A_944, %get3A_945] {strides = array<i32>} : memref<8x200x32xf32, #tpu.memory_space<vmem>>, vector<16xf32>,
        %add3A_947 = arith.addf %scan3A_928, %get3A_946 : vector<16xf32>
        %mul3A_948 = arith.constant 8 : i32
        %mul3A_949 = arith.muli %scan3A_923, %mul3A_948 : i32
        %add3A_950 = arith.constant 1 : i32
        %add3A_951 = arith.addi %mul3A_949, %add3A_950 : i32
        %get3A_952 = arith.constant 4 : i32
        %get3A_953 = arith.index_cast %get3A_952 : i32 to index
        %get3A_954 = arith.index_cast %add3A_951 : i32 to index
        %get3A_955 = arith.constant 0 : index
        %get3A_956 = tpu.vector_load %arg8[%get3A_953, %get3A_954, %get3A_955] {strides = array<i32>} : memref<8x200x32xf32, #tpu.memory_space<vmem>>, vector<16xf32>,
        %add3A_957 = arith.addf %scan3A_925, %get3A_956 : vector<16xf32>
        %get3A_958 = arith.constant 4 : i32
        %get3A_959 = arith.index_cast %get3A_958 : i32 to index
        %get3A_960 = arith.index_cast %add3A_951 : i32 to index
        %get3A_961 = arith.constant 16 : index
        %get3A_962 = tpu.vector_load %arg8[%get3A_959, %get3A_960, %get3A_961] {strides = array<i32>} : memref<8x200x32xf32, #tpu.memory_space<vmem>>, vector<16xf32>,
        %add3A_963 = arith.addf %scan3A_929, %get3A_962 : vector<16xf32>
        %mul3A_964 = arith.constant 8 : i32
        %mul3A_965 = arith.muli %scan3A_923, %mul3A_964 : i32
        %add3A_966 = arith.constant 2 : i32
        %add3A_967 = arith.addi %mul3A_965, %add3A_966 : i32
        %get3A_968 = arith.constant 4 : i32
        %get3A_969 = arith.index_cast %get3A_968 : i32 to index
        %get3A_970 = arith.index_cast %add3A_967 : i32 to index
        %get3A_971 = arith.constant 0 : index
        %get3A_972 = tpu.vector_load %arg8[%get3A_969, %get3A_970, %get3A_971] {strides = array<i32>} : memref<8x200x32xf32, #tpu.memory_space<vmem>>, vector<16xf32>,
        %add3A_973 = arith.addf %scan3A_926, %get3A_972 : vector<16xf32>
        %get3A_974 = arith.constant 4 : i32
        %get3A_975 = arith.index_cast %get3A_974 : i32 to index
        %get3A_976 = arith.index_cast %add3A_967 : i32 to index
        %get3A_977 = arith.constant 16 : index
        %get3A_978 = tpu.vector_load %arg8[%get3A_975, %get3A_976, %get3A_977] {strides = array<i32>} : memref<8x200x32xf32, #tpu.memory_space<vmem>>, vector<16xf32>,
        %add3A_979 = arith.addf %scan3A_930, %get3A_978 : vector<16xf32>
        %mul3A_980 = arith.constant 8 : i32
        %mul3A_981 = arith.muli %scan3A_923, %mul3A_980 : i32
        %add3A_982 = arith.constant 3 : i32
        %add3A_983 = arith.addi %mul3A_981, %add3A_982 : i32
        %get3A_984 = arith.constant 4 : i32
        %get3A_985 = arith.index_cast %get3A_984 : i32 to index
        %get3A_986 = arith.index_cast %add3A_983 : i32 to index
        %get3A_987 = arith.constant 0 : index
        %get3A_988 = tpu.vector_load %arg8[%get3A_985, %get3A_986, %get3A_987] {strides = array<i32>} : memref<8x200x32xf32, #tpu.memory_space<vmem>>, vector<16xf32>,
        %add3A_989 = arith.addf %scan3A_927, %get3A_988 : vector<16xf32>
        %get3A_990 = arith.constant 4 : i32
        %get3A_991 = arith.index_cast %get3A_990 : i32 to index
        %get3A_992 = arith.index_cast %add3A_983 : i32 to index
        %get3A_993 = arith.constant 16 : index
        %get3A_994 = tpu.vector_load %arg8[%get3A_991, %get3A_992, %get3A_993] {strides = array<i32>} : memref<8x200x32xf32, #tpu.memory_space<vmem>>, vector<16xf32>,
        %add3A_995 = arith.addf %scan3A_931, %get3A_994 : vector<16xf32>
        %mul3A_996 = arith.constant 8 : i32
        %mul3A_997 = arith.muli %scan3A_923, %mul3A_996 : i32
        %add3A_998 = arith.constant 4 : i32
        %add3A_999 = arith.addi %mul3A_997, %add3A_998 : i32
        %get3A_1000 = arith.constant 4 : i32
        %get3A_1001 = arith.index_cast %get3A_1000 : i32 to index
        %get3A_1002 = arith.index_cast %add3A_999 : i32 to index
        %get3A_1003 = arith.constant 0 : index
        %get3A_1004 = tpu.vector_load %arg8[%get3A_1001, %get3A_1002, %get3A_1003] {strides = array<i32>} : memref<8x200x32xf32, #tpu.memory_space<vmem>>, vector<16xf32>,
        %add3A_1005 = arith.addf %add3A_941, %get3A_1004 : vector<16xf32>
        %get3A_1006 = arith.constant 4 : i32
        %get3A_1007 = arith.index_cast %get3A_1006 : i32 to index
        %get3A_1008 = arith.index_cast %add3A_999 : i32 to index
        %get3A_1009 = arith.constant 16 : index
        %get3A_1010 = tpu.vector_load %arg8[%get3A_1007, %get3A_1008, %get3A_1009] {strides = array<i32>} : memref<8x200x32xf32, #tpu.memory_space<vmem>>, vector<16xf32>,
        %add3A_1011 = arith.addf %add3A_947, %get3A_1010 : vector<16xf32>
        %mul3A_1012 = arith.constant 8 : i32
        %mul3A_1013 = arith.muli %scan3A_923, %mul3A_1012 : i32
        %add3A_1014 = arith.constant 5 : i32
        %add3A_1015 = arith.addi %mul3A_1013, %add3A_1014 : i32
        %get3A_1016 = arith.constant 4 : i32
        %get3A_1017 = arith.index_cast %get3A_1016 : i32 to index
        %get3A_1018 = arith.index_cast %add3A_1015 : i32 to index
        %get3A_1019 = arith.constant 0 : index
        %get3A_1020 = tpu.vector_load %arg8[%get3A_1017, %get3A_1018, %get3A_1019] {strides = array<i32>} : memref<8x200x32xf32, #tpu.memory_space<vmem>>, vector<16xf32>,
        %add3A_1021 = arith.addf %add3A_957, %get3A_1020 : vector<16xf32>
        %get3A_1022 = arith.constant 4 : i32
        %get3A_1023 = arith.index_cast %get3A_1022 : i32 to index
        %get3A_1024 = arith.index_cast %add3A_1015 : i32 to index
        %get3A_1025 = arith.constant 16 : index
        %get3A_1026 = tpu.vector_load %arg8[%get3A_1023, %get3A_1024, %get3A_1025] {strides = array<i32>} : memref<8x200x32xf32, #tpu.memory_space<vmem>>, vector<16xf32>,
        %add3A_1027 = arith.addf %add3A_963, %get3A_1026 : vector<16xf32>
        %mul3A_1028 = arith.constant 8 : i32
        %mul3A_1029 = arith.muli %scan3A_923, %mul3A_1028 : i32
        %add3A_1030 = arith.constant 6 : i32
        %add3A_1031 = arith.addi %mul3A_1029, %add3A_1030 : i32
        %get3A_1032 = arith.constant 4 : i32
        %get3A_1033 = arith.index_cast %get3A_1032 : i32 to index
        %get3A_1034 = arith.index_cast %add3A_1031 : i32 to index
        %get3A_1035 = arith.constant 0 : index
        %get3A_1036 = tpu.vector_load %arg8[%get3A_1033, %get3A_1034, %get3A_1035] {strides = array<i32>} : memref<8x200x32xf32, #tpu.memory_space<vmem>>, vector<16xf32>,
        %add3A_1037 = arith.addf %add3A_973, %get3A_1036 : vector<16xf32>
        %get3A_1038 = arith.constant 4 : i32
        %get3A_1039 = arith.index_cast %get3A_1038 : i32 to index
        %get3A_1040 = arith.index_cast %add3A_1031 : i32 to index
        %get3A_1041 = arith.constant 16 : index
        %get3A_1042 = tpu.vector_load %arg8[%get3A_1039, %get3A_1040, %get3A_1041] {strides = array<i32>} : memref<8x200x32xf32, #tpu.memory_space<vmem>>, vector<16xf32>,
        %add3A_1043 = arith.addf %add3A_979, %get3A_1042 : vector<16xf32>
        %mul3A_1044 = arith.constant 8 : i32
        %mul3A_1045 = arith.muli %scan3A_923, %mul3A_1044 : i32
        %add3A_1046 = arith.constant 7 : i32
        %add3A_1047 = arith.addi %mul3A_1045, %add3A_1046 : i32
        %get3A_1048 = arith.constant 4 : i32
        %get3A_1049 = arith.index_cast %get3A_1048 : i32 to index
        %get3A_1050 = arith.index_cast %add3A_1047 : i32 to index
        %get3A_1051 = arith.constant 0 : index
        %get3A_1052 = tpu.vector_load %arg8[%get3A_1049, %get3A_1050, %get3A_1051] {strides = array<i32>} : memref<8x200x32xf32, #tpu.memory_space<vmem>>, vector<16xf32>,
        %add3A_1053 = arith.addf %add3A_989, %get3A_1052 : vector<16xf32>
        %get3A_1054 = arith.constant 4 : i32
        %get3A_1055 = arith.index_cast %get3A_1054 : i32 to index
        %get3A_1056 = arith.index_cast %add3A_1047 : i32 to index
        %get3A_1057 = arith.constant 16 : index
        %get3A_1058 = tpu.vector_load %arg8[%get3A_1055, %get3A_1056, %get3A_1057] {strides = array<i32>} : memref<8x200x32xf32, #tpu.memory_space<vmem>>, vector<16xf32>,
        %add3A_1059 = arith.addf %add3A_995, %get3A_1058 : vector<16xf32>
        scf.yield %add3A_1005, %add3A_1021, %add3A_1037, %add3A_1053, %add3A_1011, %add3A_1027, %add3A_1043, %add3A_1059 : vector<16xf32>, vector<16xf32>, vector<16xf32>, vector<16xf32>, vector<16xf32>, vector<16xf32>, vector<16xf32>, vector<16xf32>
      }
      %scan3A_582 = arith.constant 25 : i32
      %add3A_583 = arith.addf %scan3A_581#0, %scan3A_581#1 : vector<16xf32>
      %add3A_584 = arith.addf %scan3A_581#2, %scan3A_581#3 : vector<16xf32>
      %add3A_585 = arith.addf %add3A_583, %add3A_584 : vector<16xf32>
      %mul3A_586 = arith.constant 5.000000e-03 : f32
      %mul3A_587 = vector.broadcast %mul3A_586 : f32 to vector<16xf32>
      %mul3A_588 = arith.mulf %add3A_585, %mul3A_587 : vector<16xf32>
      %add3A_589 = arith.addf %scan3A_581#4, %scan3A_581#5 : vector<16xf32>
      %add3A_590 = arith.addf %scan3A_581#6, %scan3A_581#7 : vector<16xf32>
      %add3A_591 = arith.addf %add3A_589, %add3A_590 : vector<16xf32>
      %mul3A_592 = arith.constant 5.000000e-03 : f32
      %mul3A_593 = vector.broadcast %mul3A_592 : f32 to vector<16xf32>
      %mul3A_594 = arith.mulf %add3A_591, %mul3A_593 : vector<16xf32>
      %add3A_595 = arith.addf %mul3A_588, %get3A_3 : vector<16xf32>
      %add3A_596 = arith.addf %mul3A_594, %get3A_5 : vector<16xf32>
      %reduce_max3A_597 = arith.constant true
      %reduce_max3A_598 = vector.broadcast %reduce_max3A_597 : i1 to vector<16xi1>
      %reduce_max3A_599 = tpu.scan <max>, %add3A_595 masked %reduce_max3A_598 : vector<16xf32>, vector<16xi1> -> vector<16xf32>
      %reduce_max3A_600 = vector.extract %reduce_max3A_599[15] : f32 from vector<16xf32>
      %reduce_max3A_601 = arith.constant true
      %reduce_max3A_602 = vector.broadcast %reduce_max3A_601 : i1 to vector<16xi1>
      %reduce_max3A_603 = tpu.scan <max>, %add3A_596 masked %reduce_max3A_602 : vector<16xf32>, vector<16xi1> -> vector<16xf32>
      %reduce_max3A_604 = vector.extract %reduce_max3A_603[15] : f32 from vector<16xf32>
      %max3A_605 = arith.maximumf %reduce_max3A_600, %reduce_max3A_604 : f32
      %sub3A_606 = vector.broadcast %max3A_605 : f32 to vector<16xf32>
      %sub3A_607 = arith.subf %add3A_595, %sub3A_606 : vector<16xf32>
      %exp3A_608 = math.exp %sub3A_607 : vector<16xf32>
      %sub3A_609 = vector.broadcast %max3A_605 : f32 to vector<16xf32>
      %sub3A_610 = arith.subf %add3A_596, %sub3A_609 : vector<16xf32>
      %exp3A_611 = math.exp %sub3A_610 : vector<16xf32>
      %reduce_sum3A_612 = arith.constant true
      %reduce_sum3A_613 = vector.broadcast %reduce_sum3A_612 : i1 to vector<16xi1>
      %reduce_sum3A_614 = tpu.scan <sum>, %exp3A_608 masked %reduce_sum3A_613 : vector<16xf32>, vector<16xi1> -> vector<16xf32>
      %reduce_sum3A_615 = vector.extract %reduce_sum3A_614[15] : f32 from vector<16xf32>
      %reduce_sum3A_616 = arith.constant true
      %reduce_sum3A_617 = vector.broadcast %reduce_sum3A_616 : i1 to vector<16xi1>
      %reduce_sum3A_618 = tpu.scan <sum>, %exp3A_611 masked %reduce_sum3A_617 : vector<16xf32>, vector<16xi1> -> vector<16xf32>
      %reduce_sum3A_619 = vector.extract %reduce_sum3A_618[15] : f32 from vector<16xf32>
      %add3A_620 = arith.addf %reduce_sum3A_615, %reduce_sum3A_619 : f32
      %div3A_621 = vector.broadcast %add3A_620 : f32 to vector<16xf32>
      %div3A_622 = arith.divf %exp3A_608, %div3A_621 : vector<16xf32>
      %swap3A_623 = arith.index_cast %add3A_574 : i32 to index
      %swap3A_624 = arith.constant 0 : index
      %swap3A_625 = tpu.vector_load %arg9[%swap3A_623, %swap3A_624] {strides = array<i32>} : memref<128x32xf32, #tpu.memory_space<vmem>>, vector<16xf32>,
      tpu.vector_store %arg9[%swap3A_623, %swap3A_624], %div3A_622 {strides = array<i32>} : memref<128x32xf32, #tpu.memory_space<vmem>>, vector<16xf32>,
      %div3A_626 = vector.broadcast %add3A_620 : f32 to vector<16xf32>
      %div3A_627 = arith.divf %exp3A_611, %div3A_626 : vector<16xf32>
      %swap3A_628 = arith.index_cast %add3A_574 : i32 to index
      %swap3A_629 = arith.constant 16 : index
      %swap3A_630 = tpu.vector_load %arg9[%swap3A_628, %swap3A_629] {strides = array<i32>} : memref<128x32xf32, #tpu.memory_space<vmem>>, vector<16xf32>,
      tpu.vector_store %arg9[%swap3A_628, %swap3A_629], %div3A_627 {strides = array<i32>} : memref<128x32xf32, #tpu.memory_space<vmem>>, vector<16xf32>,
      %neg3A_631 = arith.constant 0.000000e+00 : f32
      %neg3A_632 = vector.broadcast %neg3A_631 : f32 to vector<16xf32>
      %neg3A_633 = arith.subf %neg3A_632, %mul3A_594 : vector<16xf32>
      %exp3A_634 = math.exp %neg3A_633 : vector<16xf32>
      %add3A_635 = arith.constant 1.000000e+00 : f32
      %add3A_636 = vector.broadcast %add3A_635 : f32 to vector<16xf32>
      %add3A_637 = arith.addf %add3A_636, %exp3A_634 : vector<16xf32>
      %div3A_638 = arith.constant 1.000000e+00 : f32
      %div3A_639 = vector.broadcast %div3A_638 : f32 to vector<16xf32>
      %div3A_640 = arith.divf %div3A_639, %add3A_637 : vector<16xf32>
      %swap3A_641 = arith.index_cast %add3A_574 : i32 to index
      %swap3A_642 = arith.constant 0 : index
      %swap3A_643 = tpu.vector_load %arg10[%swap3A_641, %swap3A_642] {strides = array<i32>} : memref<128x16xf32, #tpu.memory_space<vmem>>, vector<16xf32>,
      tpu.vector_store %arg10[%swap3A_641, %swap3A_642], %div3A_640 {strides = array<i32>} : memref<128x16xf32, #tpu.memory_space<vmem>>, vector<16xf32>,
      %lt3A_644 = arith.constant 15 : i32
      %lt3A_645 = arith.cmpi slt, %scan3A_203, %lt3A_644 : i32
      %convert_element_type3A_646 = arith.extui %lt3A_645 : i1 to i32
      %cond3A_647 = arith.constant 0 : i32
      %cond3A_648 = arith.cmpi ne, %convert_element_type3A_646, %cond3A_647 : i32
      scf.if %cond3A_648 {
        %add3A_923 = arith.constant 8 : i32
        %add3A_924 = arith.addi %mul3A_206, %add3A_923 : i32
        %add3A_925 = arith.constant 4 : i32
        %add3A_926 = arith.addi %add3A_924, %add3A_925 : i32
        %dma_start3A_927 = arith.constant 4 : i32
        %dma_start3A_928 = arith.constant 0 : i32
        %dma_start3A_929 = arith.constant 0 : i32
        %dma_start3A_930 = tpu.memref_slice %arg8[%dma_start3A_927, %dma_start3A_928, %dma_start3A_929] : memref<8x200x32xf32, #tpu.memory_space<vmem>> -> memref<1x104x32xf32, #tpu.memory_space<vmem>>
        %dma_start3A_931 = tpu.memref_squeeze %dma_start3A_930 : memref<1x104x32xf32, #tpu.memory_space<vmem>> -> memref<104x32xf32, #tpu.memory_space<vmem>>
        %dma_start3A_932 = arith.constant 0 : i32
        %dma_start3A_933 = tpu.memref_slice %arg7[%add3A_926, %dma_start3A_932] : memref<128x200xi32, #tpu.memory_space<vmem>> -> memref<1x104xi32, #tpu.memory_space<vmem>>
        %dma_start3A_934 = tpu.memref_squeeze %dma_start3A_933 : memref<1x104xi32, #tpu.memory_space<vmem>> -> memref<104xi32, #tpu.memory_space<vmem>>
        %dma_start3A_935 = arith.constant 0 : i32
        %dma_start3A_936 = arith.constant 0 : i32
        %dma_start3A_937 = tpu.memref_slice %arg3[%dma_start3A_935, %dma_start3A_936] : memref<100000x32xf32, #tpu.memory_space<hbm>> -> memref<100000x32xf32, #tpu.memory_space<hbm>>
        tpu.enqueue_indirect_dma source(%dma_start3A_937 : memref<100000x32xf32, #tpu.memory_space<hbm>>) target(%dma_start3A_931 : memref<104x32xf32, #tpu.memory_space<vmem>>) offsets(%dma_start3A_934 : memref<104xi32, #tpu.memory_space<vmem>>) semaphore(%arg16 : memref<!tpu.dma_semaphore, #tpu.memory_space<semaphore_mem>>)
        %dma_start3A_938 = arith.constant 4 : i32
        %dma_start3A_939 = arith.constant 104 : i32
        %dma_start3A_940 = arith.constant 0 : i32
        %dma_start3A_941 = tpu.memref_slice %arg8[%dma_start3A_938, %dma_start3A_939, %dma_start3A_940] : memref<8x200x32xf32, #tpu.memory_space<vmem>> -> memref<1x96x32xf32, #tpu.memory_space<vmem>>
        %dma_start3A_942 = tpu.memref_squeeze %dma_start3A_941 : memref<1x96x32xf32, #tpu.memory_space<vmem>> -> memref<96x32xf32, #tpu.memory_space<vmem>>
        %dma_start3A_943 = arith.constant 104 : i32
        %dma_start3A_944 = tpu.memref_slice %arg7[%add3A_926, %dma_start3A_943] : memref<128x200xi32, #tpu.memory_space<vmem>> -> memref<1x96xi32, #tpu.memory_space<vmem>>
        %dma_start3A_945 = tpu.memref_squeeze %dma_start3A_944 : memref<1x96xi32, #tpu.memory_space<vmem>> -> memref<96xi32, #tpu.memory_space<vmem>>
        %dma_start3A_946 = arith.constant 0 : i32
        %dma_start3A_947 = arith.constant 0 : i32
        %dma_start3A_948 = tpu.memref_slice %arg3[%dma_start3A_946, %dma_start3A_947] : memref<100000x32xf32, #tpu.memory_space<hbm>> -> memref<100000x32xf32, #tpu.memory_space<hbm>>
        tpu.enqueue_indirect_dma source(%dma_start3A_948 : memref<100000x32xf32, #tpu.memory_space<hbm>>) target(%dma_start3A_942 : memref<96x32xf32, #tpu.memory_space<vmem>>) offsets(%dma_start3A_945 : memref<96xi32, #tpu.memory_space<vmem>>) semaphore(%arg16 : memref<!tpu.dma_semaphore, #tpu.memory_space<semaphore_mem>>)
      } else {
      }
      %dma_wait3A_649 = arith.constant 5 : i32
      %dma_wait3A_650 = arith.constant 0 : i32
      %dma_wait3A_651 = arith.constant 0 : i32
      %dma_wait3A_652 = tpu.memref_slice %arg8[%dma_wait3A_649, %dma_wait3A_650, %dma_wait3A_651] : memref<8x200x32xf32, #tpu.memory_space<vmem>> -> memref<1x200x32xf32, #tpu.memory_space<vmem>>
      %dma_wait3A_653 = tpu.memref_squeeze %dma_wait3A_652 : memref<1x200x32xf32, #tpu.memory_space<vmem>> -> memref<200x32xf32, #tpu.memory_space<vmem>>
      %dma_wait3A_654 = arith.constant 0 : i32
      %dma_wait3A_655 = arith.constant 0 : i32
      %dma_wait3A_656 = tpu.memref_slice %arg3[%dma_wait3A_654, %dma_wait3A_655] : memref<100000x32xf32, #tpu.memory_space<hbm>> -> memref<200x32xf32, #tpu.memory_space<hbm>>
      %dma_wait3A_657 = arith.constant 0 : i32
      %dma_wait3A_658 = arith.constant 0 : i32
      %dma_wait3A_659 = tpu.memref_slice %arg8[%dma_wait3A_649, %dma_wait3A_657, %dma_wait3A_658] : memref<8x200x32xf32, #tpu.memory_space<vmem>> -> memref<1x200x32xf32, #tpu.memory_space<vmem>>
      %dma_wait3A_660 = tpu.memref_squeeze %dma_wait3A_659 : memref<1x200x32xf32, #tpu.memory_space<vmem>> -> memref<200x32xf32, #tpu.memory_space<vmem>>
      %dma_wait3A_661 = arith.constant 0 : i32
      %dma_wait3A_662 = arith.constant 0 : i32
      %dma_wait3A_663 = tpu.memref_slice %arg3[%dma_wait3A_661, %dma_wait3A_662] : memref<100000x32xf32, #tpu.memory_space<hbm>> -> memref<200x32xf32, #tpu.memory_space<hbm>>
      tpu.wait_dma2 semaphore(%arg17 : memref<!tpu.dma_semaphore, #tpu.memory_space<semaphore_mem>>) src(%dma_wait3A_663 : memref<200x32xf32, #tpu.memory_space<hbm>>) dst(%dma_wait3A_660 : memref<200x32xf32, #tpu.memory_space<vmem>>)
      %add3A_664 = arith.constant 5 : i32
      %add3A_665 = arith.addi %mul3A_206, %add3A_664 : i32
      %broadcast_in_dim3A_666 = arith.constant 0.000000e+00 : f32
      %broadcast_in_dim3A_667 = vector.broadcast %broadcast_in_dim3A_666 : f32 to vector<16xf32>
      %scan3A_668 = arith.constant 0 : i32
      %scan3A_669 = arith.constant 25 : i32
      %scan3A_670 = arith.addi %scan3A_668, %scan3A_669 : i32
      %scan3A_671 = arith.constant 1 : i32
      %scan3A_672:8 = scf.for %scan3A_923 = %scan3A_668 to %scan3A_670 step %scan3A_671 iter_args(%scan3A_924 = %broadcast_in_dim3A_667, %scan3A_925 = %broadcast_in_dim3A_667, %scan3A_926 = %broadcast_in_dim3A_667, %scan3A_927 = %broadcast_in_dim3A_667, %scan3A_928 = %broadcast_in_dim3A_667, %scan3A_929 = %broadcast_in_dim3A_667, %scan3A_930 = %broadcast_in_dim3A_667, %scan3A_931 = %broadcast_in_dim3A_667) -> (vector<16xf32>, vector<16xf32>, vector<16xf32>, vector<16xf32>, vector<16xf32>, vector<16xf32>, vector<16xf32>, vector<16xf32>)  : i32 {
        %mul3A_932 = arith.constant 8 : i32
        %mul3A_933 = arith.muli %scan3A_923, %mul3A_932 : i32
        %add3A_934 = arith.constant 0 : i32
        %add3A_935 = arith.addi %mul3A_933, %add3A_934 : i32
        %get3A_936 = arith.constant 5 : i32
        %get3A_937 = arith.index_cast %get3A_936 : i32 to index
        %get3A_938 = arith.index_cast %add3A_935 : i32 to index
        %get3A_939 = arith.constant 0 : index
        %get3A_940 = tpu.vector_load %arg8[%get3A_937, %get3A_938, %get3A_939] {strides = array<i32>} : memref<8x200x32xf32, #tpu.memory_space<vmem>>, vector<16xf32>,
        %add3A_941 = arith.addf %scan3A_924, %get3A_940 : vector<16xf32>
        %get3A_942 = arith.constant 5 : i32
        %get3A_943 = arith.index_cast %get3A_942 : i32 to index
        %get3A_944 = arith.index_cast %add3A_935 : i32 to index
        %get3A_945 = arith.constant 16 : index
        %get3A_946 = tpu.vector_load %arg8[%get3A_943, %get3A_944, %get3A_945] {strides = array<i32>} : memref<8x200x32xf32, #tpu.memory_space<vmem>>, vector<16xf32>,
        %add3A_947 = arith.addf %scan3A_928, %get3A_946 : vector<16xf32>
        %mul3A_948 = arith.constant 8 : i32
        %mul3A_949 = arith.muli %scan3A_923, %mul3A_948 : i32
        %add3A_950 = arith.constant 1 : i32
        %add3A_951 = arith.addi %mul3A_949, %add3A_950 : i32
        %get3A_952 = arith.constant 5 : i32
        %get3A_953 = arith.index_cast %get3A_952 : i32 to index
        %get3A_954 = arith.index_cast %add3A_951 : i32 to index
        %get3A_955 = arith.constant 0 : index
        %get3A_956 = tpu.vector_load %arg8[%get3A_953, %get3A_954, %get3A_955] {strides = array<i32>} : memref<8x200x32xf32, #tpu.memory_space<vmem>>, vector<16xf32>,
        %add3A_957 = arith.addf %scan3A_925, %get3A_956 : vector<16xf32>
        %get3A_958 = arith.constant 5 : i32
        %get3A_959 = arith.index_cast %get3A_958 : i32 to index
        %get3A_960 = arith.index_cast %add3A_951 : i32 to index
        %get3A_961 = arith.constant 16 : index
        %get3A_962 = tpu.vector_load %arg8[%get3A_959, %get3A_960, %get3A_961] {strides = array<i32>} : memref<8x200x32xf32, #tpu.memory_space<vmem>>, vector<16xf32>,
        %add3A_963 = arith.addf %scan3A_929, %get3A_962 : vector<16xf32>
        %mul3A_964 = arith.constant 8 : i32
        %mul3A_965 = arith.muli %scan3A_923, %mul3A_964 : i32
        %add3A_966 = arith.constant 2 : i32
        %add3A_967 = arith.addi %mul3A_965, %add3A_966 : i32
        %get3A_968 = arith.constant 5 : i32
        %get3A_969 = arith.index_cast %get3A_968 : i32 to index
        %get3A_970 = arith.index_cast %add3A_967 : i32 to index
        %get3A_971 = arith.constant 0 : index
        %get3A_972 = tpu.vector_load %arg8[%get3A_969, %get3A_970, %get3A_971] {strides = array<i32>} : memref<8x200x32xf32, #tpu.memory_space<vmem>>, vector<16xf32>,
        %add3A_973 = arith.addf %scan3A_926, %get3A_972 : vector<16xf32>
        %get3A_974 = arith.constant 5 : i32
        %get3A_975 = arith.index_cast %get3A_974 : i32 to index
        %get3A_976 = arith.index_cast %add3A_967 : i32 to index
        %get3A_977 = arith.constant 16 : index
        %get3A_978 = tpu.vector_load %arg8[%get3A_975, %get3A_976, %get3A_977] {strides = array<i32>} : memref<8x200x32xf32, #tpu.memory_space<vmem>>, vector<16xf32>,
        %add3A_979 = arith.addf %scan3A_930, %get3A_978 : vector<16xf32>
        %mul3A_980 = arith.constant 8 : i32
        %mul3A_981 = arith.muli %scan3A_923, %mul3A_980 : i32
        %add3A_982 = arith.constant 3 : i32
        %add3A_983 = arith.addi %mul3A_981, %add3A_982 : i32
        %get3A_984 = arith.constant 5 : i32
        %get3A_985 = arith.index_cast %get3A_984 : i32 to index
        %get3A_986 = arith.index_cast %add3A_983 : i32 to index
        %get3A_987 = arith.constant 0 : index
        %get3A_988 = tpu.vector_load %arg8[%get3A_985, %get3A_986, %get3A_987] {strides = array<i32>} : memref<8x200x32xf32, #tpu.memory_space<vmem>>, vector<16xf32>,
        %add3A_989 = arith.addf %scan3A_927, %get3A_988 : vector<16xf32>
        %get3A_990 = arith.constant 5 : i32
        %get3A_991 = arith.index_cast %get3A_990 : i32 to index
        %get3A_992 = arith.index_cast %add3A_983 : i32 to index
        %get3A_993 = arith.constant 16 : index
        %get3A_994 = tpu.vector_load %arg8[%get3A_991, %get3A_992, %get3A_993] {strides = array<i32>} : memref<8x200x32xf32, #tpu.memory_space<vmem>>, vector<16xf32>,
        %add3A_995 = arith.addf %scan3A_931, %get3A_994 : vector<16xf32>
        %mul3A_996 = arith.constant 8 : i32
        %mul3A_997 = arith.muli %scan3A_923, %mul3A_996 : i32
        %add3A_998 = arith.constant 4 : i32
        %add3A_999 = arith.addi %mul3A_997, %add3A_998 : i32
        %get3A_1000 = arith.constant 5 : i32
        %get3A_1001 = arith.index_cast %get3A_1000 : i32 to index
        %get3A_1002 = arith.index_cast %add3A_999 : i32 to index
        %get3A_1003 = arith.constant 0 : index
        %get3A_1004 = tpu.vector_load %arg8[%get3A_1001, %get3A_1002, %get3A_1003] {strides = array<i32>} : memref<8x200x32xf32, #tpu.memory_space<vmem>>, vector<16xf32>,
        %add3A_1005 = arith.addf %add3A_941, %get3A_1004 : vector<16xf32>
        %get3A_1006 = arith.constant 5 : i32
        %get3A_1007 = arith.index_cast %get3A_1006 : i32 to index
        %get3A_1008 = arith.index_cast %add3A_999 : i32 to index
        %get3A_1009 = arith.constant 16 : index
        %get3A_1010 = tpu.vector_load %arg8[%get3A_1007, %get3A_1008, %get3A_1009] {strides = array<i32>} : memref<8x200x32xf32, #tpu.memory_space<vmem>>, vector<16xf32>,
        %add3A_1011 = arith.addf %add3A_947, %get3A_1010 : vector<16xf32>
        %mul3A_1012 = arith.constant 8 : i32
        %mul3A_1013 = arith.muli %scan3A_923, %mul3A_1012 : i32
        %add3A_1014 = arith.constant 5 : i32
        %add3A_1015 = arith.addi %mul3A_1013, %add3A_1014 : i32
        %get3A_1016 = arith.constant 5 : i32
        %get3A_1017 = arith.index_cast %get3A_1016 : i32 to index
        %get3A_1018 = arith.index_cast %add3A_1015 : i32 to index
        %get3A_1019 = arith.constant 0 : index
        %get3A_1020 = tpu.vector_load %arg8[%get3A_1017, %get3A_1018, %get3A_1019] {strides = array<i32>} : memref<8x200x32xf32, #tpu.memory_space<vmem>>, vector<16xf32>,
        %add3A_1021 = arith.addf %add3A_957, %get3A_1020 : vector<16xf32>
        %get3A_1022 = arith.constant 5 : i32
        %get3A_1023 = arith.index_cast %get3A_1022 : i32 to index
        %get3A_1024 = arith.index_cast %add3A_1015 : i32 to index
        %get3A_1025 = arith.constant 16 : index
        %get3A_1026 = tpu.vector_load %arg8[%get3A_1023, %get3A_1024, %get3A_1025] {strides = array<i32>} : memref<8x200x32xf32, #tpu.memory_space<vmem>>, vector<16xf32>,
        %add3A_1027 = arith.addf %add3A_963, %get3A_1026 : vector<16xf32>
        %mul3A_1028 = arith.constant 8 : i32
        %mul3A_1029 = arith.muli %scan3A_923, %mul3A_1028 : i32
        %add3A_1030 = arith.constant 6 : i32
        %add3A_1031 = arith.addi %mul3A_1029, %add3A_1030 : i32
        %get3A_1032 = arith.constant 5 : i32
        %get3A_1033 = arith.index_cast %get3A_1032 : i32 to index
        %get3A_1034 = arith.index_cast %add3A_1031 : i32 to index
        %get3A_1035 = arith.constant 0 : index
        %get3A_1036 = tpu.vector_load %arg8[%get3A_1033, %get3A_1034, %get3A_1035] {strides = array<i32>} : memref<8x200x32xf32, #tpu.memory_space<vmem>>, vector<16xf32>,
        %add3A_1037 = arith.addf %add3A_973, %get3A_1036 : vector<16xf32>
        %get3A_1038 = arith.constant 5 : i32
        %get3A_1039 = arith.index_cast %get3A_1038 : i32 to index
        %get3A_1040 = arith.index_cast %add3A_1031 : i32 to index
        %get3A_1041 = arith.constant 16 : index
        %get3A_1042 = tpu.vector_load %arg8[%get3A_1039, %get3A_1040, %get3A_1041] {strides = array<i32>} : memref<8x200x32xf32, #tpu.memory_space<vmem>>, vector<16xf32>,
        %add3A_1043 = arith.addf %add3A_979, %get3A_1042 : vector<16xf32>
        %mul3A_1044 = arith.constant 8 : i32
        %mul3A_1045 = arith.muli %scan3A_923, %mul3A_1044 : i32
        %add3A_1046 = arith.constant 7 : i32
        %add3A_1047 = arith.addi %mul3A_1045, %add3A_1046 : i32
        %get3A_1048 = arith.constant 5 : i32
        %get3A_1049 = arith.index_cast %get3A_1048 : i32 to index
        %get3A_1050 = arith.index_cast %add3A_1047 : i32 to index
        %get3A_1051 = arith.constant 0 : index
        %get3A_1052 = tpu.vector_load %arg8[%get3A_1049, %get3A_1050, %get3A_1051] {strides = array<i32>} : memref<8x200x32xf32, #tpu.memory_space<vmem>>, vector<16xf32>,
        %add3A_1053 = arith.addf %add3A_989, %get3A_1052 : vector<16xf32>
        %get3A_1054 = arith.constant 5 : i32
        %get3A_1055 = arith.index_cast %get3A_1054 : i32 to index
        %get3A_1056 = arith.index_cast %add3A_1047 : i32 to index
        %get3A_1057 = arith.constant 16 : index
        %get3A_1058 = tpu.vector_load %arg8[%get3A_1055, %get3A_1056, %get3A_1057] {strides = array<i32>} : memref<8x200x32xf32, #tpu.memory_space<vmem>>, vector<16xf32>,
        %add3A_1059 = arith.addf %add3A_995, %get3A_1058 : vector<16xf32>
        scf.yield %add3A_1005, %add3A_1021, %add3A_1037, %add3A_1053, %add3A_1011, %add3A_1027, %add3A_1043, %add3A_1059 : vector<16xf32>, vector<16xf32>, vector<16xf32>, vector<16xf32>, vector<16xf32>, vector<16xf32>, vector<16xf32>, vector<16xf32>
      }
      %scan3A_673 = arith.constant 25 : i32
      %add3A_674 = arith.addf %scan3A_672#0, %scan3A_672#1 : vector<16xf32>
      %add3A_675 = arith.addf %scan3A_672#2, %scan3A_672#3 : vector<16xf32>
      %add3A_676 = arith.addf %add3A_674, %add3A_675 : vector<16xf32>
      %mul3A_677 = arith.constant 5.000000e-03 : f32
      %mul3A_678 = vector.broadcast %mul3A_677 : f32 to vector<16xf32>
      %mul3A_679 = arith.mulf %add3A_676, %mul3A_678 : vector<16xf32>
      %add3A_680 = arith.addf %scan3A_672#4, %scan3A_672#5 : vector<16xf32>
      %add3A_681 = arith.addf %scan3A_672#6, %scan3A_672#7 : vector<16xf32>
      %add3A_682 = arith.addf %add3A_680, %add3A_681 : vector<16xf32>
      %mul3A_683 = arith.constant 5.000000e-03 : f32
      %mul3A_684 = vector.broadcast %mul3A_683 : f32 to vector<16xf32>
      %mul3A_685 = arith.mulf %add3A_682, %mul3A_684 : vector<16xf32>
      %add3A_686 = arith.addf %mul3A_679, %get3A_3 : vector<16xf32>
      %add3A_687 = arith.addf %mul3A_685, %get3A_5 : vector<16xf32>
      %reduce_max3A_688 = arith.constant true
      %reduce_max3A_689 = vector.broadcast %reduce_max3A_688 : i1 to vector<16xi1>
      %reduce_max3A_690 = tpu.scan <max>, %add3A_686 masked %reduce_max3A_689 : vector<16xf32>, vector<16xi1> -> vector<16xf32>
      %reduce_max3A_691 = vector.extract %reduce_max3A_690[15] : f32 from vector<16xf32>
      %reduce_max3A_692 = arith.constant true
      %reduce_max3A_693 = vector.broadcast %reduce_max3A_692 : i1 to vector<16xi1>
      %reduce_max3A_694 = tpu.scan <max>, %add3A_687 masked %reduce_max3A_693 : vector<16xf32>, vector<16xi1> -> vector<16xf32>
      %reduce_max3A_695 = vector.extract %reduce_max3A_694[15] : f32 from vector<16xf32>
      %max3A_696 = arith.maximumf %reduce_max3A_691, %reduce_max3A_695 : f32
      %sub3A_697 = vector.broadcast %max3A_696 : f32 to vector<16xf32>
      %sub3A_698 = arith.subf %add3A_686, %sub3A_697 : vector<16xf32>
      %exp3A_699 = math.exp %sub3A_698 : vector<16xf32>
      %sub3A_700 = vector.broadcast %max3A_696 : f32 to vector<16xf32>
      %sub3A_701 = arith.subf %add3A_687, %sub3A_700 : vector<16xf32>
      %exp3A_702 = math.exp %sub3A_701 : vector<16xf32>
      %reduce_sum3A_703 = arith.constant true
      %reduce_sum3A_704 = vector.broadcast %reduce_sum3A_703 : i1 to vector<16xi1>
      %reduce_sum3A_705 = tpu.scan <sum>, %exp3A_699 masked %reduce_sum3A_704 : vector<16xf32>, vector<16xi1> -> vector<16xf32>
      %reduce_sum3A_706 = vector.extract %reduce_sum3A_705[15] : f32 from vector<16xf32>
      %reduce_sum3A_707 = arith.constant true
      %reduce_sum3A_708 = vector.broadcast %reduce_sum3A_707 : i1 to vector<16xi1>
      %reduce_sum3A_709 = tpu.scan <sum>, %exp3A_702 masked %reduce_sum3A_708 : vector<16xf32>, vector<16xi1> -> vector<16xf32>
      %reduce_sum3A_710 = vector.extract %reduce_sum3A_709[15] : f32 from vector<16xf32>
      %add3A_711 = arith.addf %reduce_sum3A_706, %reduce_sum3A_710 : f32
      %div3A_712 = vector.broadcast %add3A_711 : f32 to vector<16xf32>
      %div3A_713 = arith.divf %exp3A_699, %div3A_712 : vector<16xf32>
      %swap3A_714 = arith.index_cast %add3A_665 : i32 to index
      %swap3A_715 = arith.constant 0 : index
      %swap3A_716 = tpu.vector_load %arg9[%swap3A_714, %swap3A_715] {strides = array<i32>} : memref<128x32xf32, #tpu.memory_space<vmem>>, vector<16xf32>,
      tpu.vector_store %arg9[%swap3A_714, %swap3A_715], %div3A_713 {strides = array<i32>} : memref<128x32xf32, #tpu.memory_space<vmem>>, vector<16xf32>,
      %div3A_717 = vector.broadcast %add3A_711 : f32 to vector<16xf32>
      %div3A_718 = arith.divf %exp3A_702, %div3A_717 : vector<16xf32>
      %swap3A_719 = arith.index_cast %add3A_665 : i32 to index
      %swap3A_720 = arith.constant 16 : index
      %swap3A_721 = tpu.vector_load %arg9[%swap3A_719, %swap3A_720] {strides = array<i32>} : memref<128x32xf32, #tpu.memory_space<vmem>>, vector<16xf32>,
      tpu.vector_store %arg9[%swap3A_719, %swap3A_720], %div3A_718 {strides = array<i32>} : memref<128x32xf32, #tpu.memory_space<vmem>>, vector<16xf32>,
      %neg3A_722 = arith.constant 0.000000e+00 : f32
      %neg3A_723 = vector.broadcast %neg3A_722 : f32 to vector<16xf32>
      %neg3A_724 = arith.subf %neg3A_723, %mul3A_685 : vector<16xf32>
      %exp3A_725 = math.exp %neg3A_724 : vector<16xf32>
      %add3A_726 = arith.constant 1.000000e+00 : f32
      %add3A_727 = vector.broadcast %add3A_726 : f32 to vector<16xf32>
      %add3A_728 = arith.addf %add3A_727, %exp3A_725 : vector<16xf32>
      %div3A_729 = arith.constant 1.000000e+00 : f32
      %div3A_730 = vector.broadcast %div3A_729 : f32 to vector<16xf32>
      %div3A_731 = arith.divf %div3A_730, %add3A_728 : vector<16xf32>
      %swap3A_732 = arith.index_cast %add3A_665 : i32 to index
      %swap3A_733 = arith.constant 0 : index
      %swap3A_734 = tpu.vector_load %arg10[%swap3A_732, %swap3A_733] {strides = array<i32>} : memref<128x16xf32, #tpu.memory_space<vmem>>, vector<16xf32>,
      tpu.vector_store %arg10[%swap3A_732, %swap3A_733], %div3A_731 {strides = array<i32>} : memref<128x16xf32, #tpu.memory_space<vmem>>, vector<16xf32>,
      %lt3A_735 = arith.constant 15 : i32
      %lt3A_736 = arith.cmpi slt, %scan3A_203, %lt3A_735 : i32
      %convert_element_type3A_737 = arith.extui %lt3A_736 : i1 to i32
      %cond3A_738 = arith.constant 0 : i32
      %cond3A_739 = arith.cmpi ne, %convert_element_type3A_737, %cond3A_738 : i32
      scf.if %cond3A_739 {
        %add3A_923 = arith.constant 8 : i32
        %add3A_924 = arith.addi %mul3A_206, %add3A_923 : i32
        %add3A_925 = arith.constant 5 : i32
        %add3A_926 = arith.addi %add3A_924, %add3A_925 : i32
        %dma_start3A_927 = arith.constant 5 : i32
        %dma_start3A_928 = arith.constant 0 : i32
        %dma_start3A_929 = arith.constant 0 : i32
        %dma_start3A_930 = tpu.memref_slice %arg8[%dma_start3A_927, %dma_start3A_928, %dma_start3A_929] : memref<8x200x32xf32, #tpu.memory_space<vmem>> -> memref<1x104x32xf32, #tpu.memory_space<vmem>>
        %dma_start3A_931 = tpu.memref_squeeze %dma_start3A_930 : memref<1x104x32xf32, #tpu.memory_space<vmem>> -> memref<104x32xf32, #tpu.memory_space<vmem>>
        %dma_start3A_932 = arith.constant 0 : i32
        %dma_start3A_933 = tpu.memref_slice %arg7[%add3A_926, %dma_start3A_932] : memref<128x200xi32, #tpu.memory_space<vmem>> -> memref<1x104xi32, #tpu.memory_space<vmem>>
        %dma_start3A_934 = tpu.memref_squeeze %dma_start3A_933 : memref<1x104xi32, #tpu.memory_space<vmem>> -> memref<104xi32, #tpu.memory_space<vmem>>
        %dma_start3A_935 = arith.constant 0 : i32
        %dma_start3A_936 = arith.constant 0 : i32
        %dma_start3A_937 = tpu.memref_slice %arg3[%dma_start3A_935, %dma_start3A_936] : memref<100000x32xf32, #tpu.memory_space<hbm>> -> memref<100000x32xf32, #tpu.memory_space<hbm>>
        tpu.enqueue_indirect_dma source(%dma_start3A_937 : memref<100000x32xf32, #tpu.memory_space<hbm>>) target(%dma_start3A_931 : memref<104x32xf32, #tpu.memory_space<vmem>>) offsets(%dma_start3A_934 : memref<104xi32, #tpu.memory_space<vmem>>) semaphore(%arg17 : memref<!tpu.dma_semaphore, #tpu.memory_space<semaphore_mem>>)
        %dma_start3A_938 = arith.constant 5 : i32
        %dma_start3A_939 = arith.constant 104 : i32
        %dma_start3A_940 = arith.constant 0 : i32
        %dma_start3A_941 = tpu.memref_slice %arg8[%dma_start3A_938, %dma_start3A_939, %dma_start3A_940] : memref<8x200x32xf32, #tpu.memory_space<vmem>> -> memref<1x96x32xf32, #tpu.memory_space<vmem>>
        %dma_start3A_942 = tpu.memref_squeeze %dma_start3A_941 : memref<1x96x32xf32, #tpu.memory_space<vmem>> -> memref<96x32xf32, #tpu.memory_space<vmem>>
        %dma_start3A_943 = arith.constant 104 : i32
        %dma_start3A_944 = tpu.memref_slice %arg7[%add3A_926, %dma_start3A_943] : memref<128x200xi32, #tpu.memory_space<vmem>> -> memref<1x96xi32, #tpu.memory_space<vmem>>
        %dma_start3A_945 = tpu.memref_squeeze %dma_start3A_944 : memref<1x96xi32, #tpu.memory_space<vmem>> -> memref<96xi32, #tpu.memory_space<vmem>>
        %dma_start3A_946 = arith.constant 0 : i32
        %dma_start3A_947 = arith.constant 0 : i32
        %dma_start3A_948 = tpu.memref_slice %arg3[%dma_start3A_946, %dma_start3A_947] : memref<100000x32xf32, #tpu.memory_space<hbm>> -> memref<100000x32xf32, #tpu.memory_space<hbm>>
        tpu.enqueue_indirect_dma source(%dma_start3A_948 : memref<100000x32xf32, #tpu.memory_space<hbm>>) target(%dma_start3A_942 : memref<96x32xf32, #tpu.memory_space<vmem>>) offsets(%dma_start3A_945 : memref<96xi32, #tpu.memory_space<vmem>>) semaphore(%arg17 : memref<!tpu.dma_semaphore, #tpu.memory_space<semaphore_mem>>)
      } else {
      }
      %dma_wait3A_740 = arith.constant 6 : i32
      %dma_wait3A_741 = arith.constant 0 : i32
      %dma_wait3A_742 = arith.constant 0 : i32
      %dma_wait3A_743 = tpu.memref_slice %arg8[%dma_wait3A_740, %dma_wait3A_741, %dma_wait3A_742] : memref<8x200x32xf32, #tpu.memory_space<vmem>> -> memref<1x200x32xf32, #tpu.memory_space<vmem>>
      %dma_wait3A_744 = tpu.memref_squeeze %dma_wait3A_743 : memref<1x200x32xf32, #tpu.memory_space<vmem>> -> memref<200x32xf32, #tpu.memory_space<vmem>>
      %dma_wait3A_745 = arith.constant 0 : i32
      %dma_wait3A_746 = arith.constant 0 : i32
      %dma_wait3A_747 = tpu.memref_slice %arg3[%dma_wait3A_745, %dma_wait3A_746] : memref<100000x32xf32, #tpu.memory_space<hbm>> -> memref<200x32xf32, #tpu.memory_space<hbm>>
      %dma_wait3A_748 = arith.constant 0 : i32
      %dma_wait3A_749 = arith.constant 0 : i32
      %dma_wait3A_750 = tpu.memref_slice %arg8[%dma_wait3A_740, %dma_wait3A_748, %dma_wait3A_749] : memref<8x200x32xf32, #tpu.memory_space<vmem>> -> memref<1x200x32xf32, #tpu.memory_space<vmem>>
      %dma_wait3A_751 = tpu.memref_squeeze %dma_wait3A_750 : memref<1x200x32xf32, #tpu.memory_space<vmem>> -> memref<200x32xf32, #tpu.memory_space<vmem>>
      %dma_wait3A_752 = arith.constant 0 : i32
      %dma_wait3A_753 = arith.constant 0 : i32
      %dma_wait3A_754 = tpu.memref_slice %arg3[%dma_wait3A_752, %dma_wait3A_753] : memref<100000x32xf32, #tpu.memory_space<hbm>> -> memref<200x32xf32, #tpu.memory_space<hbm>>
      tpu.wait_dma2 semaphore(%arg18 : memref<!tpu.dma_semaphore, #tpu.memory_space<semaphore_mem>>) src(%dma_wait3A_754 : memref<200x32xf32, #tpu.memory_space<hbm>>) dst(%dma_wait3A_751 : memref<200x32xf32, #tpu.memory_space<vmem>>)
      %add3A_755 = arith.constant 6 : i32
      %add3A_756 = arith.addi %mul3A_206, %add3A_755 : i32
      %broadcast_in_dim3A_757 = arith.constant 0.000000e+00 : f32
      %broadcast_in_dim3A_758 = vector.broadcast %broadcast_in_dim3A_757 : f32 to vector<16xf32>
      %scan3A_759 = arith.constant 0 : i32
      %scan3A_760 = arith.constant 25 : i32
      %scan3A_761 = arith.addi %scan3A_759, %scan3A_760 : i32
      %scan3A_762 = arith.constant 1 : i32
      %scan3A_763:8 = scf.for %scan3A_923 = %scan3A_759 to %scan3A_761 step %scan3A_762 iter_args(%scan3A_924 = %broadcast_in_dim3A_758, %scan3A_925 = %broadcast_in_dim3A_758, %scan3A_926 = %broadcast_in_dim3A_758, %scan3A_927 = %broadcast_in_dim3A_758, %scan3A_928 = %broadcast_in_dim3A_758, %scan3A_929 = %broadcast_in_dim3A_758, %scan3A_930 = %broadcast_in_dim3A_758, %scan3A_931 = %broadcast_in_dim3A_758) -> (vector<16xf32>, vector<16xf32>, vector<16xf32>, vector<16xf32>, vector<16xf32>, vector<16xf32>, vector<16xf32>, vector<16xf32>)  : i32 {
        %mul3A_932 = arith.constant 8 : i32
        %mul3A_933 = arith.muli %scan3A_923, %mul3A_932 : i32
        %add3A_934 = arith.constant 0 : i32
        %add3A_935 = arith.addi %mul3A_933, %add3A_934 : i32
        %get3A_936 = arith.constant 6 : i32
        %get3A_937 = arith.index_cast %get3A_936 : i32 to index
        %get3A_938 = arith.index_cast %add3A_935 : i32 to index
        %get3A_939 = arith.constant 0 : index
        %get3A_940 = tpu.vector_load %arg8[%get3A_937, %get3A_938, %get3A_939] {strides = array<i32>} : memref<8x200x32xf32, #tpu.memory_space<vmem>>, vector<16xf32>,
        %add3A_941 = arith.addf %scan3A_924, %get3A_940 : vector<16xf32>
        %get3A_942 = arith.constant 6 : i32
        %get3A_943 = arith.index_cast %get3A_942 : i32 to index
        %get3A_944 = arith.index_cast %add3A_935 : i32 to index
        %get3A_945 = arith.constant 16 : index
        %get3A_946 = tpu.vector_load %arg8[%get3A_943, %get3A_944, %get3A_945] {strides = array<i32>} : memref<8x200x32xf32, #tpu.memory_space<vmem>>, vector<16xf32>,
        %add3A_947 = arith.addf %scan3A_928, %get3A_946 : vector<16xf32>
        %mul3A_948 = arith.constant 8 : i32
        %mul3A_949 = arith.muli %scan3A_923, %mul3A_948 : i32
        %add3A_950 = arith.constant 1 : i32
        %add3A_951 = arith.addi %mul3A_949, %add3A_950 : i32
        %get3A_952 = arith.constant 6 : i32
        %get3A_953 = arith.index_cast %get3A_952 : i32 to index
        %get3A_954 = arith.index_cast %add3A_951 : i32 to index
        %get3A_955 = arith.constant 0 : index
        %get3A_956 = tpu.vector_load %arg8[%get3A_953, %get3A_954, %get3A_955] {strides = array<i32>} : memref<8x200x32xf32, #tpu.memory_space<vmem>>, vector<16xf32>,
        %add3A_957 = arith.addf %scan3A_925, %get3A_956 : vector<16xf32>
        %get3A_958 = arith.constant 6 : i32
        %get3A_959 = arith.index_cast %get3A_958 : i32 to index
        %get3A_960 = arith.index_cast %add3A_951 : i32 to index
        %get3A_961 = arith.constant 16 : index
        %get3A_962 = tpu.vector_load %arg8[%get3A_959, %get3A_960, %get3A_961] {strides = array<i32>} : memref<8x200x32xf32, #tpu.memory_space<vmem>>, vector<16xf32>,
        %add3A_963 = arith.addf %scan3A_929, %get3A_962 : vector<16xf32>
        %mul3A_964 = arith.constant 8 : i32
        %mul3A_965 = arith.muli %scan3A_923, %mul3A_964 : i32
        %add3A_966 = arith.constant 2 : i32
        %add3A_967 = arith.addi %mul3A_965, %add3A_966 : i32
        %get3A_968 = arith.constant 6 : i32
        %get3A_969 = arith.index_cast %get3A_968 : i32 to index
        %get3A_970 = arith.index_cast %add3A_967 : i32 to index
        %get3A_971 = arith.constant 0 : index
        %get3A_972 = tpu.vector_load %arg8[%get3A_969, %get3A_970, %get3A_971] {strides = array<i32>} : memref<8x200x32xf32, #tpu.memory_space<vmem>>, vector<16xf32>,
        %add3A_973 = arith.addf %scan3A_926, %get3A_972 : vector<16xf32>
        %get3A_974 = arith.constant 6 : i32
        %get3A_975 = arith.index_cast %get3A_974 : i32 to index
        %get3A_976 = arith.index_cast %add3A_967 : i32 to index
        %get3A_977 = arith.constant 16 : index
        %get3A_978 = tpu.vector_load %arg8[%get3A_975, %get3A_976, %get3A_977] {strides = array<i32>} : memref<8x200x32xf32, #tpu.memory_space<vmem>>, vector<16xf32>,
        %add3A_979 = arith.addf %scan3A_930, %get3A_978 : vector<16xf32>
        %mul3A_980 = arith.constant 8 : i32
        %mul3A_981 = arith.muli %scan3A_923, %mul3A_980 : i32
        %add3A_982 = arith.constant 3 : i32
        %add3A_983 = arith.addi %mul3A_981, %add3A_982 : i32
        %get3A_984 = arith.constant 6 : i32
        %get3A_985 = arith.index_cast %get3A_984 : i32 to index
        %get3A_986 = arith.index_cast %add3A_983 : i32 to index
        %get3A_987 = arith.constant 0 : index
        %get3A_988 = tpu.vector_load %arg8[%get3A_985, %get3A_986, %get3A_987] {strides = array<i32>} : memref<8x200x32xf32, #tpu.memory_space<vmem>>, vector<16xf32>,
        %add3A_989 = arith.addf %scan3A_927, %get3A_988 : vector<16xf32>
        %get3A_990 = arith.constant 6 : i32
        %get3A_991 = arith.index_cast %get3A_990 : i32 to index
        %get3A_992 = arith.index_cast %add3A_983 : i32 to index
        %get3A_993 = arith.constant 16 : index
        %get3A_994 = tpu.vector_load %arg8[%get3A_991, %get3A_992, %get3A_993] {strides = array<i32>} : memref<8x200x32xf32, #tpu.memory_space<vmem>>, vector<16xf32>,
        %add3A_995 = arith.addf %scan3A_931, %get3A_994 : vector<16xf32>
        %mul3A_996 = arith.constant 8 : i32
        %mul3A_997 = arith.muli %scan3A_923, %mul3A_996 : i32
        %add3A_998 = arith.constant 4 : i32
        %add3A_999 = arith.addi %mul3A_997, %add3A_998 : i32
        %get3A_1000 = arith.constant 6 : i32
        %get3A_1001 = arith.index_cast %get3A_1000 : i32 to index
        %get3A_1002 = arith.index_cast %add3A_999 : i32 to index
        %get3A_1003 = arith.constant 0 : index
        %get3A_1004 = tpu.vector_load %arg8[%get3A_1001, %get3A_1002, %get3A_1003] {strides = array<i32>} : memref<8x200x32xf32, #tpu.memory_space<vmem>>, vector<16xf32>,
        %add3A_1005 = arith.addf %add3A_941, %get3A_1004 : vector<16xf32>
        %get3A_1006 = arith.constant 6 : i32
        %get3A_1007 = arith.index_cast %get3A_1006 : i32 to index
        %get3A_1008 = arith.index_cast %add3A_999 : i32 to index
        %get3A_1009 = arith.constant 16 : index
        %get3A_1010 = tpu.vector_load %arg8[%get3A_1007, %get3A_1008, %get3A_1009] {strides = array<i32>} : memref<8x200x32xf32, #tpu.memory_space<vmem>>, vector<16xf32>,
        %add3A_1011 = arith.addf %add3A_947, %get3A_1010 : vector<16xf32>
        %mul3A_1012 = arith.constant 8 : i32
        %mul3A_1013 = arith.muli %scan3A_923, %mul3A_1012 : i32
        %add3A_1014 = arith.constant 5 : i32
        %add3A_1015 = arith.addi %mul3A_1013, %add3A_1014 : i32
        %get3A_1016 = arith.constant 6 : i32
        %get3A_1017 = arith.index_cast %get3A_1016 : i32 to index
        %get3A_1018 = arith.index_cast %add3A_1015 : i32 to index
        %get3A_1019 = arith.constant 0 : index
        %get3A_1020 = tpu.vector_load %arg8[%get3A_1017, %get3A_1018, %get3A_1019] {strides = array<i32>} : memref<8x200x32xf32, #tpu.memory_space<vmem>>, vector<16xf32>,
        %add3A_1021 = arith.addf %add3A_957, %get3A_1020 : vector<16xf32>
        %get3A_1022 = arith.constant 6 : i32
        %get3A_1023 = arith.index_cast %get3A_1022 : i32 to index
        %get3A_1024 = arith.index_cast %add3A_1015 : i32 to index
        %get3A_1025 = arith.constant 16 : index
        %get3A_1026 = tpu.vector_load %arg8[%get3A_1023, %get3A_1024, %get3A_1025] {strides = array<i32>} : memref<8x200x32xf32, #tpu.memory_space<vmem>>, vector<16xf32>,
        %add3A_1027 = arith.addf %add3A_963, %get3A_1026 : vector<16xf32>
        %mul3A_1028 = arith.constant 8 : i32
        %mul3A_1029 = arith.muli %scan3A_923, %mul3A_1028 : i32
        %add3A_1030 = arith.constant 6 : i32
        %add3A_1031 = arith.addi %mul3A_1029, %add3A_1030 : i32
        %get3A_1032 = arith.constant 6 : i32
        %get3A_1033 = arith.index_cast %get3A_1032 : i32 to index
        %get3A_1034 = arith.index_cast %add3A_1031 : i32 to index
        %get3A_1035 = arith.constant 0 : index
        %get3A_1036 = tpu.vector_load %arg8[%get3A_1033, %get3A_1034, %get3A_1035] {strides = array<i32>} : memref<8x200x32xf32, #tpu.memory_space<vmem>>, vector<16xf32>,
        %add3A_1037 = arith.addf %add3A_973, %get3A_1036 : vector<16xf32>
        %get3A_1038 = arith.constant 6 : i32
        %get3A_1039 = arith.index_cast %get3A_1038 : i32 to index
        %get3A_1040 = arith.index_cast %add3A_1031 : i32 to index
        %get3A_1041 = arith.constant 16 : index
        %get3A_1042 = tpu.vector_load %arg8[%get3A_1039, %get3A_1040, %get3A_1041] {strides = array<i32>} : memref<8x200x32xf32, #tpu.memory_space<vmem>>, vector<16xf32>,
        %add3A_1043 = arith.addf %add3A_979, %get3A_1042 : vector<16xf32>
        %mul3A_1044 = arith.constant 8 : i32
        %mul3A_1045 = arith.muli %scan3A_923, %mul3A_1044 : i32
        %add3A_1046 = arith.constant 7 : i32
        %add3A_1047 = arith.addi %mul3A_1045, %add3A_1046 : i32
        %get3A_1048 = arith.constant 6 : i32
        %get3A_1049 = arith.index_cast %get3A_1048 : i32 to index
        %get3A_1050 = arith.index_cast %add3A_1047 : i32 to index
        %get3A_1051 = arith.constant 0 : index
        %get3A_1052 = tpu.vector_load %arg8[%get3A_1049, %get3A_1050, %get3A_1051] {strides = array<i32>} : memref<8x200x32xf32, #tpu.memory_space<vmem>>, vector<16xf32>,
        %add3A_1053 = arith.addf %add3A_989, %get3A_1052 : vector<16xf32>
        %get3A_1054 = arith.constant 6 : i32
        %get3A_1055 = arith.index_cast %get3A_1054 : i32 to index
        %get3A_1056 = arith.index_cast %add3A_1047 : i32 to index
        %get3A_1057 = arith.constant 16 : index
        %get3A_1058 = tpu.vector_load %arg8[%get3A_1055, %get3A_1056, %get3A_1057] {strides = array<i32>} : memref<8x200x32xf32, #tpu.memory_space<vmem>>, vector<16xf32>,
        %add3A_1059 = arith.addf %add3A_995, %get3A_1058 : vector<16xf32>
        scf.yield %add3A_1005, %add3A_1021, %add3A_1037, %add3A_1053, %add3A_1011, %add3A_1027, %add3A_1043, %add3A_1059 : vector<16xf32>, vector<16xf32>, vector<16xf32>, vector<16xf32>, vector<16xf32>, vector<16xf32>, vector<16xf32>, vector<16xf32>
      }
      %scan3A_764 = arith.constant 25 : i32
      %add3A_765 = arith.addf %scan3A_763#0, %scan3A_763#1 : vector<16xf32>
      %add3A_766 = arith.addf %scan3A_763#2, %scan3A_763#3 : vector<16xf32>
      %add3A_767 = arith.addf %add3A_765, %add3A_766 : vector<16xf32>
      %mul3A_768 = arith.constant 5.000000e-03 : f32
      %mul3A_769 = vector.broadcast %mul3A_768 : f32 to vector<16xf32>
      %mul3A_770 = arith.mulf %add3A_767, %mul3A_769 : vector<16xf32>
      %add3A_771 = arith.addf %scan3A_763#4, %scan3A_763#5 : vector<16xf32>
      %add3A_772 = arith.addf %scan3A_763#6, %scan3A_763#7 : vector<16xf32>
      %add3A_773 = arith.addf %add3A_771, %add3A_772 : vector<16xf32>
      %mul3A_774 = arith.constant 5.000000e-03 : f32
      %mul3A_775 = vector.broadcast %mul3A_774 : f32 to vector<16xf32>
      %mul3A_776 = arith.mulf %add3A_773, %mul3A_775 : vector<16xf32>
      %add3A_777 = arith.addf %mul3A_770, %get3A_3 : vector<16xf32>
      %add3A_778 = arith.addf %mul3A_776, %get3A_5 : vector<16xf32>
      %reduce_max3A_779 = arith.constant true
      %reduce_max3A_780 = vector.broadcast %reduce_max3A_779 : i1 to vector<16xi1>
      %reduce_max3A_781 = tpu.scan <max>, %add3A_777 masked %reduce_max3A_780 : vector<16xf32>, vector<16xi1> -> vector<16xf32>
      %reduce_max3A_782 = vector.extract %reduce_max3A_781[15] : f32 from vector<16xf32>
      %reduce_max3A_783 = arith.constant true
      %reduce_max3A_784 = vector.broadcast %reduce_max3A_783 : i1 to vector<16xi1>
      %reduce_max3A_785 = tpu.scan <max>, %add3A_778 masked %reduce_max3A_784 : vector<16xf32>, vector<16xi1> -> vector<16xf32>
      %reduce_max3A_786 = vector.extract %reduce_max3A_785[15] : f32 from vector<16xf32>
      %max3A_787 = arith.maximumf %reduce_max3A_782, %reduce_max3A_786 : f32
      %sub3A_788 = vector.broadcast %max3A_787 : f32 to vector<16xf32>
      %sub3A_789 = arith.subf %add3A_777, %sub3A_788 : vector<16xf32>
      %exp3A_790 = math.exp %sub3A_789 : vector<16xf32>
      %sub3A_791 = vector.broadcast %max3A_787 : f32 to vector<16xf32>
      %sub3A_792 = arith.subf %add3A_778, %sub3A_791 : vector<16xf32>
      %exp3A_793 = math.exp %sub3A_792 : vector<16xf32>
      %reduce_sum3A_794 = arith.constant true
      %reduce_sum3A_795 = vector.broadcast %reduce_sum3A_794 : i1 to vector<16xi1>
      %reduce_sum3A_796 = tpu.scan <sum>, %exp3A_790 masked %reduce_sum3A_795 : vector<16xf32>, vector<16xi1> -> vector<16xf32>
      %reduce_sum3A_797 = vector.extract %reduce_sum3A_796[15] : f32 from vector<16xf32>
      %reduce_sum3A_798 = arith.constant true
      %reduce_sum3A_799 = vector.broadcast %reduce_sum3A_798 : i1 to vector<16xi1>
      %reduce_sum3A_800 = tpu.scan <sum>, %exp3A_793 masked %reduce_sum3A_799 : vector<16xf32>, vector<16xi1> -> vector<16xf32>
      %reduce_sum3A_801 = vector.extract %reduce_sum3A_800[15] : f32 from vector<16xf32>
      %add3A_802 = arith.addf %reduce_sum3A_797, %reduce_sum3A_801 : f32
      %div3A_803 = vector.broadcast %add3A_802 : f32 to vector<16xf32>
      %div3A_804 = arith.divf %exp3A_790, %div3A_803 : vector<16xf32>
      %swap3A_805 = arith.index_cast %add3A_756 : i32 to index
      %swap3A_806 = arith.constant 0 : index
      %swap3A_807 = tpu.vector_load %arg9[%swap3A_805, %swap3A_806] {strides = array<i32>} : memref<128x32xf32, #tpu.memory_space<vmem>>, vector<16xf32>,
      tpu.vector_store %arg9[%swap3A_805, %swap3A_806], %div3A_804 {strides = array<i32>} : memref<128x32xf32, #tpu.memory_space<vmem>>, vector<16xf32>,
      %div3A_808 = vector.broadcast %add3A_802 : f32 to vector<16xf32>
      %div3A_809 = arith.divf %exp3A_793, %div3A_808 : vector<16xf32>
      %swap3A_810 = arith.index_cast %add3A_756 : i32 to index
      %swap3A_811 = arith.constant 16 : index
      %swap3A_812 = tpu.vector_load %arg9[%swap3A_810, %swap3A_811] {strides = array<i32>} : memref<128x32xf32, #tpu.memory_space<vmem>>, vector<16xf32>,
      tpu.vector_store %arg9[%swap3A_810, %swap3A_811], %div3A_809 {strides = array<i32>} : memref<128x32xf32, #tpu.memory_space<vmem>>, vector<16xf32>,
      %neg3A_813 = arith.constant 0.000000e+00 : f32
      %neg3A_814 = vector.broadcast %neg3A_813 : f32 to vector<16xf32>
      %neg3A_815 = arith.subf %neg3A_814, %mul3A_776 : vector<16xf32>
      %exp3A_816 = math.exp %neg3A_815 : vector<16xf32>
      %add3A_817 = arith.constant 1.000000e+00 : f32
      %add3A_818 = vector.broadcast %add3A_817 : f32 to vector<16xf32>
      %add3A_819 = arith.addf %add3A_818, %exp3A_816 : vector<16xf32>
      %div3A_820 = arith.constant 1.000000e+00 : f32
      %div3A_821 = vector.broadcast %div3A_820 : f32 to vector<16xf32>
      %div3A_822 = arith.divf %div3A_821, %add3A_819 : vector<16xf32>
      %swap3A_823 = arith.index_cast %add3A_756 : i32 to index
      %swap3A_824 = arith.constant 0 : index
      %swap3A_825 = tpu.vector_load %arg10[%swap3A_823, %swap3A_824] {strides = array<i32>} : memref<128x16xf32, #tpu.memory_space<vmem>>, vector<16xf32>,
      tpu.vector_store %arg10[%swap3A_823, %swap3A_824], %div3A_822 {strides = array<i32>} : memref<128x16xf32, #tpu.memory_space<vmem>>, vector<16xf32>,
      %lt3A_826 = arith.constant 15 : i32
      %lt3A_827 = arith.cmpi slt, %scan3A_203, %lt3A_826 : i32
      %convert_element_type3A_828 = arith.extui %lt3A_827 : i1 to i32
      %cond3A_829 = arith.constant 0 : i32
      %cond3A_830 = arith.cmpi ne, %convert_element_type3A_828, %cond3A_829 : i32
      scf.if %cond3A_830 {
        %add3A_923 = arith.constant 8 : i32
        %add3A_924 = arith.addi %mul3A_206, %add3A_923 : i32
        %add3A_925 = arith.constant 6 : i32
        %add3A_926 = arith.addi %add3A_924, %add3A_925 : i32
        %dma_start3A_927 = arith.constant 6 : i32
        %dma_start3A_928 = arith.constant 0 : i32
        %dma_start3A_929 = arith.constant 0 : i32
        %dma_start3A_930 = tpu.memref_slice %arg8[%dma_start3A_927, %dma_start3A_928, %dma_start3A_929] : memref<8x200x32xf32, #tpu.memory_space<vmem>> -> memref<1x104x32xf32, #tpu.memory_space<vmem>>
        %dma_start3A_931 = tpu.memref_squeeze %dma_start3A_930 : memref<1x104x32xf32, #tpu.memory_space<vmem>> -> memref<104x32xf32, #tpu.memory_space<vmem>>
        %dma_start3A_932 = arith.constant 0 : i32
        %dma_start3A_933 = tpu.memref_slice %arg7[%add3A_926, %dma_start3A_932] : memref<128x200xi32, #tpu.memory_space<vmem>> -> memref<1x104xi32, #tpu.memory_space<vmem>>
        %dma_start3A_934 = tpu.memref_squeeze %dma_start3A_933 : memref<1x104xi32, #tpu.memory_space<vmem>> -> memref<104xi32, #tpu.memory_space<vmem>>
        %dma_start3A_935 = arith.constant 0 : i32
        %dma_start3A_936 = arith.constant 0 : i32
        %dma_start3A_937 = tpu.memref_slice %arg3[%dma_start3A_935, %dma_start3A_936] : memref<100000x32xf32, #tpu.memory_space<hbm>> -> memref<100000x32xf32, #tpu.memory_space<hbm>>
        tpu.enqueue_indirect_dma source(%dma_start3A_937 : memref<100000x32xf32, #tpu.memory_space<hbm>>) target(%dma_start3A_931 : memref<104x32xf32, #tpu.memory_space<vmem>>) offsets(%dma_start3A_934 : memref<104xi32, #tpu.memory_space<vmem>>) semaphore(%arg18 : memref<!tpu.dma_semaphore, #tpu.memory_space<semaphore_mem>>)
        %dma_start3A_938 = arith.constant 6 : i32
        %dma_start3A_939 = arith.constant 104 : i32
        %dma_start3A_940 = arith.constant 0 : i32
        %dma_start3A_941 = tpu.memref_slice %arg8[%dma_start3A_938, %dma_start3A_939, %dma_start3A_940] : memref<8x200x32xf32, #tpu.memory_space<vmem>> -> memref<1x96x32xf32, #tpu.memory_space<vmem>>
        %dma_start3A_942 = tpu.memref_squeeze %dma_start3A_941 : memref<1x96x32xf32, #tpu.memory_space<vmem>> -> memref<96x32xf32, #tpu.memory_space<vmem>>
        %dma_start3A_943 = arith.constant 104 : i32
        %dma_start3A_944 = tpu.memref_slice %arg7[%add3A_926, %dma_start3A_943] : memref<128x200xi32, #tpu.memory_space<vmem>> -> memref<1x96xi32, #tpu.memory_space<vmem>>
        %dma_start3A_945 = tpu.memref_squeeze %dma_start3A_944 : memref<1x96xi32, #tpu.memory_space<vmem>> -> memref<96xi32, #tpu.memory_space<vmem>>
        %dma_start3A_946 = arith.constant 0 : i32
        %dma_start3A_947 = arith.constant 0 : i32
        %dma_start3A_948 = tpu.memref_slice %arg3[%dma_start3A_946, %dma_start3A_947] : memref<100000x32xf32, #tpu.memory_space<hbm>> -> memref<100000x32xf32, #tpu.memory_space<hbm>>
        tpu.enqueue_indirect_dma source(%dma_start3A_948 : memref<100000x32xf32, #tpu.memory_space<hbm>>) target(%dma_start3A_942 : memref<96x32xf32, #tpu.memory_space<vmem>>) offsets(%dma_start3A_945 : memref<96xi32, #tpu.memory_space<vmem>>) semaphore(%arg18 : memref<!tpu.dma_semaphore, #tpu.memory_space<semaphore_mem>>)
      } else {
      }
      %dma_wait3A_831 = arith.constant 7 : i32
      %dma_wait3A_832 = arith.constant 0 : i32
      %dma_wait3A_833 = arith.constant 0 : i32
      %dma_wait3A_834 = tpu.memref_slice %arg8[%dma_wait3A_831, %dma_wait3A_832, %dma_wait3A_833] : memref<8x200x32xf32, #tpu.memory_space<vmem>> -> memref<1x200x32xf32, #tpu.memory_space<vmem>>
      %dma_wait3A_835 = tpu.memref_squeeze %dma_wait3A_834 : memref<1x200x32xf32, #tpu.memory_space<vmem>> -> memref<200x32xf32, #tpu.memory_space<vmem>>
      %dma_wait3A_836 = arith.constant 0 : i32
      %dma_wait3A_837 = arith.constant 0 : i32
      %dma_wait3A_838 = tpu.memref_slice %arg3[%dma_wait3A_836, %dma_wait3A_837] : memref<100000x32xf32, #tpu.memory_space<hbm>> -> memref<200x32xf32, #tpu.memory_space<hbm>>
      %dma_wait3A_839 = arith.constant 0 : i32
      %dma_wait3A_840 = arith.constant 0 : i32
      %dma_wait3A_841 = tpu.memref_slice %arg8[%dma_wait3A_831, %dma_wait3A_839, %dma_wait3A_840] : memref<8x200x32xf32, #tpu.memory_space<vmem>> -> memref<1x200x32xf32, #tpu.memory_space<vmem>>
      %dma_wait3A_842 = tpu.memref_squeeze %dma_wait3A_841 : memref<1x200x32xf32, #tpu.memory_space<vmem>> -> memref<200x32xf32, #tpu.memory_space<vmem>>
      %dma_wait3A_843 = arith.constant 0 : i32
      %dma_wait3A_844 = arith.constant 0 : i32
      %dma_wait3A_845 = tpu.memref_slice %arg3[%dma_wait3A_843, %dma_wait3A_844] : memref<100000x32xf32, #tpu.memory_space<hbm>> -> memref<200x32xf32, #tpu.memory_space<hbm>>
      tpu.wait_dma2 semaphore(%arg19 : memref<!tpu.dma_semaphore, #tpu.memory_space<semaphore_mem>>) src(%dma_wait3A_845 : memref<200x32xf32, #tpu.memory_space<hbm>>) dst(%dma_wait3A_842 : memref<200x32xf32, #tpu.memory_space<vmem>>)
      %add3A_846 = arith.constant 7 : i32
      %add3A_847 = arith.addi %mul3A_206, %add3A_846 : i32
      %broadcast_in_dim3A_848 = arith.constant 0.000000e+00 : f32
      %broadcast_in_dim3A_849 = vector.broadcast %broadcast_in_dim3A_848 : f32 to vector<16xf32>
      %scan3A_850 = arith.constant 0 : i32
      %scan3A_851 = arith.constant 25 : i32
      %scan3A_852 = arith.addi %scan3A_850, %scan3A_851 : i32
      %scan3A_853 = arith.constant 1 : i32
      %scan3A_854:8 = scf.for %scan3A_923 = %scan3A_850 to %scan3A_852 step %scan3A_853 iter_args(%scan3A_924 = %broadcast_in_dim3A_849, %scan3A_925 = %broadcast_in_dim3A_849, %scan3A_926 = %broadcast_in_dim3A_849, %scan3A_927 = %broadcast_in_dim3A_849, %scan3A_928 = %broadcast_in_dim3A_849, %scan3A_929 = %broadcast_in_dim3A_849, %scan3A_930 = %broadcast_in_dim3A_849, %scan3A_931 = %broadcast_in_dim3A_849) -> (vector<16xf32>, vector<16xf32>, vector<16xf32>, vector<16xf32>, vector<16xf32>, vector<16xf32>, vector<16xf32>, vector<16xf32>)  : i32 {
        %mul3A_932 = arith.constant 8 : i32
        %mul3A_933 = arith.muli %scan3A_923, %mul3A_932 : i32
        %add3A_934 = arith.constant 0 : i32
        %add3A_935 = arith.addi %mul3A_933, %add3A_934 : i32
        %get3A_936 = arith.constant 7 : i32
        %get3A_937 = arith.index_cast %get3A_936 : i32 to index
        %get3A_938 = arith.index_cast %add3A_935 : i32 to index
        %get3A_939 = arith.constant 0 : index
        %get3A_940 = tpu.vector_load %arg8[%get3A_937, %get3A_938, %get3A_939] {strides = array<i32>} : memref<8x200x32xf32, #tpu.memory_space<vmem>>, vector<16xf32>,
        %add3A_941 = arith.addf %scan3A_924, %get3A_940 : vector<16xf32>
        %get3A_942 = arith.constant 7 : i32
        %get3A_943 = arith.index_cast %get3A_942 : i32 to index
        %get3A_944 = arith.index_cast %add3A_935 : i32 to index
        %get3A_945 = arith.constant 16 : index
        %get3A_946 = tpu.vector_load %arg8[%get3A_943, %get3A_944, %get3A_945] {strides = array<i32>} : memref<8x200x32xf32, #tpu.memory_space<vmem>>, vector<16xf32>,
        %add3A_947 = arith.addf %scan3A_928, %get3A_946 : vector<16xf32>
        %mul3A_948 = arith.constant 8 : i32
        %mul3A_949 = arith.muli %scan3A_923, %mul3A_948 : i32
        %add3A_950 = arith.constant 1 : i32
        %add3A_951 = arith.addi %mul3A_949, %add3A_950 : i32
        %get3A_952 = arith.constant 7 : i32
        %get3A_953 = arith.index_cast %get3A_952 : i32 to index
        %get3A_954 = arith.index_cast %add3A_951 : i32 to index
        %get3A_955 = arith.constant 0 : index
        %get3A_956 = tpu.vector_load %arg8[%get3A_953, %get3A_954, %get3A_955] {strides = array<i32>} : memref<8x200x32xf32, #tpu.memory_space<vmem>>, vector<16xf32>,
        %add3A_957 = arith.addf %scan3A_925, %get3A_956 : vector<16xf32>
        %get3A_958 = arith.constant 7 : i32
        %get3A_959 = arith.index_cast %get3A_958 : i32 to index
        %get3A_960 = arith.index_cast %add3A_951 : i32 to index
        %get3A_961 = arith.constant 16 : index
        %get3A_962 = tpu.vector_load %arg8[%get3A_959, %get3A_960, %get3A_961] {strides = array<i32>} : memref<8x200x32xf32, #tpu.memory_space<vmem>>, vector<16xf32>,
        %add3A_963 = arith.addf %scan3A_929, %get3A_962 : vector<16xf32>
        %mul3A_964 = arith.constant 8 : i32
        %mul3A_965 = arith.muli %scan3A_923, %mul3A_964 : i32
        %add3A_966 = arith.constant 2 : i32
        %add3A_967 = arith.addi %mul3A_965, %add3A_966 : i32
        %get3A_968 = arith.constant 7 : i32
        %get3A_969 = arith.index_cast %get3A_968 : i32 to index
        %get3A_970 = arith.index_cast %add3A_967 : i32 to index
        %get3A_971 = arith.constant 0 : index
        %get3A_972 = tpu.vector_load %arg8[%get3A_969, %get3A_970, %get3A_971] {strides = array<i32>} : memref<8x200x32xf32, #tpu.memory_space<vmem>>, vector<16xf32>,
        %add3A_973 = arith.addf %scan3A_926, %get3A_972 : vector<16xf32>
        %get3A_974 = arith.constant 7 : i32
        %get3A_975 = arith.index_cast %get3A_974 : i32 to index
        %get3A_976 = arith.index_cast %add3A_967 : i32 to index
        %get3A_977 = arith.constant 16 : index
        %get3A_978 = tpu.vector_load %arg8[%get3A_975, %get3A_976, %get3A_977] {strides = array<i32>} : memref<8x200x32xf32, #tpu.memory_space<vmem>>, vector<16xf32>,
        %add3A_979 = arith.addf %scan3A_930, %get3A_978 : vector<16xf32>
        %mul3A_980 = arith.constant 8 : i32
        %mul3A_981 = arith.muli %scan3A_923, %mul3A_980 : i32
        %add3A_982 = arith.constant 3 : i32
        %add3A_983 = arith.addi %mul3A_981, %add3A_982 : i32
        %get3A_984 = arith.constant 7 : i32
        %get3A_985 = arith.index_cast %get3A_984 : i32 to index
        %get3A_986 = arith.index_cast %add3A_983 : i32 to index
        %get3A_987 = arith.constant 0 : index
        %get3A_988 = tpu.vector_load %arg8[%get3A_985, %get3A_986, %get3A_987] {strides = array<i32>} : memref<8x200x32xf32, #tpu.memory_space<vmem>>, vector<16xf32>,
        %add3A_989 = arith.addf %scan3A_927, %get3A_988 : vector<16xf32>
        %get3A_990 = arith.constant 7 : i32
        %get3A_991 = arith.index_cast %get3A_990 : i32 to index
        %get3A_992 = arith.index_cast %add3A_983 : i32 to index
        %get3A_993 = arith.constant 16 : index
        %get3A_994 = tpu.vector_load %arg8[%get3A_991, %get3A_992, %get3A_993] {strides = array<i32>} : memref<8x200x32xf32, #tpu.memory_space<vmem>>, vector<16xf32>,
        %add3A_995 = arith.addf %scan3A_931, %get3A_994 : vector<16xf32>
        %mul3A_996 = arith.constant 8 : i32
        %mul3A_997 = arith.muli %scan3A_923, %mul3A_996 : i32
        %add3A_998 = arith.constant 4 : i32
        %add3A_999 = arith.addi %mul3A_997, %add3A_998 : i32
        %get3A_1000 = arith.constant 7 : i32
        %get3A_1001 = arith.index_cast %get3A_1000 : i32 to index
        %get3A_1002 = arith.index_cast %add3A_999 : i32 to index
        %get3A_1003 = arith.constant 0 : index
        %get3A_1004 = tpu.vector_load %arg8[%get3A_1001, %get3A_1002, %get3A_1003] {strides = array<i32>} : memref<8x200x32xf32, #tpu.memory_space<vmem>>, vector<16xf32>,
        %add3A_1005 = arith.addf %add3A_941, %get3A_1004 : vector<16xf32>
        %get3A_1006 = arith.constant 7 : i32
        %get3A_1007 = arith.index_cast %get3A_1006 : i32 to index
        %get3A_1008 = arith.index_cast %add3A_999 : i32 to index
        %get3A_1009 = arith.constant 16 : index
        %get3A_1010 = tpu.vector_load %arg8[%get3A_1007, %get3A_1008, %get3A_1009] {strides = array<i32>} : memref<8x200x32xf32, #tpu.memory_space<vmem>>, vector<16xf32>,
        %add3A_1011 = arith.addf %add3A_947, %get3A_1010 : vector<16xf32>
        %mul3A_1012 = arith.constant 8 : i32
        %mul3A_1013 = arith.muli %scan3A_923, %mul3A_1012 : i32
        %add3A_1014 = arith.constant 5 : i32
        %add3A_1015 = arith.addi %mul3A_1013, %add3A_1014 : i32
        %get3A_1016 = arith.constant 7 : i32
        %get3A_1017 = arith.index_cast %get3A_1016 : i32 to index
        %get3A_1018 = arith.index_cast %add3A_1015 : i32 to index
        %get3A_1019 = arith.constant 0 : index
        %get3A_1020 = tpu.vector_load %arg8[%get3A_1017, %get3A_1018, %get3A_1019] {strides = array<i32>} : memref<8x200x32xf32, #tpu.memory_space<vmem>>, vector<16xf32>,
        %add3A_1021 = arith.addf %add3A_957, %get3A_1020 : vector<16xf32>
        %get3A_1022 = arith.constant 7 : i32
        %get3A_1023 = arith.index_cast %get3A_1022 : i32 to index
        %get3A_1024 = arith.index_cast %add3A_1015 : i32 to index
        %get3A_1025 = arith.constant 16 : index
        %get3A_1026 = tpu.vector_load %arg8[%get3A_1023, %get3A_1024, %get3A_1025] {strides = array<i32>} : memref<8x200x32xf32, #tpu.memory_space<vmem>>, vector<16xf32>,
        %add3A_1027 = arith.addf %add3A_963, %get3A_1026 : vector<16xf32>
        %mul3A_1028 = arith.constant 8 : i32
        %mul3A_1029 = arith.muli %scan3A_923, %mul3A_1028 : i32
        %add3A_1030 = arith.constant 6 : i32
        %add3A_1031 = arith.addi %mul3A_1029, %add3A_1030 : i32
        %get3A_1032 = arith.constant 7 : i32
        %get3A_1033 = arith.index_cast %get3A_1032 : i32 to index
        %get3A_1034 = arith.index_cast %add3A_1031 : i32 to index
        %get3A_1035 = arith.constant 0 : index
        %get3A_1036 = tpu.vector_load %arg8[%get3A_1033, %get3A_1034, %get3A_1035] {strides = array<i32>} : memref<8x200x32xf32, #tpu.memory_space<vmem>>, vector<16xf32>,
        %add3A_1037 = arith.addf %add3A_973, %get3A_1036 : vector<16xf32>
        %get3A_1038 = arith.constant 7 : i32
        %get3A_1039 = arith.index_cast %get3A_1038 : i32 to index
        %get3A_1040 = arith.index_cast %add3A_1031 : i32 to index
        %get3A_1041 = arith.constant 16 : index
        %get3A_1042 = tpu.vector_load %arg8[%get3A_1039, %get3A_1040, %get3A_1041] {strides = array<i32>} : memref<8x200x32xf32, #tpu.memory_space<vmem>>, vector<16xf32>,
        %add3A_1043 = arith.addf %add3A_979, %get3A_1042 : vector<16xf32>
        %mul3A_1044 = arith.constant 8 : i32
        %mul3A_1045 = arith.muli %scan3A_923, %mul3A_1044 : i32
        %add3A_1046 = arith.constant 7 : i32
        %add3A_1047 = arith.addi %mul3A_1045, %add3A_1046 : i32
        %get3A_1048 = arith.constant 7 : i32
        %get3A_1049 = arith.index_cast %get3A_1048 : i32 to index
        %get3A_1050 = arith.index_cast %add3A_1047 : i32 to index
        %get3A_1051 = arith.constant 0 : index
        %get3A_1052 = tpu.vector_load %arg8[%get3A_1049, %get3A_1050, %get3A_1051] {strides = array<i32>} : memref<8x200x32xf32, #tpu.memory_space<vmem>>, vector<16xf32>,
        %add3A_1053 = arith.addf %add3A_989, %get3A_1052 : vector<16xf32>
        %get3A_1054 = arith.constant 7 : i32
        %get3A_1055 = arith.index_cast %get3A_1054 : i32 to index
        %get3A_1056 = arith.index_cast %add3A_1047 : i32 to index
        %get3A_1057 = arith.constant 16 : index
        %get3A_1058 = tpu.vector_load %arg8[%get3A_1055, %get3A_1056, %get3A_1057] {strides = array<i32>} : memref<8x200x32xf32, #tpu.memory_space<vmem>>, vector<16xf32>,
        %add3A_1059 = arith.addf %add3A_995, %get3A_1058 : vector<16xf32>
        scf.yield %add3A_1005, %add3A_1021, %add3A_1037, %add3A_1053, %add3A_1011, %add3A_1027, %add3A_1043, %add3A_1059 : vector<16xf32>, vector<16xf32>, vector<16xf32>, vector<16xf32>, vector<16xf32>, vector<16xf32>, vector<16xf32>, vector<16xf32>
      }
      %scan3A_855 = arith.constant 25 : i32
      %add3A_856 = arith.addf %scan3A_854#0, %scan3A_854#1 : vector<16xf32>
      %add3A_857 = arith.addf %scan3A_854#2, %scan3A_854#3 : vector<16xf32>
      %add3A_858 = arith.addf %add3A_856, %add3A_857 : vector<16xf32>
      %mul3A_859 = arith.constant 5.000000e-03 : f32
      %mul3A_860 = vector.broadcast %mul3A_859 : f32 to vector<16xf32>
      %mul3A_861 = arith.mulf %add3A_858, %mul3A_860 : vector<16xf32>
      %add3A_862 = arith.addf %scan3A_854#4, %scan3A_854#5 : vector<16xf32>
      %add3A_863 = arith.addf %scan3A_854#6, %scan3A_854#7 : vector<16xf32>
      %add3A_864 = arith.addf %add3A_862, %add3A_863 : vector<16xf32>
      %mul3A_865 = arith.constant 5.000000e-03 : f32
      %mul3A_866 = vector.broadcast %mul3A_865 : f32 to vector<16xf32>
      %mul3A_867 = arith.mulf %add3A_864, %mul3A_866 : vector<16xf32>
      %add3A_868 = arith.addf %mul3A_861, %get3A_3 : vector<16xf32>
      %add3A_869 = arith.addf %mul3A_867, %get3A_5 : vector<16xf32>
      %reduce_max3A_870 = arith.constant true
      %reduce_max3A_871 = vector.broadcast %reduce_max3A_870 : i1 to vector<16xi1>
      %reduce_max3A_872 = tpu.scan <max>, %add3A_868 masked %reduce_max3A_871 : vector<16xf32>, vector<16xi1> -> vector<16xf32>
      %reduce_max3A_873 = vector.extract %reduce_max3A_872[15] : f32 from vector<16xf32>
      %reduce_max3A_874 = arith.constant true
      %reduce_max3A_875 = vector.broadcast %reduce_max3A_874 : i1 to vector<16xi1>
      %reduce_max3A_876 = tpu.scan <max>, %add3A_869 masked %reduce_max3A_875 : vector<16xf32>, vector<16xi1> -> vector<16xf32>
      %reduce_max3A_877 = vector.extract %reduce_max3A_876[15] : f32 from vector<16xf32>
      %max3A_878 = arith.maximumf %reduce_max3A_873, %reduce_max3A_877 : f32
      %sub3A_879 = vector.broadcast %max3A_878 : f32 to vector<16xf32>
      %sub3A_880 = arith.subf %add3A_868, %sub3A_879 : vector<16xf32>
      %exp3A_881 = math.exp %sub3A_880 : vector<16xf32>
      %sub3A_882 = vector.broadcast %max3A_878 : f32 to vector<16xf32>
      %sub3A_883 = arith.subf %add3A_869, %sub3A_882 : vector<16xf32>
      %exp3A_884 = math.exp %sub3A_883 : vector<16xf32>
      %reduce_sum3A_885 = arith.constant true
      %reduce_sum3A_886 = vector.broadcast %reduce_sum3A_885 : i1 to vector<16xi1>
      %reduce_sum3A_887 = tpu.scan <sum>, %exp3A_881 masked %reduce_sum3A_886 : vector<16xf32>, vector<16xi1> -> vector<16xf32>
      %reduce_sum3A_888 = vector.extract %reduce_sum3A_887[15] : f32 from vector<16xf32>
      %reduce_sum3A_889 = arith.constant true
      %reduce_sum3A_890 = vector.broadcast %reduce_sum3A_889 : i1 to vector<16xi1>
      %reduce_sum3A_891 = tpu.scan <sum>, %exp3A_884 masked %reduce_sum3A_890 : vector<16xf32>, vector<16xi1> -> vector<16xf32>
      %reduce_sum3A_892 = vector.extract %reduce_sum3A_891[15] : f32 from vector<16xf32>
      %add3A_893 = arith.addf %reduce_sum3A_888, %reduce_sum3A_892 : f32
      %div3A_894 = vector.broadcast %add3A_893 : f32 to vector<16xf32>
      %div3A_895 = arith.divf %exp3A_881, %div3A_894 : vector<16xf32>
      %swap3A_896 = arith.index_cast %add3A_847 : i32 to index
      %swap3A_897 = arith.constant 0 : index
      %swap3A_898 = tpu.vector_load %arg9[%swap3A_896, %swap3A_897] {strides = array<i32>} : memref<128x32xf32, #tpu.memory_space<vmem>>, vector<16xf32>,
      tpu.vector_store %arg9[%swap3A_896, %swap3A_897], %div3A_895 {strides = array<i32>} : memref<128x32xf32, #tpu.memory_space<vmem>>, vector<16xf32>,
      %div3A_899 = vector.broadcast %add3A_893 : f32 to vector<16xf32>
      %div3A_900 = arith.divf %exp3A_884, %div3A_899 : vector<16xf32>
      %swap3A_901 = arith.index_cast %add3A_847 : i32 to index
      %swap3A_902 = arith.constant 16 : index
      %swap3A_903 = tpu.vector_load %arg9[%swap3A_901, %swap3A_902] {strides = array<i32>} : memref<128x32xf32, #tpu.memory_space<vmem>>, vector<16xf32>,
      tpu.vector_store %arg9[%swap3A_901, %swap3A_902], %div3A_900 {strides = array<i32>} : memref<128x32xf32, #tpu.memory_space<vmem>>, vector<16xf32>,
      %neg3A_904 = arith.constant 0.000000e+00 : f32
      %neg3A_905 = vector.broadcast %neg3A_904 : f32 to vector<16xf32>
      %neg3A_906 = arith.subf %neg3A_905, %mul3A_867 : vector<16xf32>
      %exp3A_907 = math.exp %neg3A_906 : vector<16xf32>
      %add3A_908 = arith.constant 1.000000e+00 : f32
      %add3A_909 = vector.broadcast %add3A_908 : f32 to vector<16xf32>
      %add3A_910 = arith.addf %add3A_909, %exp3A_907 : vector<16xf32>
      %div3A_911 = arith.constant 1.000000e+00 : f32
      %div3A_912 = vector.broadcast %div3A_911 : f32 to vector<16xf32>
      %div3A_913 = arith.divf %div3A_912, %add3A_910 : vector<16xf32>
      %swap3A_914 = arith.index_cast %add3A_847 : i32 to index
      %swap3A_915 = arith.constant 0 : index
      %swap3A_916 = tpu.vector_load %arg10[%swap3A_914, %swap3A_915] {strides = array<i32>} : memref<128x16xf32, #tpu.memory_space<vmem>>, vector<16xf32>,
      tpu.vector_store %arg10[%swap3A_914, %swap3A_915], %div3A_913 {strides = array<i32>} : memref<128x16xf32, #tpu.memory_space<vmem>>, vector<16xf32>,
      %lt3A_917 = arith.constant 15 : i32
      %lt3A_918 = arith.cmpi slt, %scan3A_203, %lt3A_917 : i32
      %convert_element_type3A_919 = arith.extui %lt3A_918 : i1 to i32
      %cond3A_920 = arith.constant 0 : i32
      %cond3A_921 = arith.cmpi ne, %convert_element_type3A_919, %cond3A_920 : i32
      scf.if %cond3A_921 {
        %add3A_923 = arith.constant 8 : i32
        %add3A_924 = arith.addi %mul3A_206, %add3A_923 : i32
        %add3A_925 = arith.constant 7 : i32
        %add3A_926 = arith.addi %add3A_924, %add3A_925 : i32
        %dma_start3A_927 = arith.constant 7 : i32
        %dma_start3A_928 = arith.constant 0 : i32
        %dma_start3A_929 = arith.constant 0 : i32
        %dma_start3A_930 = tpu.memref_slice %arg8[%dma_start3A_927, %dma_start3A_928, %dma_start3A_929] : memref<8x200x32xf32, #tpu.memory_space<vmem>> -> memref<1x104x32xf32, #tpu.memory_space<vmem>>
        %dma_start3A_931 = tpu.memref_squeeze %dma_start3A_930 : memref<1x104x32xf32, #tpu.memory_space<vmem>> -> memref<104x32xf32, #tpu.memory_space<vmem>>
        %dma_start3A_932 = arith.constant 0 : i32
        %dma_start3A_933 = tpu.memref_slice %arg7[%add3A_926, %dma_start3A_932] : memref<128x200xi32, #tpu.memory_space<vmem>> -> memref<1x104xi32, #tpu.memory_space<vmem>>
        %dma_start3A_934 = tpu.memref_squeeze %dma_start3A_933 : memref<1x104xi32, #tpu.memory_space<vmem>> -> memref<104xi32, #tpu.memory_space<vmem>>
        %dma_start3A_935 = arith.constant 0 : i32
        %dma_start3A_936 = arith.constant 0 : i32
        %dma_start3A_937 = tpu.memref_slice %arg3[%dma_start3A_935, %dma_start3A_936] : memref<100000x32xf32, #tpu.memory_space<hbm>> -> memref<100000x32xf32, #tpu.memory_space<hbm>>
        tpu.enqueue_indirect_dma source(%dma_start3A_937 : memref<100000x32xf32, #tpu.memory_space<hbm>>) target(%dma_start3A_931 : memref<104x32xf32, #tpu.memory_space<vmem>>) offsets(%dma_start3A_934 : memref<104xi32, #tpu.memory_space<vmem>>) semaphore(%arg19 : memref<!tpu.dma_semaphore, #tpu.memory_space<semaphore_mem>>)
        %dma_start3A_938 = arith.constant 7 : i32
        %dma_start3A_939 = arith.constant 104 : i32
        %dma_start3A_940 = arith.constant 0 : i32
        %dma_start3A_941 = tpu.memref_slice %arg8[%dma_start3A_938, %dma_start3A_939, %dma_start3A_940] : memref<8x200x32xf32, #tpu.memory_space<vmem>> -> memref<1x96x32xf32, #tpu.memory_space<vmem>>
        %dma_start3A_942 = tpu.memref_squeeze %dma_start3A_941 : memref<1x96x32xf32, #tpu.memory_space<vmem>> -> memref<96x32xf32, #tpu.memory_space<vmem>>
        %dma_start3A_943 = arith.constant 104 : i32
        %dma_start3A_944 = tpu.memref_slice %arg7[%add3A_926, %dma_start3A_943] : memref<128x200xi32, #tpu.memory_space<vmem>> -> memref<1x96xi32, #tpu.memory_space<vmem>>
        %dma_start3A_945 = tpu.memref_squeeze %dma_start3A_944 : memref<1x96xi32, #tpu.memory_space<vmem>> -> memref<96xi32, #tpu.memory_space<vmem>>
        %dma_start3A_946 = arith.constant 0 : i32
        %dma_start3A_947 = arith.constant 0 : i32
        %dma_start3A_948 = tpu.memref_slice %arg3[%dma_start3A_946, %dma_start3A_947] : memref<100000x32xf32, #tpu.memory_space<hbm>> -> memref<100000x32xf32, #tpu.memory_space<hbm>>
        tpu.enqueue_indirect_dma source(%dma_start3A_948 : memref<100000x32xf32, #tpu.memory_space<hbm>>) target(%dma_start3A_942 : memref<96x32xf32, #tpu.memory_space<vmem>>) offsets(%dma_start3A_945 : memref<96xi32, #tpu.memory_space<vmem>>) semaphore(%arg19 : memref<!tpu.dma_semaphore, #tpu.memory_space<semaphore_mem>>)
      } else {
      }
      %scan3A_922 = arith.constant 0 : i32
      scf.yield %scan3A_922 : i32
    }
    %scan3A_202 = arith.constant 16 : i32
    "tpu.region"() ({
      %run_scoped3A = tpu.sem_alloc : memref<!tpu.dma_semaphore, #tpu.memory_space<semaphore_mem>>
      %dma_start3A_203 = arith.constant 0 : i32
      %dma_start3A_204 = tpu.memref_slice %arg5[%mul3A_2, %dma_start3A_203] : memref<4096x32xf32, #tpu.memory_space<hbm>> -> memref<128x32xf32, #tpu.memory_space<hbm>>
      %dma_start3A_205 = arith.constant 0 : i32
      %dma_start3A_206 = tpu.memref_slice %arg5[%mul3A_2, %dma_start3A_205] : memref<4096x32xf32, #tpu.memory_space<hbm>> -> memref<128x32xf32, #tpu.memory_space<hbm>>
      tpu.enqueue_dma source(%arg9 : memref<128x32xf32, #tpu.memory_space<vmem>>) target(%dma_start3A_206 : memref<128x32xf32, #tpu.memory_space<hbm>>) target_semaphore(%run_scoped3A : memref<!tpu.dma_semaphore, #tpu.memory_space<semaphore_mem>>)
      %dma_wait3A = arith.constant 0 : i32
      %dma_wait3A_207 = tpu.memref_slice %arg5[%mul3A_2, %dma_wait3A] : memref<4096x32xf32, #tpu.memory_space<hbm>> -> memref<128x32xf32, #tpu.memory_space<hbm>>
      %dma_wait3A_208 = arith.constant 0 : i32
      %dma_wait3A_209 = tpu.memref_slice %arg5[%mul3A_2, %dma_wait3A_208] : memref<4096x32xf32, #tpu.memory_space<hbm>> -> memref<128x32xf32, #tpu.memory_space<hbm>>
      tpu.wait_dma2 semaphore(%run_scoped3A : memref<!tpu.dma_semaphore, #tpu.memory_space<semaphore_mem>>) src(%arg9 : memref<128x32xf32, #tpu.memory_space<vmem>>) dst(%dma_wait3A_209 : memref<128x32xf32, #tpu.memory_space<hbm>>)
      tpu.yield
    }) : () -> ()
    "tpu.region"() ({
      %run_scoped3A = tpu.sem_alloc : memref<!tpu.dma_semaphore, #tpu.memory_space<semaphore_mem>>
      %dma_start3A_203 = arith.constant 0 : i32
      %dma_start3A_204 = tpu.memref_slice %arg6[%mul3A_2, %dma_start3A_203] : memref<4096x16xf32, #tpu.memory_space<hbm>> -> memref<128x16xf32, #tpu.memory_space<hbm>>
      %dma_start3A_205 = arith.constant 0 : i32
      %dma_start3A_206 = tpu.memref_slice %arg6[%mul3A_2, %dma_start3A_205] : memref<4096x16xf32, #tpu.memory_space<hbm>> -> memref<128x16xf32, #tpu.memory_space<hbm>>
      tpu.enqueue_dma source(%arg10 : memref<128x16xf32, #tpu.memory_space<vmem>>) target(%dma_start3A_206 : memref<128x16xf32, #tpu.memory_space<hbm>>) target_semaphore(%run_scoped3A : memref<!tpu.dma_semaphore, #tpu.memory_space<semaphore_mem>>)
      %dma_wait3A = arith.constant 0 : i32
      %dma_wait3A_207 = tpu.memref_slice %arg6[%mul3A_2, %dma_wait3A] : memref<4096x16xf32, #tpu.memory_space<hbm>> -> memref<128x16xf32, #tpu.memory_space<hbm>>
      %dma_wait3A_208 = arith.constant 0 : i32
      %dma_wait3A_209 = tpu.memref_slice %arg6[%mul3A_2, %dma_wait3A_208] : memref<4096x16xf32, #tpu.memory_space<hbm>> -> memref<128x16xf32, #tpu.memory_space<hbm>>
      tpu.wait_dma2 semaphore(%run_scoped3A : memref<!tpu.dma_semaphore, #tpu.memory_space<semaphore_mem>>) src(%arg10 : memref<128x16xf32, #tpu.memory_space<vmem>>) dst(%dma_wait3A_209 : memref<128x16xf32, #tpu.memory_space<hbm>>)
      tpu.yield
    }) : () -> ()
    return
  }
}

module attributes {stable_mosaic.version = 14 : i64} {
  func.func @_proj_body(%arg0: i32, %arg1: memref<4000x512xf32, #tpu.memory_space<vmem>>, %arg2: memref<512x32xf32, #tpu.memory_space<vmem>>, %arg3: memref<1000x128xf32, #tpu.memory_space<vmem>>) attributes {dimension_semantics = [#tpu.dimension_semantics<arbitrary>], iteration_bounds = array<i64: 25>, scalar_prefetch = 0 : i64, scratch_operands = 0 : i64, tpu.core_type = #tpu.core_type<tc>, window_params = [{transform_indices = @transform_0, window_bounds = array<i64: 4000, 512>}, {pipeline_mode = #tpu.pipeline_mode<synchronous>, transform_indices = @transform_1, window_bounds = array<i64: 512, 32>}, {transform_indices = @transform_2, window_bounds = array<i64: 1000, 128>}]} {
    %get3A = arith.constant 0 : index
    %get3A_0 = arith.constant 0 : index
    %get3A_1 = vector.load %arg1[%get3A, %get3A_0] : memref<4000x512xf32, #tpu.memory_space<vmem>>, vector<4000x512xf32>
    %reshape3A = vector.shape_cast %get3A_1 : vector<4000x512xf32> to vector<1000x4x512xf32>
    %slice3A = vector.extract_strided_slice %reshape3A {offsets = [0, 0, 0], sizes = [1000, 1, 512], strides = [1, 1, 1]} : vector<1000x4x512xf32> to vector<1000x1x512xf32>
    %squeeze3A = vector.shape_cast %slice3A : vector<1000x1x512xf32> to vector<1000x512xf32>
    %get3A_2 = arith.constant 0 : index
    %get3A_3 = arith.constant 0 : index
    %get3A_4 = vector.load %arg2[%get3A_2, %get3A_3] : memref<512x32xf32, #tpu.memory_space<vmem>>, vector<512x32xf32>
    %dot_general3A = arith.constant dense<0.000000e+00> : vector<1000x32xf32>
    %dot_general3A_5 = tpu.matmul %squeeze3A, %get3A_4, %dot_general3A {dimension_numbers = #tpu.dot_dimension_numbers<[1], [0], [0], [1], [0, 0, 1, 1], [], []>, transpose_lhs_hint = false} : vector<1000x512xf32>, vector<512x32xf32>, vector<1000x32xf32> -> vector<1000x32xf32>
    %swap3A = arith.constant 0 : index
    %swap3A_6 = arith.constant 0 : index
    %swap3A_7 = vector.load %arg3[%swap3A, %swap3A_6] : memref<1000x128xf32, #tpu.memory_space<vmem>>, vector<1000x32xf32>
    tpu.vector_store %arg3[%swap3A, %swap3A_6], %dot_general3A_5 {strides = array<i32>} : memref<1000x128xf32, #tpu.memory_space<vmem>>, vector<1000x32xf32>,
    %slice3A_8 = vector.extract_strided_slice %reshape3A {offsets = [0, 1, 0], sizes = [1000, 1, 512], strides = [1, 1, 1]} : vector<1000x4x512xf32> to vector<1000x1x512xf32>
    %squeeze3A_9 = vector.shape_cast %slice3A_8 : vector<1000x1x512xf32> to vector<1000x512xf32>
    %get3A_10 = arith.constant 0 : index
    %get3A_11 = arith.constant 0 : index
    %get3A_12 = vector.load %arg2[%get3A_10, %get3A_11] : memref<512x32xf32, #tpu.memory_space<vmem>>, vector<512x32xf32>
    %dot_general3A_13 = arith.constant dense<0.000000e+00> : vector<1000x32xf32>
    %dot_general3A_14 = tpu.matmul %squeeze3A_9, %get3A_12, %dot_general3A_13 {dimension_numbers = #tpu.dot_dimension_numbers<[1], [0], [0], [1], [0, 0, 1, 1], [], []>, transpose_lhs_hint = false} : vector<1000x512xf32>, vector<512x32xf32>, vector<1000x32xf32> -> vector<1000x32xf32>
    %swap3A_15 = arith.constant 0 : index
    %swap3A_16 = arith.constant 32 : index
    %swap3A_17 = vector.load %arg3[%swap3A_15, %swap3A_16] : memref<1000x128xf32, #tpu.memory_space<vmem>>, vector<1000x32xf32>
    tpu.vector_store %arg3[%swap3A_15, %swap3A_16], %dot_general3A_14 {strides = array<i32>} : memref<1000x128xf32, #tpu.memory_space<vmem>>, vector<1000x32xf32>,
    %slice3A_18 = vector.extract_strided_slice %reshape3A {offsets = [0, 2, 0], sizes = [1000, 1, 512], strides = [1, 1, 1]} : vector<1000x4x512xf32> to vector<1000x1x512xf32>
    %squeeze3A_19 = vector.shape_cast %slice3A_18 : vector<1000x1x512xf32> to vector<1000x512xf32>
    %get3A_20 = arith.constant 0 : index
    %get3A_21 = arith.constant 0 : index
    %get3A_22 = vector.load %arg2[%get3A_20, %get3A_21] : memref<512x32xf32, #tpu.memory_space<vmem>>, vector<512x32xf32>
    %dot_general3A_23 = arith.constant dense<0.000000e+00> : vector<1000x32xf32>
    %dot_general3A_24 = tpu.matmul %squeeze3A_19, %get3A_22, %dot_general3A_23 {dimension_numbers = #tpu.dot_dimension_numbers<[1], [0], [0], [1], [0, 0, 1, 1], [], []>, transpose_lhs_hint = false} : vector<1000x512xf32>, vector<512x32xf32>, vector<1000x32xf32> -> vector<1000x32xf32>
    %swap3A_25 = arith.constant 0 : index
    %swap3A_26 = arith.constant 64 : index
    %swap3A_27 = vector.load %arg3[%swap3A_25, %swap3A_26] : memref<1000x128xf32, #tpu.memory_space<vmem>>, vector<1000x32xf32>
    tpu.vector_store %arg3[%swap3A_25, %swap3A_26], %dot_general3A_24 {strides = array<i32>} : memref<1000x128xf32, #tpu.memory_space<vmem>>, vector<1000x32xf32>,
    %slice3A_28 = vector.extract_strided_slice %reshape3A {offsets = [0, 3, 0], sizes = [1000, 1, 512], strides = [1, 1, 1]} : vector<1000x4x512xf32> to vector<1000x1x512xf32>
    %squeeze3A_29 = vector.shape_cast %slice3A_28 : vector<1000x1x512xf32> to vector<1000x512xf32>
    %get3A_30 = arith.constant 0 : index
    %get3A_31 = arith.constant 0 : index
    %get3A_32 = vector.load %arg2[%get3A_30, %get3A_31] : memref<512x32xf32, #tpu.memory_space<vmem>>, vector<512x32xf32>
    %dot_general3A_33 = arith.constant dense<0.000000e+00> : vector<1000x32xf32>
    %dot_general3A_34 = tpu.matmul %squeeze3A_29, %get3A_32, %dot_general3A_33 {dimension_numbers = #tpu.dot_dimension_numbers<[1], [0], [0], [1], [0, 0, 1, 1], [], []>, transpose_lhs_hint = false} : vector<1000x512xf32>, vector<512x32xf32>, vector<1000x32xf32> -> vector<1000x32xf32>
    %swap3A_35 = arith.constant 0 : index
    %swap3A_36 = arith.constant 96 : index
    %swap3A_37 = vector.load %arg3[%swap3A_35, %swap3A_36] : memref<1000x128xf32, #tpu.memory_space<vmem>>, vector<1000x32xf32>
    tpu.vector_store %arg3[%swap3A_35, %swap3A_36], %dot_general3A_34 {strides = array<i32>} : memref<1000x128xf32, #tpu.memory_space<vmem>>, vector<1000x32xf32>,
    return
  }
  func.func @transform_0(%arg0: i32) -> (i32, i32) {
    %c0_i32 = arith.constant 0 : i32
    %c0_i32_0 = arith.constant 0 : i32
    return %arg0, %c0_i32 : i32, i32
  }
  func.func @transform_1(%arg0: i32) -> (i32, i32) {
    %c0_i32 = arith.constant 0 : i32
    %c0_i32_0 = arith.constant 0 : i32
    %c0_i32_1 = arith.constant 0 : i32
    return %c0_i32, %c0_i32_0 : i32, i32
  }
  func.func @transform_2(%arg0: i32) -> (i32, i32) {
    %c0_i32 = arith.constant 0 : i32
    %c0_i32_0 = arith.constant 0 : i32
    return %arg0, %c0_i32 : i32, i32
  }
}

</mosaic_0001>

<sc_bundles>
// kernel: kernel.4.cloned.1.call-start
scs
__scs_entry_jumppad:
0x0: {  	(pc) =	sbr.rel $0x88, $3  }
0x1: {  	(tag) =	ssettag $0x0;
	lr =	simm.s32 $0x1  }
0x2: {  	[smem:$0x3F9D] =	sst lr;
	_ =	strace $0xD0000000  }
0x3: {  	_ = 	snop  }
0x4: {  	_ = 	snop  }
0x5: {  	_ = 	snop  }
0x6: {  	_ = 	snop  }
0x7: {  	_ = 	snop  }
__scs_overlays_trampoline_lowered:
0x8: {  	[smem:$0x3FAC] =	sst s0  }
0x9: {  	[smem:$0x3FAD] =	sst s1  }
0xa: {  	[smem:$0x3FAE] =	sst s2  }
0xb: {  	[smem:$0x3FAF] =	sst s3  }
0xc: {  	[smem:$0x3FB0] =	sst s4  }
0xd: {  	[smem:$0x3FB1] =	sst s5  }
0xe: {  	[smem:$0x3FB2] =	sst s6  }
0xf: {  	[smem:$0x3FB3] =	sst s7  }
0x10: {  	[smem:$0x3FB4] =	sst s8  }
0x11: {  	[smem:$0x3FB5] =	sst s9;
	s0 =	simm.s32 @!p0 $0x0  }
0x12: {  	s1 =	sld [smem:$0x3F9B];
	s0 =	simm.s32 @p0 $0x1  }
0x13: {  	[smem:$0x3FB6] =	sst s0;
	s0 =	simm.s32 @!p1 $0x0  }
0x14: {  	s2 =	sld [smem:$0x3F9A];
	s0 =	simm.s32 @p1 $0x1  }
0x15: {  	[smem:$0x3FB7] =	sst s0;
	s0 =	simm.s32 @!p2 $0x0  }
0x16: {  	s3 =	sld [smem:$0x3FDB];
	s0 =	simm.s32 @p2 $0x1  }
0x17: {  	s4 =	simm.s32 $0x1BF5;
	[smem:$0x3FB9] =	sst s0  }
0x18: {  	s0 =	sld [smem:$0x3F9C];
	_ =	swait.ge [sflag:s4], $0x0  }
0x19: {  	s7 =	sld [smem:$0x3F9D]  }
0x1a: {  	s8 =	sadd.s32 $0xFFFFE003, lr  }
0x1b: {  	s9 =	sadd.s32 $0xFFFFFEF7, lr;
	s5 =	simm.s32 $0xFFFFFFFF;
	p2 =	slt.u32 s8, $0xFFFFF086  }
0x1c: {  	p1 =	slt.u32 s9, $0xF7A;
	s5 =	simm.s32 @!p2 $0x0  }
0x1d: {  	s5 =	simm.s32 @p1 $0x1;
	p0 =	seq.s32 s7, s2  }
0x1e: {  	s7 =	smul.u32 @!p0 $0xF7A, s2;
	p2 =	seq.s32 @!p0 s5, $0x0  }
0x1f: {  	s9 =	smul.u32 $0xF7A, s1;
	s8 =	simm.s32 @!p0 $0x1BF5;
	p2 =	por !p2, p0  }
0x20: {  	[sflag:s8] =	ssyncset.s32 @!p0 $0xFFFFF086;
	s6 =	sadd.s32 @!p0 s3, s7;
	s7 =	simm.s32 @!p0 $0x108  }
0x21: {  	s3 =	sadd.s32 s3, s9;
	s6 =	sadd.s32 @!p0 $0x88, s6;
	s7 =	simm.s32 @p2 $0x1082  }
0x22: {  	[simem:s7], [sflag:s8] =	dma.local @!p0 [hbm:s6], $0xF7A  }
0x23: {  	s9 =	sor.u32 $0xD0000000, s2;
	s6 =	simm.s32 $0x108;
	_ =	swait.ge @!p0 [sflag:s8], $0x0  }
0x24: {  	s3 =	sadd.s32 $0x88, s3;
	s6 =	simm.s32 @!p1 $0x1082;
	[sflag:s4] =	ssyncset.s32 $0xFFFFF086  }
0x25: {  	[simem:s6], [sflag:s4] =	dma.local [hbm:s3], $0xF7A  }
0x26: {  	[smem:$0x3F9D] =	sst s1;
	(tag) =	ssettag s2;
	_ =	strace s9  }
0x27: {  	s1 =	sld [smem:$0x3FAD]  }
0x28: {  	s2 =	sld [smem:$0x3FAE]  }
0x29: {  	s4 =	sld [smem:$0x3FB0]  }
0x2a: {  	p0 =	seq.s32 s5, $0x0;
	s5 =	sld [smem:$0x3FB1]  }
0x2b: {  	s6 =	sld [smem:$0x3FB2]  }
0x2c: {  	s7 =	sld [smem:$0x3FB3]  }
0x2d: {  	s3 =	simm.s32 $0x108;
	s8 =	sld [smem:$0x3FB4]  }
0x2e: {  	s3 =	simm.s32 @!p0 $0x1082;
	s9 =	sld [smem:$0x3FB5]  }
0x2f: {  	lr =	sadd.s32 s0, s3;
	s0 =	sld [smem:$0x3FAC]  }
0x30: {  	s3 =	sld [smem:$0x3FAF]  }
0x31: {  	[smem:$0x3FB8] =	sst s10  }
0x32: {  	s10 =	sld [smem:$0x3FB6];
	_ =	sdelay $0x3  }
0x33: {  	p0 =	seq.s32 s10, $0x1;
	s10 =	sld [smem:$0x3FB8];
	_ =	sdelay $0x3  }
0x34: {  	[smem:$0x3FB8] =	sst s10  }
0x35: {  	s10 =	sld [smem:$0x3FB7];
	_ =	sdelay $0x3  }
0x36: {  	p1 =	seq.s32 s10, $0x1;
	s10 =	sld [smem:$0x3FB8];
	_ =	sdelay $0x3  }
0x37: {  	[smem:$0x3FB8] =	sst s10  }
0x38: {  	s10 =	sld [smem:$0x3FB9]  }
0x39: {  	_ = 	snop;
	(pc) =	sbr.ind lr, $3  }
0x3a: {  	_ = 	snop  }
0x3b: {  	_ = 	snop  }
0x3c: {  	p2 =	seq.s32 s10, $0x1;
	s10 =	sld [smem:$0x3FB8]  }
0x3d: {  	_ =	shalt  }
0x3e: {  	_ =	shalt  }
0x3f: {  	_ =	shalt  }
0x40: {  	_ =	shalt  }
0x41: {  	_ =	shalt  }
0x42: {  	_ =	shalt  }
0x43: {  	_ =	shalt  }
0x44: {  	_ =	shalt  }
0x45: {  	_ =	shalt  }
0x46: {  	_ =	shalt  }
0x47: {  	_ =	shalt  }
0x48: {  	_ =	shalt  }
0x49: {  	_ =	shalt  }
0x4a: {  	_ =	shalt  }
0x4b: {  	_ =	shalt  }
0x4c: {  	_ =	shalt  }
0x4d: {  	_ =	shalt  }
0x4e: {  	_ =	shalt  }
0x4f: {  	_ =	shalt  }
0x50: {  	_ =	shalt  }
0x51: {  	_ =	shalt  }
0x52: {  	_ =	shalt  }
0x53: {  	_ =	shalt  }
0x54: {  	_ =	shalt  }
0x55: {  	_ =	shalt  }
0x56: {  	_ =	shalt  }
0x57: {  	_ =	shalt  }
0x58: {  	_ =	shalt  }
0x59: {  	_ =	shalt  }
0x5a: {  	_ =	shalt  }
0x5b: {  	_ =	shalt  }
0x5c: {  	_ =	shalt  }
0x5d: {  	_ =	shalt  }
0x5e: {  	_ =	shalt  }
0x5f: {  	_ =	shalt  }
0x60: {  	_ =	shalt  }
0x61: {  	_ =	shalt  }
0x62: {  	_ =	shalt  }
0x63: {  	_ =	shalt  }
0x64: {  	_ =	shalt  }
0x65: {  	_ =	shalt  }
0x66: {  	_ =	shalt  }
0x67: {  	_ =	shalt  }
0x68: {  	_ =	shalt  }
0x69: {  	_ =	shalt  }
0x6a: {  	_ =	shalt  }
0x6b: {  	_ =	shalt  }
0x6c: {  	_ =	shalt  }
0x6d: {  	_ =	shalt  }
0x6e: {  	_ =	shalt  }
0x6f: {  	_ =	shalt  }
0x70: {  	_ =	shalt  }
0x71: {  	_ =	shalt  }
0x72: {  	_ =	shalt  }
0x73: {  	_ =	shalt  }
0x74: {  	_ =	shalt  }
0x75: {  	_ =	shalt  }
0x76: {  	_ =	shalt  }
0x77: {  	_ =	shalt  }
0x78: {  	_ =	shalt  }
0x79: {  	_ =	shalt  }
0x7a: {  	_ =	shalt  }
0x7b: {  	_ =	shalt  }
0x7c: {  	_ =	shalt  }
0x7d: {  	_ =	shalt  }
0x7e: {  	_ =	shalt  }
0x7f: {  	_ =	shalt  }
0x80: {  	_ =	shalt  }
0x81: {  	_ =	shalt  }
0x82: {  	_ =	shalt  }
0x83: {  	_ =	shalt  }
0x84: {  	_ =	shalt  }
0x85: {  	_ =	shalt  }
0x86: {  	_ =	shalt  }
0x87: {  	_ =	shalt  }
.Lfunc_end0:
.L_simem_size_0:
called_computation_lowered:
.L_overlay_start_0:
0x88: {  	s2 =	sld [smem:$0x3FD9]  }
0x89: {  	s3 =	sld [smem:$0x3FFE];
	_ =	sdelay $0x1  }
0x8a: {  	s1 =	srdreg.scid  }
0x8b: {  	s0 =	sand.u32 $0x1, s1  }
0x8c: {  	s14 =	sshll.u32 s0, $0xA;
	s2 =	sadd.s32 s3, s2  }
0x8d: {  	s2 =	sadd.s32 s2, s14  }
0x8e: {  	[smem:$0x3FC4] =	sst s2  }
0x8f: {  	_ = 	snop  }
0x90: {  	s2 =	sld [smem:$0x3FD0];
	_ =	sdelay $0x2  }
0x91: {  	s15 =	simm.s32 $0xA;
	s4 =	simm.s32 $0x10  }
0x92: {  	[smem:s4], [sflag:s15] =	dma.local [hbm:s2], $0x1  }
0x93: {  	_ =	swait.eq [sflag:s15], $0x1  }
0x94: {  	[sflag:s15] =	ssyncset.done $0x0  }
0x95: {  	s16 =	sld [smem:$0x10];
	[sflag:s15] =	ssyncadd.s32 $0xFFFFFFFF  }
0x96: {  	s17 =	sld [smem:$0x11];
	(tm) =	ssettm $0x1  }
0x97: {  	s18 =	sld [smem:$0x3FFB];
	_ =	sdelay $0x3  }
0x98: {  	_ =	strace s18  }
0x99: {  	s4 =	sld [smem:$0x3FFC];
	_ =	sdelay $0x3  }
0x9a: {  	_ =	strace s4  }
0x9b: {  	s4 =	sld [smem:$0x3FFD];
	_ =	sdelay $0x3  }
0x9c: {  	_ =	strace s4  }
0x9d: {  	_ =	strace $0x8FFFFFFF  }
0x9e: {  	s19 =	sld [smem:$0x3FDB];
	_ =	sdelay $0x1  }
0x9f: {  	s5 =	simm.s32 $_scs_section_size  }
0xa0: {  	s6 =	simm.s32 $_size__tile_overlayer_lowered;
	s7 =	simm.s32 $_tile_overlayer_lowered  }
0xa1: {  	s22 =	simm.s32 $0x1BFF;
	s21 =	sshll.u32 s7, $0x1;
	s4 =	sadd.s32 s5, s19  }
0xa2: {  	s8 =	simm.s32 $0x0;
	s20 =	sshll.u32 s6, $0x1;
	s6 =	sadd.s32 s21, s4  }
0xa3: {  	[timem:s8], [sflag:s22] =	dma.local [hbm:s6], s20  }
0xa4: {  	_ =	swait.ge [sflag:s22], s20  }
0xa5: {  	s5 =	ssub.s32 $0x0, s20;
	[sflag:s22] =	ssyncset.done $0x0  }
0xa6: {  	[sflag:s22] =	ssyncadd.s32 s5;
	_ =	sdelay $0x1  }
0xa7: {  	s23 =	simm.s32 $0x1B8B  }
0xa8: {  	_ =	swait.ge [sflag:s23], $0x1  }
0xa9: {  	[sflag:s23] =	ssyncset.done $0x0  }
0xaa: {  	s25 =	simm.s32 $0x1B8E;
	s24 =	sld [smem:$0x3FFE];
	[sflag:s23] =	ssyncadd.s32 $0xFFFFFFFF  }
0xab: {  	s26 =	simm.s32 $execute0_lowered;
	[smem:$0x3FD2] =	sst s25  }
0xac: {  	s6 =	sshll.u32 s26, $0x1;
	_ =	strace $0x80000046;
	[dreg:$0x1] =	wrdreg $0xFFFFFFFF  }
0xad: {  	s28 =	simm.s32 $_size_execute0_lowered;
	s4 =	sadd.s32 s4, s6;
	[dreg:$0x0] =	wrdreg $0x0  }
0xae: {  	s6 =	sshll.u32 s28, $0x1;
	[dreg:$0x2] =	wrdreg s4  }
0xaf: {  	[dreg:$0x3] =	wrdreg s6  }
0xb0: {  	[dreg:$0x4] =	wrdreg $0xC0  }
0xb1: {  	_ =	task [dreg:s8], $0x5FFFF  }
0xb2: {  	[dreg:$0x1] =	wrdreg $0xFFFFFFFF  }
0xb3: {  	[dreg:$0x0] =	wrdreg $0x60  }
0xb4: {  	[dreg:$0x2] =	wrdreg s24  }
0xb5: {  	[dreg:$0x3] =	wrdreg s17  }
0xb6: {  	[dreg:$0x4] =	wrdreg s16  }
0xb7: {  	[dreg:$0x5] =	wrdreg $0x9  }
0xb8: {  	_ =	task.clear_ibuf [dreg:s8], $0x6FFFF;
	_ =	strace $0x90000046  }
0xb9: {  	s29 =	simm.s32 $0x9;
	_ =	strace $0x80000048  }
0xba: {  	_ =	swait.ge [sflag:s29], $0x1  }
0xbb: {  	[sflag:s29] =	ssyncadd.s32 $0xFFFFFFFF  }
0xbc: {  	_ =	strace $0x90000048  }
0xbd: {  	_ =	sfence  }
0xbe: {  	s30 =	sld [smem:$0x0];
	_ =	sdelay $0x2  }
0xbf: {  	s31 =	sshll.u32 s1, $0xD;
	s1 =	sshrl.u32 s1, $0x2  }
0xc0: {  	s3 =	sand.u32 $0x4000, s31;
	s1 =	sadd.s32 s1, s30  }
0xc1: {  	s0 =	sor.u32 s3, s0;
	s1 =	sshll.u32 s1, $0x11  }
0xc2: {  	s0 =	sor.u32 s1, s0  }
0xc3: {  	s0 =	sadd.s32 $0x8F2B, s0  }
0xc4: {  	[sflag:s0] =	ssyncadd.remote.s32 $0x1  }
0xc5: {  	_ =	sfence.sel $0xFFFF  }
0xc6: {  	[dreg:$0x0] =	wrdreg $0xFFFFFFFF;
	(pc) =	sbr.abs _section_cstart, $3  }
0xc7: {  	[dreg:$0x1] =	wrdreg $0xFFFFFFFF  }
0xc8: {  	_ =	task.clear_ibuf [dreg:s8], $0x2FFFF;
	_ =	strace $0x9FFFFFFF  }
0xc9: {  	(tm) =	ssettm $0x7FFFFFFF  }
tec
execute0_lowered:
.L_overlay_start_1:
0x0: {  	(tag) =	ssettag $0x1  }
0x1: {  	s0 =	rddreg [dreg:$0x0];
	s1 =	srdreg.scid  }
0x2: {  	s3 =	stileid.u32;
	s2 =	rddreg [dreg:$0x2];
	s9 =	simm.s32 $0x9  }
0x3: {  	s11 =	simm.s32 $0x68;
	s13 =	simm.s32 $0x60;
	s16 =	simm.s32 $0x10700  }
0x4: {  	s17 =	simm.s32 $0x578;
	s18 =	simm.s32 $0x11300;
	s19 =	simm.s32 $0x5E0  }
0x5: {  	s20 =	simm.s32 $0x12000;
	s21 =	simm.s32 $0x1;
	s22 =	simm.s32 $0x2  }
0x6: {  	s23 =	simm.s32 $0x3;
	s24 =	simm.s32 $0x4;
	s28 =	simm.s32 $0x7  }
0x7: {  	s29 =	simm.s32 $0x8;
	s30 =	simm.s32 $0x12C00;
	s1 =	sand.u32 $0x1, s1  }
0x8: {  	s4 =	sshll.u32 s3, $0x8;
	s3 =	simm.s32 $0x0;
	s5 =	sshll.u32 s1, $0x7  }
0x9: {  	s31 =	simm.s32 $0x13C00;
	[smem:$0x7FF] =	sst s3;
	s6 =	sor.u32 s5, s4  }
0xa: {  	s1 =	ssub.s32 $0x2, s1;
	_ =	strace $0x80000047;
	s4 =	smul.u32 $0x19, s6  }
.Ltmp0:
0xb: {  	s26 =	sshrl.u32 s1, $0x1;
	s7 =	sshll.u32 s6, $0x1;
	(pc) =	sbr.rel .LBB2_1-.Ltmp0, $4  }
0xc: {  	s1 =	ssub.s32 s1, s26;
	s6 =	sshll.u32 s6, $0x2;
	s26 =	simm.s32 $0x6  }
0xd: {  	s6 =	sadd.s32 s2, s6;
	s8 =	smax.u32 s1, $0x1;
	s1 =	simm.s32 $0x0  }
0xe: {  	s25 =	sadd.s32 s4, s0;
	s4 =	sadd.s32 $0x19E00, s0;
	s0 =	sadd.s32 s7, s0  }
0xf: {  	s5 =	sadd.s32 $0xE00, s25;
	s7 =	sadd.s32 $0x7BA00, s0;
	s25 =	simm.s32 $0x5  }
.LBB2_20:
0x10: {  	[hbm4b:s6+s3] =	stream.linear.scatter [tilespmem:s30], [sflag:$0x9], $0x1000, $0x38;
	[tilespmem:$0x14420] =	vst v63  }
0x11: {  	s1 =	sadd.s32 $0x1, s1;
	_ =	swait.ge [sflag:s9], $0x1000  }
0x12: {  	p0 =	sne.s32 s1, s8;
	[sflag:s9] =	ssyncset.done $0x0  }
.Ltmp1:
0x13: {  	[sflag:s9] =	ssyncadd.s32 $0xFFFFF000;
	(pc) =	sbr.rel @!p0 .LBB2_21-.Ltmp1, $4  }
0x14: {  	[hbm4b:s7+s3] =	stream.linear.scatter [tilespmem:s31], [sflag:$0x9], $0x800, $0x38;
	[tilespmem:$0x14420] =	vst v63  }
0x15: {  	_ =	swait.ge [sflag:s9], $0x800  }
0x16: {  	[sflag:s9] =	ssyncset.done $0x0  }
0x17: {  	[sflag:s9] =	ssyncadd.s32 $0xFFFFF800  }
.LBB2_1:
0x18: {  	[tilespmem:s3], [sflag:$0x9] =	stream.linear.gather [hbm4b:s5+s3], $0x6400, $0x38;
	[tilespmem:$0x14420] =	vst v63  }
0x19: {  	_ =	swait.ge [sflag:s9], $0x6400  }
0x1a: {  	[sflag:s9] =	ssyncset.done $0x0  }
0x1b: {  	[sflag:s9] =	ssyncadd.s32 $0xFFFF9C00  }
0x1c: {  	s2 =	simm.s32 $0x14400;
	s0 =	rddreg [dreg:$0x1]  }
0x1d: {  	[tilespmem:s2], [sflag:$0x9] =	stream.linear.gather [hbm4b:s0+s3], $0x20, $0x38;
	[tilespmem:$0x14420] =	vst v63  }
0x1e: {  	_ =	swait.ge [sflag:s9], $0x20  }
0x1f: {  	[sflag:s9] =	ssyncset.done $0x0  }
0x20: {  	[sflag:s9] =	ssyncadd.s32 $0xFFFFFFE0  }
0x21: {  	s10 =	simm.s32 $0x6400;
	v0 =	vld [tilespmem:$0x14400]  }
0x22: {  	v1 =	vld [tilespmem:$0x14410];
	[tilespmem:s10], [sflag:$0x1] =	stream.indirect.gather [hbm4b:s4+s11], $0x20, s3, s11, $0xb8  }
0x23: {  	s12 =	simm.s32 $0x7100  }
0x24: {  	[tilespmem:s12], [sflag:$0x1] =	stream.indirect.gather [hbm4b:s4+s13], $0x20, s11, s13, $0xb8;
	[tilespmem:$0x14420] =	vst v63  }
0x25: {  	s14 =	simm.s32 $0xC8;
	s15 =	simm.s32 $0x7D00  }
0x26: {  	[tilespmem:s15], [sflag:$0x2] =	stream.indirect.gather [hbm4b:s4+s11], $0x20, s14, s11, $0xb8;
	[tilespmem:$0x14420] =	vst v63  }
0x27: {  	s10 =	simm.s32 $0x130;
	s12 =	simm.s32 $0x8A00  }
0x28: {  	[tilespmem:s12], [sflag:$0x2] =	stream.indirect.gather [hbm4b:s4+s13], $0x20, s10, s13, $0xb8;
	[tilespmem:$0x14420] =	vst v63  }
0x29: {  	s14 =	simm.s32 $0x190;
	s15 =	simm.s32 $0x9600  }
0x2a: {  	[tilespmem:s15], [sflag:$0x3] =	stream.indirect.gather [hbm4b:s4+s11], $0x20, s14, s11, $0xb8;
	[tilespmem:$0x14420] =	vst v63  }
0x2b: {  	s10 =	simm.s32 $0x1F8;
	s12 =	simm.s32 $0xA300  }
0x2c: {  	[tilespmem:s12], [sflag:$0x3] =	stream.indirect.gather [hbm4b:s4+s13], $0x20, s10, s13, $0xb8;
	[tilespmem:$0x14420] =	vst v63  }
0x2d: {  	s14 =	simm.s32 $0x258;
	s15 =	simm.s32 $0xAF00  }
0x2e: {  	[tilespmem:s15], [sflag:$0x4] =	stream.indirect.gather [hbm4b:s4+s11], $0x20, s14, s11, $0xb8;
	[tilespmem:$0x14420] =	vst v63  }
0x2f: {  	s10 =	simm.s32 $0x2C0;
	s12 =	simm.s32 $0xBC00  }
0x30: {  	[tilespmem:s12], [sflag:$0x4] =	stream.indirect.gather [hbm4b:s4+s13], $0x20, s10, s13, $0xb8;
	[tilespmem:$0x14420] =	vst v63  }
0x31: {  	s14 =	simm.s32 $0x320;
	s15 =	simm.s32 $0xC800  }
0x32: {  	[tilespmem:s15], [sflag:$0x5] =	stream.indirect.gather [hbm4b:s4+s11], $0x20, s14, s11, $0xb8;
	[tilespmem:$0x14420] =	vst v63  }
0x33: {  	s10 =	simm.s32 $0x388;
	s12 =	simm.s32 $0xD500  }
0x34: {  	[tilespmem:s12], [sflag:$0x5] =	stream.indirect.gather [hbm4b:s4+s13], $0x20, s10, s13, $0xb8;
	[tilespmem:$0x14420] =	vst v63  }
0x35: {  	s14 =	simm.s32 $0x3E8;
	s15 =	simm.s32 $0xE100  }
0x36: {  	[tilespmem:s15], [sflag:$0x6] =	stream.indirect.gather [hbm4b:s4+s11], $0x20, s14, s11, $0xb8;
	[tilespmem:$0x14420] =	vst v63  }
0x37: {  	s2 =	simm.s32 $0x450;
	s10 =	simm.s32 $0xEE00  }
0x38: {  	[tilespmem:s10], [sflag:$0x6] =	stream.indirect.gather [hbm4b:s4+s13], $0x20, s2, s13, $0xb8;
	[tilespmem:$0x14420] =	vst v63  }
0x39: {  	s12 =	simm.s32 $0x4B0;
	s14 =	simm.s32 $0xFA00  }
0x3a: {  	[tilespmem:s14], [sflag:$0x7] =	stream.indirect.gather [hbm4b:s4+s11], $0x20, s12, s11, $0xb8;
	[tilespmem:$0x14420] =	vst v63  }
0x3b: {  	s15 =	simm.s32 $0x518  }
0x3c: {  	[tilespmem:s16], [sflag:$0x7] =	stream.indirect.gather [hbm4b:s4+s13], $0x20, s15, s13, $0xb8;
	[tilespmem:$0x14420] =	vst v63  }
0x3d: {  	_ = 	snop  }
0x3e: {  	[tilespmem:s18], [sflag:$0x8] =	stream.indirect.gather [hbm4b:s4+s11], $0x20, s17, s11, $0xb8;
	[tilespmem:$0x14420] =	vst v63  }
0x3f: {  	s0 =	simm.s32 $0x0  }
0x40: {  	[tilespmem:s20], [sflag:$0x8] =	stream.indirect.gather [hbm4b:s4+s13], $0x20, s19, s13, $0xb8;
	[tilespmem:$0x14420] =	vst v63  }
.LBB2_2:
0x41: {  	_ =	swait.ge [sflag:s21], $0x1900  }
0x42: {  	[sflag:s21] =	ssyncset.done $0x0  }
0x43: {  	s2 =	simm.s32 $0x0;
	[sflag:s21] =	ssyncadd.s32 $0xFFFFE700  }
0x44: {  	v4 =	vld [tilespmem:s2+$0x6480]  }
0x45: {  	v6 =	vld [tilespmem:s2+$0x6490]  }
0x46: {  	v5 =	vld [tilespmem:s2+$0x64A0]  }
0x47: {  	v7 =	vld [tilespmem:s2+$0x64B0]  }
0x48: {  	v2 =	vld [tilespmem:s2+$0x64C0]  }
0x49: {  	v3 =	vld [tilespmem:s2+$0x64D0]  }
0x4a: {  	v20 =	vld [tilespmem:s2+$0x6400]  }
0x4b: {  	v22 =	vld [tilespmem:s2+$0x6410]  }
0x4c: {  	v19 =	vld [tilespmem:s2+$0x6420]  }
0x4d: {  	v21 =	vld [tilespmem:s2+$0x6430]  }
0x4e: {  	v12 =	vimm.f32 $0.0e+00;
	v13 =	vimm.f32 $0.0e+00;
	v16 =	vld [tilespmem:s2+$0x6440]  }
0x4f: {  	v14 =	vimm.f32 $0.0e+00;
	v15 =	vimm.f32 $0.0e+00;
	v8 =	vimm.f32 $0.0e+00;
	v17 =	vld [tilespmem:s2+$0x6450]  }
0x50: {  	s10 =	simm.s32 $0x400;
	v9 =	vimm.f32 $0.0e+00;
	v11 =	vimm.f32 $0.0e+00;
	v10 =	vimm.f32 $0.0e+00;
	v18 =	vld [tilespmem:s2+$0x6460]  }
.LBB2_3:
0x51: {  	p0 =	sne.s32 s10, $0x6000;
	v12 =	vadd.f32 v20, v12;
	v13 =	vadd.f32 v22, v13;
	v20 =	vld [tilespmem:s2+$0x6470]  }
0x52: {  	v14 =	vadd.f32 v19, v14;
	v15 =	vadd.f32 v21, v15;
	v19 =	vld [tilespmem:s2+$0x64E0]  }
0x53: {  	v12 =	vadd.f32 v4, v12;
	v13 =	vadd.f32 v6, v13;
	v21 =	vld [tilespmem:s2+$0x64F0];
	s2 =	sshra.s32 s10, $0x2  }
0x54: {  	v14 =	vadd.f32 v5, v14;
	v4 =	vld [tilespmem:s2+$0x6480];
	v15 =	vadd.f32 v7, v15  }
0x55: {  	v8 =	vadd.f32 v16, v8;
	v9 =	vadd.f32 v17, v9;
	v6 =	vld [tilespmem:s2+$0x6490]  }
0x56: {  	v11 =	vadd.f32 v18, v11;
	v5 =	vld [tilespmem:s2+$0x64A0];
	v10 =	vadd.f32 v20, v10  }
0x57: {  	v8 =	vadd.f32 v2, v8;
	v9 =	vadd.f32 v3, v9;
	v7 =	vld [tilespmem:s2+$0x64B0]  }
0x58: {  	v11 =	vadd.f32 v19, v11;
	v2 =	vld [tilespmem:s2+$0x64C0];
	v10 =	vadd.f32 v21, v10  }
0x59: {  	v3 =	vld [tilespmem:s2+$0x64D0]  }
0x5a: {  	v20 =	vld [tilespmem:s2+$0x6400]  }
0x5b: {  	v22 =	vld [tilespmem:s2+$0x6410]  }
.Ltmp2:
0x5c: {  	v19 =	vld [tilespmem:s2+$0x6420];
	(pc) =	sbr.rel @p0 .LBB2_3-.Ltmp2, $4  }
0x5d: {  	v21 =	vld [tilespmem:s2+$0x6430]  }
0x5e: {  	v16 =	vld [tilespmem:s2+$0x6440]  }
0x5f: {  	v17 =	vld [tilespmem:s2+$0x6450]  }
0x60: {  	s10 =	sadd.s32 $0x400, s10;
	v18 =	vld [tilespmem:s2+$0x6460]  }
0x61: {  	v12 =	vadd.f32 v20, v12;
	v13 =	vadd.f32 v22, v13;
	v20 =	vld [tilespmem:s2+$0x6470]  }
0x62: {  	v14 =	vadd.f32 v19, v14;
	v19 =	vld [tilespmem:s2+$0x64E0];
	v15 =	vadd.f32 v21, v15  }
0x63: {  	v4 =	vadd.f32 v4, v12;
	v6 =	vadd.f32 v6, v13;
	v12 =	vld [tilespmem:s2+$0x64F0]  }
0x64: {  	v5 =	vadd.f32 v5, v14;
	v8 =	vadd.f32 v16, v8  }
0x65: {  	v7 =	vadd.f32 v7, v15;
	v11 =	vadd.f32 v18, v11  }
0x66: {  	v9 =	vadd.f32 v17, v9;
	v10 =	vadd.f32 v20, v10  }
0x67: {  	v2 =	vadd.f32 v2, v8;
	v8 =	vadd.f32 v19, v11  }
0x68: {  	v3 =	vadd.f32 v3, v9;
	v9 =	vadd.f32 v12, v10  }
0x69: {  	v4 =	vadd.f32 v5, v4;
	v2 =	vadd.f32 v8, v2  }
0x6a: {  	v5 =	vadd.f32 v7, v6;
	v3 =	vadd.f32 v9, v3  }
0x6b: {  	v2 =	vadd.f32 v2, v4  }
0x6c: {  	v3 =	vadd.f32 v3, v5  }
0x6d: {  	v2 =	vmul.f32 $4.999999890e-03, v2  }
0x6e: {  	v3 =	vmul.f32 $4.999999890e-03, v3  }
0x6f: {  	v2 =	vadd.f32 v2, v0  }
0x70: {  	v4 =	vadd.f32 v3, v1  }
0x71: {  	(xrf0) =	vmax.scan.msk.f32 $0xffff, v2  }
0x72: {  	(xrf0) =	vmax.scan.msk.f32 $0xffff, v4;
	_ =	sdelay $0x4  }
0x73: {  	v5, _, _ =	vpop (xrf0)  }
0x74: {  	(v2sf) =	vpush v5, $0xF;
	v5, _, _ =	vpop (xrf0)  }
0x75: {  	(v2sf) =	vpush v5, $0xF;
	_ =	sdelay $0xd  }
0x76: {  	s15 =	spop (v2sf)  }
0x77: {  	s10 =	spop (v2sf)  }
0x78: {  	s2 =	smax.f32 s15, s10  }
0x79: {  	v5 =	vmov s2  }
0x7a: {  	v2 =	vsub.f32 v2, v5  }
0x7b: {  	v4 =	vsub.f32 v4, v5  }
0x7c: {  	v2 =	vmul.f32 $1.442695020e+00, v2  }
0x7d: {  	v4 =	vmul.f32 $1.442695020e+00, v4  }
0x7e: {  	(erf) = vpow2.f32 v2  }
0x7f: {  	(erf) = vpow2.f32 v4;
	_ =	sdelay $0x7  }
0x80: {  	v2 =	vpop (erf)  }
0x81: {  	v4 =	vpop (erf);
	(xrf2) =	vadd.scan.msk.f32 $0xffff, v2  }
0x82: {  	(xrf2) =	vadd.scan.msk.f32 $0xffff, v4;
	_ =	sdelay $0x8  }
0x83: {  	v5, _, _ =	vpop (xrf2)  }
0x84: {  	(v2sf) =	vpush v5, $0xF;
	v5, _, _ =	vpop (xrf2)  }
0x85: {  	(v2sf) =	vpush v5, $0xF;
	_ =	sdelay $0xd  }
0x86: {  	s10 =	spop (v2sf)  }
0x87: {  	s12 =	spop (v2sf)  }
0x88: {  	v3 =	vsub.f32 $0.0e+00, v3;
	s2 =	sadd.f32 s12, s10;
	_ =	sdelay $0x1  }
0x89: {  	v3 =	vmul.f32 $1.442695020e+00, v3;
	v5 =	vmov s2  }
0x8a: {  	(erf) = vrcp.f32 v5  }
0x8b: {  	(erf) = vpow2.f32 v3;
	_ =	sdelay $0x7  }
0x8c: {  	v3 =	vpop (erf)  }
0x8d: {  	v5 =	vpop (erf)  }
0x8e: {  	v5 =	vadd.f32 $1.000000000e+00, v5;
	_ =	sdelay $0x1  }
0x8f: {  	(erf) = vrcp.f32 v5;
	_ =	sdelay $0x4  }
0x90: {  	v2 =	vmul.f32 v3, v2  }
0x91: {  	s14 =	sshll.u32 s0, $0x8;
	p0 =	seq.s32 s0, $0xF  }
0x92: {  	s10 =	smul.u32 @!p0 $0x1900, s0;
	s2 =	sand.u32 $0x3FFFFF00, s14;
	v3 =	vmul.f32 v3, v4  }
0x93: {  	s12 =	sshll.u32 s0, $0x7;
	[tilespmem:s2+$0x12C00] =	vst v2  }
0x94: {  	s15 =	sand.u32 $0x3FFFFF80, s12;
	s10 =	sshra.s32 @!p0 s10, $0x2;
	[tilespmem:s2+$0x12C10] =	vst v3;
	v2 =	vpop (erf)  }
0x95: {  	s12 =	simm.s32 @!p0 $0x68;
	s14 =	simm.s32 @!p0 $0x6400;
	s2 =	sadd.s32 @!p0 $0x640, s10;
	[tilespmem:s15+$0x13C00] =	vst v2  }
0x96: {  	[tilespmem:s14], [sflag:$0x1] =	stream.indirect.gather @!p0 [hbm4b:s4+s12], $0x20, s2, s12, $0xb8;
	[tilespmem:$0x14420] =	vst v63  }
0x97: {  	s2 =	sadd.s32 @!p0 $0x6A8, s10;
	s12 =	simm.s32 @!p0 $0x60;
	s14 =	simm.s32 @!p0 $0x7100  }
0x98: {  	[tilespmem:s14], [sflag:$0x1] =	stream.indirect.gather @!p0 [hbm4b:s4+s12], $0x20, s2, s12, $0xb8;
	[tilespmem:$0x14420] =	vst v63  }
0x99: {  	_ =	swait.ge [sflag:s22], $0x1900  }
0x9a: {  	[sflag:s22] =	ssyncset.done $0x0  }
0x9b: {  	s12 =	simm.s32 $0x0;
	[sflag:s22] =	ssyncadd.s32 $0xFFFFE700  }
0x9c: {  	v4 =	vld [tilespmem:s12+$0x7D80]  }
0x9d: {  	v6 =	vld [tilespmem:s12+$0x7D90]  }
0x9e: {  	v5 =	vld [tilespmem:s12+$0x7DA0]  }
0x9f: {  	v7 =	vld [tilespmem:s12+$0x7DB0]  }
0xa0: {  	v2 =	vld [tilespmem:s12+$0x7DC0]  }
0xa1: {  	v3 =	vld [tilespmem:s12+$0x7DD0]  }
0xa2: {  	v20 =	vld [tilespmem:s12+$0x7D00]  }
0xa3: {  	v22 =	vld [tilespmem:s12+$0x7D10]  }
0xa4: {  	v19 =	vld [tilespmem:s12+$0x7D20]  }
0xa5: {  	v21 =	vld [tilespmem:s12+$0x7D30]  }
0xa6: {  	v13 =	vimm.f32 $0.0e+00;
	v14 =	vimm.f32 $0.0e+00;
	v16 =	vld [tilespmem:s12+$0x7D40]  }
0xa7: {  	v15 =	vimm.f32 $0.0e+00;
	v11 =	vimm.f32 $0.0e+00;
	v12 =	vimm.f32 $0.0e+00;
	v17 =	vld [tilespmem:s12+$0x7D50]  }
0xa8: {  	v10 =	vimm.f32 $0.0e+00;
	v8 =	vimm.f32 $0.0e+00;
	v9 =	vimm.f32 $0.0e+00;
	s2 =	sshll.u32 s0, $0x3;
	s14 =	simm.s32 $0x400;
	v18 =	vld [tilespmem:s12+$0x7D60]  }
.LBB2_5:
0xa9: {  	p1 =	sne.s32 s14, $0x6000;
	v12 =	vadd.f32 v20, v12;
	v13 =	vadd.f32 v22, v13;
	v20 =	vld [tilespmem:s12+$0x7D70]  }
0xaa: {  	v14 =	vadd.f32 v19, v14;
	v15 =	vadd.f32 v21, v15;
	v19 =	vld [tilespmem:s12+$0x7DE0]  }
0xab: {  	v12 =	vadd.f32 v4, v12;
	v13 =	vadd.f32 v6, v13;
	v21 =	vld [tilespmem:s12+$0x7DF0];
	s12 =	sshra.s32 s14, $0x2  }
0xac: {  	v14 =	vadd.f32 v5, v14;
	v4 =	vld [tilespmem:s12+$0x7D80];
	v15 =	vadd.f32 v7, v15  }
0xad: {  	v8 =	vadd.f32 v16, v8;
	v9 =	vadd.f32 v17, v9;
	v6 =	vld [tilespmem:s12+$0x7D90]  }
0xae: {  	v11 =	vadd.f32 v18, v11;
	v5 =	vld [tilespmem:s12+$0x7DA0];
	v10 =	vadd.f32 v20, v10  }
0xaf: {  	v8 =	vadd.f32 v2, v8;
	v9 =	vadd.f32 v3, v9;
	v7 =	vld [tilespmem:s12+$0x7DB0]  }
0xb0: {  	v11 =	vadd.f32 v19, v11;
	v2 =	vld [tilespmem:s12+$0x7DC0];
	v10 =	vadd.f32 v21, v10  }
0xb1: {  	v3 =	vld [tilespmem:s12+$0x7DD0]  }
0xb2: {  	v20 =	vld [tilespmem:s12+$0x7D00]  }
0xb3: {  	v22 =	vld [tilespmem:s12+$0x7D10]  }
.Ltmp3:
0xb4: {  	v19 =	vld [tilespmem:s12+$0x7D20];
	(pc) =	sbr.rel @p1 .LBB2_5-.Ltmp3, $4  }
0xb5: {  	v21 =	vld [tilespmem:s12+$0x7D30]  }
0xb6: {  	v16 =	vld [tilespmem:s12+$0x7D40]  }
0xb7: {  	v17 =	vld [tilespmem:s12+$0x7D50]  }
0xb8: {  	s14 =	sadd.s32 $0x400, s14;
	v18 =	vld [tilespmem:s12+$0x7D60]  }
0xb9: {  	v12 =	vadd.f32 v20, v12;
	v13 =	vadd.f32 v22, v13;
	v20 =	vld [tilespmem:s12+$0x7D70]  }
0xba: {  	v14 =	vadd.f32 v19, v14;
	v19 =	vld [tilespmem:s12+$0x7DE0];
	v15 =	vadd.f32 v21, v15  }
0xbb: {  	v4 =	vadd.f32 v4, v12;
	v6 =	vadd.f32 v6, v13;
	v12 =	vld [tilespmem:s12+$0x7DF0]  }
0xbc: {  	v5 =	vadd.f32 v5, v14;
	v8 =	vadd.f32 v16, v8  }
0xbd: {  	v7 =	vadd.f32 v7, v15;
	v11 =	vadd.f32 v18, v11  }
0xbe: {  	v9 =	vadd.f32 v17, v9;
	v10 =	vadd.f32 v20, v10  }
0xbf: {  	v2 =	vadd.f32 v2, v8;
	v8 =	vadd.f32 v19, v11  }
0xc0: {  	v3 =	vadd.f32 v3, v9;
	v9 =	vadd.f32 v12, v10  }
0xc1: {  	v4 =	vadd.f32 v5, v4;
	v2 =	vadd.f32 v8, v2  }
0xc2: {  	v5 =	vadd.f32 v7, v6;
	v3 =	vadd.f32 v9, v3  }
0xc3: {  	v2 =	vadd.f32 v2, v4  }
0xc4: {  	v3 =	vadd.f32 v3, v5  }
0xc5: {  	v2 =	vmul.f32 $4.999999890e-03, v2  }
0xc6: {  	v3 =	vmul.f32 $4.999999890e-03, v3  }
0xc7: {  	v2 =	vadd.f32 v2, v0  }
0xc8: {  	v4 =	vadd.f32 v3, v1  }
0xc9: {  	(xrf0) =	vmax.scan.msk.f32 $0xffff, v2  }
0xca: {  	(xrf0) =	vmax.scan.msk.f32 $0xffff, v4;
	_ =	sdelay $0x4  }
0xcb: {  	v5, _, _ =	vpop (xrf0)  }
0xcc: {  	(v2sf) =	vpush v5, $0xF;
	v5, _, _ =	vpop (xrf0)  }
0xcd: {  	(v2sf) =	vpush v5, $0xF;
	_ =	sdelay $0xd  }
0xce: {  	s15 =	spop (v2sf)  }
0xcf: {  	s14 =	spop (v2sf)  }
0xd0: {  	s12 =	smax.f32 s15, s14  }
0xd1: {  	v5 =	vmov s12  }
0xd2: {  	v2 =	vsub.f32 v2, v5  }
0xd3: {  	v4 =	vsub.f32 v4, v5  }
0xd4: {  	v2 =	vmul.f32 $1.442695020e+00, v2  }
0xd5: {  	v4 =	vmul.f32 $1.442695020e+00, v4  }
0xd6: {  	(erf) = vpow2.f32 v2  }
0xd7: {  	(erf) = vpow2.f32 v4;
	_ =	sdelay $0x7  }
0xd8: {  	v2 =	vpop (erf)  }
0xd9: {  	v4 =	vpop (erf);
	(xrf2) =	vadd.scan.msk.f32 $0xffff, v2  }
0xda: {  	(xrf2) =	vadd.scan.msk.f32 $0xffff, v4;
	_ =	sdelay $0x8  }
0xdb: {  	v5, _, _ =	vpop (xrf2)  }
0xdc: {  	(v2sf) =	vpush v5, $0xF;
	v5, _, _ =	vpop (xrf2)  }
0xdd: {  	(v2sf) =	vpush v5, $0xF;
	_ =	sdelay $0xd  }
0xde: {  	s14 =	spop (v2sf)  }
0xdf: {  	s15 =	spop (v2sf)  }
0xe0: {  	v3 =	vsub.f32 $0.0e+00, v3;
	s12 =	sadd.f32 s15, s14;
	_ =	sdelay $0x1  }
0xe1: {  	v3 =	vmul.f32 $1.442695020e+00, v3;
	v5 =	vmov s12  }
0xe2: {  	(erf) = vrcp.f32 v5  }
0xe3: {  	(erf) = vpow2.f32 v3;
	_ =	sdelay $0x7  }
0xe4: {  	v3 =	vpop (erf)  }
0xe5: {  	v5 =	vpop (erf)  }
0xe6: {  	v5 =	vadd.f32 $1.000000000e+00, v5;
	_ =	sdelay $0x1  }
0xe7: {  	(erf) = vrcp.f32 v5;
	_ =	sdelay $0x4  }
0xe8: {  	s12 =	sor.u32 $0x1, s2;
	v2 =	vmul.f32 v3, v2  }
0xe9: {  	s15 =	sshll.u32 s12, $0x5  }
0xea: {  	s14 =	sand.u32 $0x3FFFFFE0, s15;
	v3 =	vmul.f32 v3, v4  }
0xeb: {  	s12 =	sshll.u32 s12, $0x4;
	[tilespmem:s14+$0x12C00] =	vst v2  }
0xec: {  	s12 =	sand.u32 $0x3FFFFFF0, s12;
	[tilespmem:s14+$0x12C10] =	vst v3;
	v2 =	vpop (erf)  }
0xed: {  	s15 =	simm.s32 @!p0 $0x7D00;
	s14 =	simm.s32 @!p0 $0x68;
	[tilespmem:s12+$0x13C00] =	vst v2;
	s12 =	sadd.s32 @!p0 $0x708, s10  }
0xee: {  	[tilespmem:s15], [sflag:$0x2] =	stream.indirect.gather @!p0 [hbm4b:s4+s14], $0x20, s12, s14, $0xb8;
	[tilespmem:$0x14420] =	vst v63  }
0xef: {  	s12 =	sadd.s32 @!p0 $0x770, s10;
	s14 =	simm.s32 @!p0 $0x60;
	s15 =	simm.s32 @!p0 $0x8A00  }
0xf0: {  	[tilespmem:s15], [sflag:$0x2] =	stream.indirect.gather @!p0 [hbm4b:s4+s14], $0x20, s12, s14, $0xb8;
	[tilespmem:$0x14420] =	vst v63  }
0xf1: {  	_ =	swait.ge [sflag:s23], $0x1900  }
0xf2: {  	[sflag:s23] =	ssyncset.done $0x0  }
0xf3: {  	s12 =	simm.s32 $0x0;
	[sflag:s23] =	ssyncadd.s32 $0xFFFFE700  }
0xf4: {  	v4 =	vld [tilespmem:s12+$0x9680]  }
0xf5: {  	v6 =	vld [tilespmem:s12+$0x9690]  }
0xf6: {  	v5 =	vld [tilespmem:s12+$0x96A0]  }
0xf7: {  	v7 =	vld [tilespmem:s12+$0x96B0]  }
0xf8: {  	v2 =	vld [tilespmem:s12+$0x96C0]  }
0xf9: {  	v3 =	vld [tilespmem:s12+$0x96D0]  }
0xfa: {  	v20 =	vld [tilespmem:s12+$0x9600]  }
0xfb: {  	v22 =	vld [tilespmem:s12+$0x9610]  }
0xfc: {  	v19 =	vld [tilespmem:s12+$0x9620]  }
0xfd: {  	v21 =	vld [tilespmem:s12+$0x9630]  }
0xfe: {  	v13 =	vimm.f32 $0.0e+00;
	v14 =	vimm.f32 $0.0e+00;
	v16 =	vld [tilespmem:s12+$0x9640]  }
0xff: {  	v15 =	vimm.f32 $0.0e+00;
	v11 =	vimm.f32 $0.0e+00;
	v12 =	vimm.f32 $0.0e+00;
	v17 =	vld [tilespmem:s12+$0x9650]  }
0x100: {  	v10 =	vimm.f32 $0.0e+00;
	v8 =	vimm.f32 $0.0e+00;
	v9 =	vimm.f32 $0.0e+00;
	s14 =	simm.s32 $0x400;
	v18 =	vld [tilespmem:s12+$0x9660]  }
.LBB2_7:
0x101: {  	p1 =	sne.s32 s14, $0x6000;
	v12 =	vadd.f32 v20, v12;
	v13 =	vadd.f32 v22, v13;
	v20 =	vld [tilespmem:s12+$0x9670]  }
0x102: {  	v14 =	vadd.f32 v19, v14;
	v15 =	vadd.f32 v21, v15;
	v19 =	vld [tilespmem:s12+$0x96E0]  }
0x103: {  	v12 =	vadd.f32 v4, v12;
	v13 =	vadd.f32 v6, v13;
	v21 =	vld [tilespmem:s12+$0x96F0];
	s12 =	sshra.s32 s14, $0x2  }
0x104: {  	v14 =	vadd.f32 v5, v14;
	v4 =	vld [tilespmem:s12+$0x9680];
	v15 =	vadd.f32 v7, v15  }
0x105: {  	v8 =	vadd.f32 v16, v8;
	v9 =	vadd.f32 v17, v9;
	v6 =	vld [tilespmem:s12+$0x9690]  }
0x106: {  	v11 =	vadd.f32 v18, v11;
	v5 =	vld [tilespmem:s12+$0x96A0];
	v10 =	vadd.f32 v20, v10  }
0x107: {  	v8 =	vadd.f32 v2, v8;
	v9 =	vadd.f32 v3, v9;
	v7 =	vld [tilespmem:s12+$0x96B0]  }
0x108: {  	v11 =	vadd.f32 v19, v11;
	v2 =	vld [tilespmem:s12+$0x96C0];
	v10 =	vadd.f32 v21, v10  }
0x109: {  	v3 =	vld [tilespmem:s12+$0x96D0]  }
0x10a: {  	v20 =	vld [tilespmem:s12+$0x9600]  }
0x10b: {  	v22 =	vld [tilespmem:s12+$0x9610]  }
.Ltmp4:
0x10c: {  	v19 =	vld [tilespmem:s12+$0x9620];
	(pc) =	sbr.rel @p1 .LBB2_7-.Ltmp4, $4  }
0x10d: {  	v21 =	vld [tilespmem:s12+$0x9630]  }
0x10e: {  	v16 =	vld [tilespmem:s12+$0x9640]  }
0x10f: {  	v17 =	vld [tilespmem:s12+$0x9650]  }
0x110: {  	s14 =	sadd.s32 $0x400, s14;
	v18 =	vld [tilespmem:s12+$0x9660]  }
0x111: {  	v12 =	vadd.f32 v20, v12;
	v13 =	vadd.f32 v22, v13;
	v20 =	vld [tilespmem:s12+$0x9670]  }
0x112: {  	v14 =	vadd.f32 v19, v14;
	v19 =	vld [tilespmem:s12+$0x96E0];
	v15 =	vadd.f32 v21, v15  }
0x113: {  	v4 =	vadd.f32 v4, v12;
	v6 =	vadd.f32 v6, v13;
	v12 =	vld [tilespmem:s12+$0x96F0]  }
0x114: {  	v5 =	vadd.f32 v5, v14;
	v8 =	vadd.f32 v16, v8  }
0x115: {  	v7 =	vadd.f32 v7, v15;
	v11 =	vadd.f32 v18, v11  }
0x116: {  	v9 =	vadd.f32 v17, v9;
	v10 =	vadd.f32 v20, v10  }
0x117: {  	v2 =	vadd.f32 v2, v8;
	v8 =	vadd.f32 v19, v11  }
0x118: {  	v3 =	vadd.f32 v3, v9;
	v9 =	vadd.f32 v12, v10  }
0x119: {  	v4 =	vadd.f32 v5, v4;
	v2 =	vadd.f32 v8, v2  }
0x11a: {  	v5 =	vadd.f32 v7, v6;
	v3 =	vadd.f32 v9, v3  }
0x11b: {  	v2 =	vadd.f32 v2, v4  }
0x11c: {  	v3 =	vadd.f32 v3, v5  }
0x11d: {  	v2 =	vmul.f32 $4.999999890e-03, v2  }
0x11e: {  	v3 =	vmul.f32 $4.999999890e-03, v3  }
0x11f: {  	v2 =	vadd.f32 v2, v0  }
0x120: {  	v4 =	vadd.f32 v3, v1  }
0x121: {  	(xrf0) =	vmax.scan.msk.f32 $0xffff, v2  }
0x122: {  	(xrf0) =	vmax.scan.msk.f32 $0xffff, v4;
	_ =	sdelay $0x4  }
0x123: {  	v5, _, _ =	vpop (xrf0)  }
0x124: {  	(v2sf) =	vpush v5, $0xF;
	v5, _, _ =	vpop (xrf0)  }
0x125: {  	(v2sf) =	vpush v5, $0xF;
	_ =	sdelay $0xd  }
0x126: {  	s15 =	spop (v2sf)  }
0x127: {  	s14 =	spop (v2sf)  }
0x128: {  	s12 =	smax.f32 s15, s14  }
0x129: {  	v5 =	vmov s12  }
0x12a: {  	v2 =	vsub.f32 v2, v5  }
0x12b: {  	v4 =	vsub.f32 v4, v5  }
0x12c: {  	v2 =	vmul.f32 $1.442695020e+00, v2  }
0x12d: {  	v4 =	vmul.f32 $1.442695020e+00, v4  }
0x12e: {  	(erf) = vpow2.f32 v2  }
0x12f: {  	(erf) = vpow2.f32 v4;
	_ =	sdelay $0x7  }
0x130: {  	v2 =	vpop (erf)  }
0x131: {  	v4 =	vpop (erf);
	(xrf2) =	vadd.scan.msk.f32 $0xffff, v2  }
0x132: {  	(xrf2) =	vadd.scan.msk.f32 $0xffff, v4;
	_ =	sdelay $0x8  }
0x133: {  	v5, _, _ =	vpop (xrf2)  }
0x134: {  	(v2sf) =	vpush v5, $0xF;
	v5, _, _ =	vpop (xrf2)  }
0x135: {  	(v2sf) =	vpush v5, $0xF;
	_ =	sdelay $0xd  }
0x136: {  	s14 =	spop (v2sf)  }
0x137: {  	s15 =	spop (v2sf)  }
0x138: {  	v3 =	vsub.f32 $0.0e+00, v3;
	s12 =	sadd.f32 s15, s14;
	_ =	sdelay $0x1  }
0x139: {  	v3 =	vmul.f32 $1.442695020e+00, v3;
	v5 =	vmov s12  }
0x13a: {  	(erf) = vrcp.f32 v5  }
0x13b: {  	(erf) = vpow2.f32 v3;
	_ =	sdelay $0x7  }
0x13c: {  	v3 =	vpop (erf)  }
0x13d: {  	v5 =	vpop (erf)  }
0x13e: {  	v5 =	vadd.f32 $1.000000000e+00, v5;
	_ =	sdelay $0x1  }
0x13f: {  	(erf) = vrcp.f32 v5;
	_ =	sdelay $0x4  }
0x140: {  	s12 =	sor.u32 $0x2, s2;
	v2 =	vmul.f32 v3, v2  }
0x141: {  	s15 =	sshll.u32 s12, $0x5  }
0x142: {  	s14 =	sand.u32 $0x3FFFFFE0, s15;
	v3 =	vmul.f32 v3, v4  }
0x143: {  	s12 =	sshll.u32 s12, $0x4;
	[tilespmem:s14+$0x12C00] =	vst v2  }
0x144: {  	s12 =	sand.u32 $0x3FFFFFF0, s12;
	[tilespmem:s14+$0x12C10] =	vst v3;
	v2 =	vpop (erf)  }
0x145: {  	s15 =	simm.s32 @!p0 $0x9600;
	s14 =	simm.s32 @!p0 $0x68;
	[tilespmem:s12+$0x13C00] =	vst v2;
	s12 =	sadd.s32 @!p0 $0x7D0, s10  }
0x146: {  	[tilespmem:s15], [sflag:$0x3] =	stream.indirect.gather @!p0 [hbm4b:s4+s14], $0x20, s12, s14, $0xb8;
	[tilespmem:$0x14420] =	vst v63  }
0x147: {  	s12 =	sadd.s32 @!p0 $0x838, s10;
	s14 =	simm.s32 @!p0 $0x60;
	s15 =	simm.s32 @!p0 $0xA300  }
0x148: {  	[tilespmem:s15], [sflag:$0x3] =	stream.indirect.gather @!p0 [hbm4b:s4+s14], $0x20, s12, s14, $0xb8;
	[tilespmem:$0x14420] =	vst v63  }
0x149: {  	_ =	swait.ge [sflag:s24], $0x1900  }
0x14a: {  	[sflag:s24] =	ssyncset.done $0x0  }
0x14b: {  	s12 =	simm.s32 $0x0;
	[sflag:s24] =	ssyncadd.s32 $0xFFFFE700  }
0x14c: {  	v4 =	vld [tilespmem:s12+$0xAF80]  }
0x14d: {  	v6 =	vld [tilespmem:s12+$0xAF90]  }
0x14e: {  	v5 =	vld [tilespmem:s12+$0xAFA0]  }
0x14f: {  	v7 =	vld [tilespmem:s12+$0xAFB0]  }
0x150: {  	v2 =	vld [tilespmem:s12+$0xAFC0]  }
0x151: {  	v3 =	vld [tilespmem:s12+$0xAFD0]  }
0x152: {  	v20 =	vld [tilespmem:s12+$0xAF00]  }
0x153: {  	v22 =	vld [tilespmem:s12+$0xAF10]  }
0x154: {  	v19 =	vld [tilespmem:s12+$0xAF20]  }
0x155: {  	v21 =	vld [tilespmem:s12+$0xAF30]  }
0x156: {  	v13 =	vimm.f32 $0.0e+00;
	v14 =	vimm.f32 $0.0e+00;
	v16 =	vld [tilespmem:s12+$0xAF40]  }
0x157: {  	v15 =	vimm.f32 $0.0e+00;
	v11 =	vimm.f32 $0.0e+00;
	v12 =	vimm.f32 $0.0e+00;
	v17 =	vld [tilespmem:s12+$0xAF50]  }
0x158: {  	v10 =	vimm.f32 $0.0e+00;
	v8 =	vimm.f32 $0.0e+00;
	v9 =	vimm.f32 $0.0e+00;
	s14 =	simm.s32 $0x400;
	v18 =	vld [tilespmem:s12+$0xAF60]  }
.LBB2_9:
0x159: {  	p1 =	sne.s32 s14, $0x6000;
	v12 =	vadd.f32 v20, v12;
	v13 =	vadd.f32 v22, v13;
	v20 =	vld [tilespmem:s12+$0xAF70]  }
0x15a: {  	v14 =	vadd.f32 v19, v14;
	v15 =	vadd.f32 v21, v15;
	v19 =	vld [tilespmem:s12+$0xAFE0]  }
0x15b: {  	v12 =	vadd.f32 v4, v12;
	v13 =	vadd.f32 v6, v13;
	v21 =	vld [tilespmem:s12+$0xAFF0];
	s12 =	sshra.s32 s14, $0x2  }
0x15c: {  	v14 =	vadd.f32 v5, v14;
	v4 =	vld [tilespmem:s12+$0xAF80];
	v15 =	vadd.f32 v7, v15  }
0x15d: {  	v8 =	vadd.f32 v16, v8;
	v9 =	vadd.f32 v17, v9;
	v6 =	vld [tilespmem:s12+$0xAF90]  }
0x15e: {  	v11 =	vadd.f32 v18, v11;
	v5 =	vld [tilespmem:s12+$0xAFA0];
	v10 =	vadd.f32 v20, v10  }
0x15f: {  	v8 =	vadd.f32 v2, v8;
	v9 =	vadd.f32 v3, v9;
	v7 =	vld [tilespmem:s12+$0xAFB0]  }
0x160: {  	v11 =	vadd.f32 v19, v11;
	v2 =	vld [tilespmem:s12+$0xAFC0];
	v10 =	vadd.f32 v21, v10  }
0x161: {  	v3 =	vld [tilespmem:s12+$0xAFD0]  }
0x162: {  	v20 =	vld [tilespmem:s12+$0xAF00]  }
0x163: {  	v22 =	vld [tilespmem:s12+$0xAF10]  }
.Ltmp5:
0x164: {  	v19 =	vld [tilespmem:s12+$0xAF20];
	(pc) =	sbr.rel @p1 .LBB2_9-.Ltmp5, $4  }
0x165: {  	v21 =	vld [tilespmem:s12+$0xAF30]  }
0x166: {  	v16 =	vld [tilespmem:s12+$0xAF40]  }
0x167: {  	v17 =	vld [tilespmem:s12+$0xAF50]  }
0x168: {  	s14 =	sadd.s32 $0x400, s14;
	v18 =	vld [tilespmem:s12+$0xAF60]  }
0x169: {  	v12 =	vadd.f32 v20, v12;
	v13 =	vadd.f32 v22, v13;
	v20 =	vld [tilespmem:s12+$0xAF70]  }
0x16a: {  	v14 =	vadd.f32 v19, v14;
	v19 =	vld [tilespmem:s12+$0xAFE0];
	v15 =	vadd.f32 v21, v15  }
0x16b: {  	v4 =	vadd.f32 v4, v12;
	v6 =	vadd.f32 v6, v13;
	v12 =	vld [tilespmem:s12+$0xAFF0]  }
0x16c: {  	v5 =	vadd.f32 v5, v14;
	v8 =	vadd.f32 v16, v8  }
0x16d: {  	v7 =	vadd.f32 v7, v15;
	v11 =	vadd.f32 v18, v11  }
0x16e: {  	v9 =	vadd.f32 v17, v9;
	v10 =	vadd.f32 v20, v10  }
0x16f: {  	v2 =	vadd.f32 v2, v8;
	v8 =	vadd.f32 v19, v11  }
0x170: {  	v3 =	vadd.f32 v3, v9;
	v9 =	vadd.f32 v12, v10  }
0x171: {  	v4 =	vadd.f32 v5, v4;
	v2 =	vadd.f32 v8, v2  }
0x172: {  	v5 =	vadd.f32 v7, v6;
	v3 =	vadd.f32 v9, v3  }
0x173: {  	v2 =	vadd.f32 v2, v4  }
0x174: {  	v3 =	vadd.f32 v3, v5  }
0x175: {  	v2 =	vmul.f32 $4.999999890e-03, v2  }
0x176: {  	v3 =	vmul.f32 $4.999999890e-03, v3  }
0x177: {  	v2 =	vadd.f32 v2, v0  }
0x178: {  	v4 =	vadd.f32 v3, v1  }
0x179: {  	(xrf0) =	vmax.scan.msk.f32 $0xffff, v2  }
0x17a: {  	(xrf0) =	vmax.scan.msk.f32 $0xffff, v4;
	_ =	sdelay $0x4  }
0x17b: {  	v5, _, _ =	vpop (xrf0)  }
0x17c: {  	(v2sf) =	vpush v5, $0xF;
	v5, _, _ =	vpop (xrf0)  }
0x17d: {  	(v2sf) =	vpush v5, $0xF;
	_ =	sdelay $0xd  }
0x17e: {  	s15 =	spop (v2sf)  }
0x17f: {  	s14 =	spop (v2sf)  }
0x180: {  	s12 =	smax.f32 s15, s14  }
0x181: {  	v5 =	vmov s12  }
0x182: {  	v2 =	vsub.f32 v2, v5  }
0x183: {  	v4 =	vsub.f32 v4, v5  }
0x184: {  	v2 =	vmul.f32 $1.442695020e+00, v2  }
0x185: {  	v4 =	vmul.f32 $1.442695020e+00, v4  }
0x186: {  	(erf) = vpow2.f32 v2  }
0x187: {  	(erf) = vpow2.f32 v4;
	_ =	sdelay $0x7  }
0x188: {  	v2 =	vpop (erf)  }
0x189: {  	v4 =	vpop (erf);
	(xrf2) =	vadd.scan.msk.f32 $0xffff, v2  }
0x18a: {  	(xrf2) =	vadd.scan.msk.f32 $0xffff, v4;
	_ =	sdelay $0x8  }
0x18b: {  	v5, _, _ =	vpop (xrf2)  }
0x18c: {  	(v2sf) =	vpush v5, $0xF;
	v5, _, _ =	vpop (xrf2)  }
0x18d: {  	(v2sf) =	vpush v5, $0xF;
	_ =	sdelay $0xd  }
0x18e: {  	s14 =	spop (v2sf)  }
0x18f: {  	s15 =	spop (v2sf)  }
0x190: {  	v3 =	vsub.f32 $0.0e+00, v3;
	s12 =	sadd.f32 s15, s14;
	_ =	sdelay $0x1  }
0x191: {  	v3 =	vmul.f32 $1.442695020e+00, v3;
	v5 =	vmov s12  }
0x192: {  	(erf) = vrcp.f32 v5  }
0x193: {  	(erf) = vpow2.f32 v3;
	_ =	sdelay $0x7  }
0x194: {  	v3 =	vpop (erf)  }
0x195: {  	v5 =	vpop (erf)  }
0x196: {  	v5 =	vadd.f32 $1.000000000e+00, v5;
	_ =	sdelay $0x1  }
0x197: {  	(erf) = vrcp.f32 v5;
	_ =	sdelay $0x4  }
0x198: {  	s12 =	sor.u32 $0x3, s2;
	v2 =	vmul.f32 v3, v2  }
0x199: {  	s15 =	sshll.u32 s12, $0x5  }
0x19a: {  	s14 =	sand.u32 $0x3FFFFFE0, s15;
	v3 =	vmul.f32 v3, v4  }
0x19b: {  	s12 =	sshll.u32 s12, $0x4;
	[tilespmem:s14+$0x12C00] =	vst v2  }
0x19c: {  	s12 =	sand.u32 $0x3FFFFFF0, s12;
	[tilespmem:s14+$0x12C10] =	vst v3;
	v2 =	vpop (erf)  }
0x19d: {  	s15 =	simm.s32 @!p0 $0xAF00;
	s14 =	simm.s32 @!p0 $0x68;
	[tilespmem:s12+$0x13C00] =	vst v2;
	s12 =	sadd.s32 @!p0 $0x898, s10  }
0x19e: {  	[tilespmem:s15], [sflag:$0x4] =	stream.indirect.gather @!p0 [hbm4b:s4+s14], $0x20, s12, s14, $0xb8;
	[tilespmem:$0x14420] =	vst v63  }
0x19f: {  	s12 =	sadd.s32 @!p0 $0x900, s10;
	s14 =	simm.s32 @!p0 $0x60;
	s15 =	simm.s32 @!p0 $0xBC00  }
0x1a0: {  	[tilespmem:s15], [sflag:$0x4] =	stream.indirect.gather @!p0 [hbm4b:s4+s14], $0x20, s12, s14, $0xb8;
	[tilespmem:$0x14420] =	vst v63  }
0x1a1: {  	_ =	swait.ge [sflag:s25], $0x1900  }
0x1a2: {  	[sflag:s25] =	ssyncset.done $0x0  }
0x1a3: {  	s12 =	simm.s32 $0x0;
	[sflag:s25] =	ssyncadd.s32 $0xFFFFE700  }
0x1a4: {  	v4 =	vld [tilespmem:s12+$0xC880]  }
0x1a5: {  	v6 =	vld [tilespmem:s12+$0xC890]  }
0x1a6: {  	v5 =	vld [tilespmem:s12+$0xC8A0]  }
0x1a7: {  	v7 =	vld [tilespmem:s12+$0xC8B0]  }
0x1a8: {  	v2 =	vld [tilespmem:s12+$0xC8C0]  }
0x1a9: {  	v3 =	vld [tilespmem:s12+$0xC8D0]  }
0x1aa: {  	v20 =	vld [tilespmem:s12+$0xC800]  }
0x1ab: {  	v22 =	vld [tilespmem:s12+$0xC810]  }
0x1ac: {  	v19 =	vld [tilespmem:s12+$0xC820]  }
0x1ad: {  	v21 =	vld [tilespmem:s12+$0xC830]  }
0x1ae: {  	v13 =	vimm.f32 $0.0e+00;
	v14 =	vimm.f32 $0.0e+00;
	v16 =	vld [tilespmem:s12+$0xC840]  }
0x1af: {  	v15 =	vimm.f32 $0.0e+00;
	v11 =	vimm.f32 $0.0e+00;
	v12 =	vimm.f32 $0.0e+00;
	v17 =	vld [tilespmem:s12+$0xC850]  }
0x1b0: {  	v10 =	vimm.f32 $0.0e+00;
	v8 =	vimm.f32 $0.0e+00;
	v9 =	vimm.f32 $0.0e+00;
	s14 =	simm.s32 $0x400;
	v18 =	vld [tilespmem:s12+$0xC860]  }
.LBB2_11:
0x1b1: {  	p1 =	sne.s32 s14, $0x6000;
	v12 =	vadd.f32 v20, v12;
	v13 =	vadd.f32 v22, v13;
	v20 =	vld [tilespmem:s12+$0xC870]  }
0x1b2: {  	v14 =	vadd.f32 v19, v14;
	v15 =	vadd.f32 v21, v15;
	v19 =	vld [tilespmem:s12+$0xC8E0]  }
0x1b3: {  	v12 =	vadd.f32 v4, v12;
	v13 =	vadd.f32 v6, v13;
	v21 =	vld [tilespmem:s12+$0xC8F0];
	s12 =	sshra.s32 s14, $0x2  }
0x1b4: {  	v14 =	vadd.f32 v5, v14;
	v4 =	vld [tilespmem:s12+$0xC880];
	v15 =	vadd.f32 v7, v15  }
0x1b5: {  	v8 =	vadd.f32 v16, v8;
	v9 =	vadd.f32 v17, v9;
	v6 =	vld [tilespmem:s12+$0xC890]  }
0x1b6: {  	v11 =	vadd.f32 v18, v11;
	v5 =	vld [tilespmem:s12+$0xC8A0];
	v10 =	vadd.f32 v20, v10  }
0x1b7: {  	v8 =	vadd.f32 v2, v8;
	v9 =	vadd.f32 v3, v9;
	v7 =	vld [tilespmem:s12+$0xC8B0]  }
0x1b8: {  	v11 =	vadd.f32 v19, v11;
	v2 =	vld [tilespmem:s12+$0xC8C0];
	v10 =	vadd.f32 v21, v10  }
0x1b9: {  	v3 =	vld [tilespmem:s12+$0xC8D0]  }
0x1ba: {  	v20 =	vld [tilespmem:s12+$0xC800]  }
0x1bb: {  	v22 =	vld [tilespmem:s12+$0xC810]  }
.Ltmp6:
0x1bc: {  	v19 =	vld [tilespmem:s12+$0xC820];
	(pc) =	sbr.rel @p1 .LBB2_11-.Ltmp6, $4  }
0x1bd: {  	v21 =	vld [tilespmem:s12+$0xC830]  }
0x1be: {  	v16 =	vld [tilespmem:s12+$0xC840]  }
0x1bf: {  	v17 =	vld [tilespmem:s12+$0xC850]  }
0x1c0: {  	s14 =	sadd.s32 $0x400, s14;
	v18 =	vld [tilespmem:s12+$0xC860]  }
0x1c1: {  	v12 =	vadd.f32 v20, v12;
	v13 =	vadd.f32 v22, v13;
	v20 =	vld [tilespmem:s12+$0xC870]  }
0x1c2: {  	v14 =	vadd.f32 v19, v14;
	v19 =	vld [tilespmem:s12+$0xC8E0];
	v15 =	vadd.f32 v21, v15  }
0x1c3: {  	v4 =	vadd.f32 v4, v12;
	v6 =	vadd.f32 v6, v13;
	v12 =	vld [tilespmem:s12+$0xC8F0]  }
0x1c4: {  	v5 =	vadd.f32 v5, v14;
	v8 =	vadd.f32 v16, v8  }
0x1c5: {  	v7 =	vadd.f32 v7, v15;
	v11 =	vadd.f32 v18, v11  }
0x1c6: {  	v9 =	vadd.f32 v17, v9;
	v10 =	vadd.f32 v20, v10  }
0x1c7: {  	v2 =	vadd.f32 v2, v8;
	v8 =	vadd.f32 v19, v11  }
0x1c8: {  	v3 =	vadd.f32 v3, v9;
	v9 =	vadd.f32 v12, v10  }
0x1c9: {  	v4 =	vadd.f32 v5, v4;
	v2 =	vadd.f32 v8, v2  }
0x1ca: {  	v5 =	vadd.f32 v7, v6;
	v3 =	vadd.f32 v9, v3  }
0x1cb: {  	v2 =	vadd.f32 v2, v4  }
0x1cc: {  	v3 =	vadd.f32 v3, v5  }
0x1cd: {  	v2 =	vmul.f32 $4.999999890e-03, v2  }
0x1ce: {  	v3 =	vmul.f32 $4.999999890e-03, v3  }
0x1cf: {  	v2 =	vadd.f32 v2, v0  }
0x1d0: {  	v4 =	vadd.f32 v3, v1  }
0x1d1: {  	(xrf0) =	vmax.scan.msk.f32 $0xffff, v2  }
0x1d2: {  	(xrf0) =	vmax.scan.msk.f32 $0xffff, v4;
	_ =	sdelay $0x4  }
0x1d3: {  	v5, _, _ =	vpop (xrf0)  }
0x1d4: {  	(v2sf) =	vpush v5, $0xF;
	v5, _, _ =	vpop (xrf0)  }
0x1d5: {  	(v2sf) =	vpush v5, $0xF;
	_ =	sdelay $0xd  }
0x1d6: {  	s15 =	spop (v2sf)  }
0x1d7: {  	s14 =	spop (v2sf)  }
0x1d8: {  	s12 =	smax.f32 s15, s14  }
0x1d9: {  	v5 =	vmov s12  }
0x1da: {  	v2 =	vsub.f32 v2, v5  }
0x1db: {  	v4 =	vsub.f32 v4, v5  }
0x1dc: {  	v2 =	vmul.f32 $1.442695020e+00, v2  }
0x1dd: {  	v4 =	vmul.f32 $1.442695020e+00, v4  }
0x1de: {  	(erf) = vpow2.f32 v2  }
0x1df: {  	(erf) = vpow2.f32 v4;
	_ =	sdelay $0x7  }
0x1e0: {  	v2 =	vpop (erf)  }
0x1e1: {  	v4 =	vpop (erf);
	(xrf2) =	vadd.scan.msk.f32 $0xffff, v2  }
0x1e2: {  	(xrf2) =	vadd.scan.msk.f32 $0xffff, v4;
	_ =	sdelay $0x8  }
0x1e3: {  	v5, _, _ =	vpop (xrf2)  }
0x1e4: {  	(v2sf) =	vpush v5, $0xF;
	v5, _, _ =	vpop (xrf2)  }
0x1e5: {  	(v2sf) =	vpush v5, $0xF;
	_ =	sdelay $0xd  }
0x1e6: {  	s14 =	spop (v2sf)  }
0x1e7: {  	s15 =	spop (v2sf)  }
0x1e8: {  	v3 =	vsub.f32 $0.0e+00, v3;
	s12 =	sadd.f32 s15, s14;
	_ =	sdelay $0x1  }
0x1e9: {  	v3 =	vmul.f32 $1.442695020e+00, v3;
	v5 =	vmov s12  }
0x1ea: {  	(erf) = vrcp.f32 v5  }
0x1eb: {  	(erf) = vpow2.f32 v3;
	_ =	sdelay $0x7  }
0x1ec: {  	v3 =	vpop (erf)  }
0x1ed: {  	v5 =	vpop (erf)  }
0x1ee: {  	v5 =	vadd.f32 $1.000000000e+00, v5;
	_ =	sdelay $0x1  }
0x1ef: {  	(erf) = vrcp.f32 v5;
	_ =	sdelay $0x4  }
0x1f0: {  	s12 =	sor.u32 $0x4, s2;
	v2 =	vmul.f32 v3, v2  }
0x1f1: {  	s15 =	sshll.u32 s12, $0x5  }
0x1f2: {  	s14 =	sand.u32 $0x3FFFFFE0, s15;
	v3 =	vmul.f32 v3, v4  }
0x1f3: {  	s12 =	sshll.u32 s12, $0x4;
	[tilespmem:s14+$0x12C00] =	vst v2  }
0x1f4: {  	s12 =	sand.u32 $0x3FFFFFF0, s12;
	[tilespmem:s14+$0x12C10] =	vst v3;
	v2 =	vpop (erf)  }
0x1f5: {  	s15 =	simm.s32 @!p0 $0xC800;
	s14 =	simm.s32 @!p0 $0x68;
	[tilespmem:s12+$0x13C00] =	vst v2;
	s12 =	sadd.s32 @!p0 $0x960, s10  }
0x1f6: {  	[tilespmem:s15], [sflag:$0x5] =	stream.indirect.gather @!p0 [hbm4b:s4+s14], $0x20, s12, s14, $0xb8;
	[tilespmem:$0x14420] =	vst v63  }
0x1f7: {  	s12 =	sadd.s32 @!p0 $0x9C8, s10;
	s14 =	simm.s32 @!p0 $0x60;
	s15 =	simm.s32 @!p0 $0xD500  }
0x1f8: {  	[tilespmem:s15], [sflag:$0x5] =	stream.indirect.gather @!p0 [hbm4b:s4+s14], $0x20, s12, s14, $0xb8;
	[tilespmem:$0x14420] =	vst v63  }
0x1f9: {  	_ =	swait.ge [sflag:s26], $0x1900  }
0x1fa: {  	[sflag:s26] =	ssyncset.done $0x0  }
0x1fb: {  	s12 =	simm.s32 $0x0;
	[sflag:s26] =	ssyncadd.s32 $0xFFFFE700  }
0x1fc: {  	v4 =	vld [tilespmem:s12+$0xE180]  }
0x1fd: {  	v6 =	vld [tilespmem:s12+$0xE190]  }
0x1fe: {  	v5 =	vld [tilespmem:s12+$0xE1A0]  }
0x1ff: {  	v7 =	vld [tilespmem:s12+$0xE1B0]  }
0x200: {  	v2 =	vld [tilespmem:s12+$0xE1C0]  }
0x201: {  	v3 =	vld [tilespmem:s12+$0xE1D0]  }
0x202: {  	v20 =	vld [tilespmem:s12+$0xE100]  }
0x203: {  	v22 =	vld [tilespmem:s12+$0xE110]  }
0x204: {  	v19 =	vld [tilespmem:s12+$0xE120]  }
0x205: {  	v21 =	vld [tilespmem:s12+$0xE130]  }
0x206: {  	v13 =	vimm.f32 $0.0e+00;
	v14 =	vimm.f32 $0.0e+00;
	v16 =	vld [tilespmem:s12+$0xE140]  }
0x207: {  	v15 =	vimm.f32 $0.0e+00;
	v11 =	vimm.f32 $0.0e+00;
	v12 =	vimm.f32 $0.0e+00;
	v17 =	vld [tilespmem:s12+$0xE150]  }
0x208: {  	v10 =	vimm.f32 $0.0e+00;
	v8 =	vimm.f32 $0.0e+00;
	v9 =	vimm.f32 $0.0e+00;
	s14 =	simm.s32 $0x400;
	v18 =	vld [tilespmem:s12+$0xE160]  }
.LBB2_13:
0x209: {  	p1 =	sne.s32 s14, $0x6000;
	v12 =	vadd.f32 v20, v12;
	v13 =	vadd.f32 v22, v13;
	v20 =	vld [tilespmem:s12+$0xE170]  }
0x20a: {  	v14 =	vadd.f32 v19, v14;
	v15 =	vadd.f32 v21, v15;
	v19 =	vld [tilespmem:s12+$0xE1E0]  }
0x20b: {  	v12 =	vadd.f32 v4, v12;
	v13 =	vadd.f32 v6, v13;
	v21 =	vld [tilespmem:s12+$0xE1F0];
	s12 =	sshra.s32 s14, $0x2  }
0x20c: {  	v14 =	vadd.f32 v5, v14;
	v4 =	vld [tilespmem:s12+$0xE180];
	v15 =	vadd.f32 v7, v15  }
0x20d: {  	v8 =	vadd.f32 v16, v8;
	v9 =	vadd.f32 v17, v9;
	v6 =	vld [tilespmem:s12+$0xE190]  }
0x20e: {  	v11 =	vadd.f32 v18, v11;
	v5 =	vld [tilespmem:s12+$0xE1A0];
	v10 =	vadd.f32 v20, v10  }
0x20f: {  	v8 =	vadd.f32 v2, v8;
	v9 =	vadd.f32 v3, v9;
	v7 =	vld [tilespmem:s12+$0xE1B0]  }
0x210: {  	v11 =	vadd.f32 v19, v11;
	v2 =	vld [tilespmem:s12+$0xE1C0];
	v10 =	vadd.f32 v21, v10  }
0x211: {  	v3 =	vld [tilespmem:s12+$0xE1D0]  }
0x212: {  	v20 =	vld [tilespmem:s12+$0xE100]  }
0x213: {  	v22 =	vld [tilespmem:s12+$0xE110]  }
.Ltmp7:
0x214: {  	v19 =	vld [tilespmem:s12+$0xE120];
	(pc) =	sbr.rel @p1 .LBB2_13-.Ltmp7, $4  }
0x215: {  	v21 =	vld [tilespmem:s12+$0xE130]  }
0x216: {  	v16 =	vld [tilespmem:s12+$0xE140]  }
0x217: {  	v17 =	vld [tilespmem:s12+$0xE150]  }
0x218: {  	s14 =	sadd.s32 $0x400, s14;
	v18 =	vld [tilespmem:s12+$0xE160]  }
0x219: {  	v12 =	vadd.f32 v20, v12;
	v13 =	vadd.f32 v22, v13;
	v20 =	vld [tilespmem:s12+$0xE170]  }
0x21a: {  	v14 =	vadd.f32 v19, v14;
	v19 =	vld [tilespmem:s12+$0xE1E0];
	v15 =	vadd.f32 v21, v15  }
0x21b: {  	v4 =	vadd.f32 v4, v12;
	v6 =	vadd.f32 v6, v13;
	v12 =	vld [tilespmem:s12+$0xE1F0]  }
0x21c: {  	v5 =	vadd.f32 v5, v14;
	v8 =	vadd.f32 v16, v8  }
0x21d: {  	v7 =	vadd.f32 v7, v15;
	v11 =	vadd.f32 v18, v11  }
0x21e: {  	v9 =	vadd.f32 v17, v9;
	v10 =	vadd.f32 v20, v10  }
0x21f: {  	v2 =	vadd.f32 v2, v8;
	v8 =	vadd.f32 v19, v11  }
0x220: {  	v3 =	vadd.f32 v3, v9;
	v9 =	vadd.f32 v12, v10  }
0x221: {  	v4 =	vadd.f32 v5, v4;
	v2 =	vadd.f32 v8, v2  }
0x222: {  	v5 =	vadd.f32 v7, v6;
	v3 =	vadd.f32 v9, v3  }
0x223: {  	v2 =	vadd.f32 v2, v4  }
0x224: {  	v3 =	vadd.f32 v3, v5  }
0x225: {  	v2 =	vmul.f32 $4.999999890e-03, v2  }
0x226: {  	v3 =	vmul.f32 $4.999999890e-03, v3  }
0x227: {  	v2 =	vadd.f32 v2, v0  }
0x228: {  	v4 =	vadd.f32 v3, v1  }
0x229: {  	(xrf0) =	vmax.scan.msk.f32 $0xffff, v2  }
0x22a: {  	(xrf0) =	vmax.scan.msk.f32 $0xffff, v4;
	_ =	sdelay $0x4  }
0x22b: {  	v5, _, _ =	vpop (xrf0)  }
0x22c: {  	(v2sf) =	vpush v5, $0xF;
	v5, _, _ =	vpop (xrf0)  }
0x22d: {  	(v2sf) =	vpush v5, $0xF;
	_ =	sdelay $0xd  }
0x22e: {  	s15 =	spop (v2sf)  }
0x22f: {  	s14 =	spop (v2sf)  }
0x230: {  	s12 =	smax.f32 s15, s14  }
0x231: {  	v5 =	vmov s12  }
0x232: {  	v2 =	vsub.f32 v2, v5  }
0x233: {  	v4 =	vsub.f32 v4, v5  }
0x234: {  	v2 =	vmul.f32 $1.442695020e+00, v2  }
0x235: {  	v4 =	vmul.f32 $1.442695020e+00, v4  }
0x236: {  	(erf) = vpow2.f32 v2  }
0x237: {  	(erf) = vpow2.f32 v4;
	_ =	sdelay $0x7  }
0x238: {  	v2 =	vpop (erf)  }
0x239: {  	v4 =	vpop (erf);
	(xrf2) =	vadd.scan.msk.f32 $0xffff, v2  }
0x23a: {  	(xrf2) =	vadd.scan.msk.f32 $0xffff, v4;
	_ =	sdelay $0x8  }
0x23b: {  	v5, _, _ =	vpop (xrf2)  }
0x23c: {  	(v2sf) =	vpush v5, $0xF;
	v5, _, _ =	vpop (xrf2)  }
0x23d: {  	(v2sf) =	vpush v5, $0xF;
	_ =	sdelay $0xd  }
0x23e: {  	s14 =	spop (v2sf)  }
0x23f: {  	s15 =	spop (v2sf)  }
0x240: {  	v3 =	vsub.f32 $0.0e+00, v3;
	s12 =	sadd.f32 s15, s14;
	_ =	sdelay $0x1  }
0x241: {  	v3 =	vmul.f32 $1.442695020e+00, v3;
	v5 =	vmov s12  }
0x242: {  	(erf) = vrcp.f32 v5  }
0x243: {  	(erf) = vpow2.f32 v3;
	_ =	sdelay $0x7  }
0x244: {  	v3 =	vpop (erf)  }
0x245: {  	v5 =	vpop (erf)  }
0x246: {  	v5 =	vadd.f32 $1.000000000e+00, v5;
	_ =	sdelay $0x1  }
0x247: {  	(erf) = vrcp.f32 v5;
	_ =	sdelay $0x4  }
0x248: {  	s12 =	sor.u32 $0x5, s2;
	v2 =	vmul.f32 v3, v2  }
0x249: {  	s15 =	sshll.u32 s12, $0x5  }
0x24a: {  	s14 =	sand.u32 $0x3FFFFFE0, s15;
	v3 =	vmul.f32 v3, v4  }
0x24b: {  	s12 =	sshll.u32 s12, $0x4;
	[tilespmem:s14+$0x12C00] =	vst v2  }
0x24c: {  	s12 =	sand.u32 $0x3FFFFFF0, s12;
	[tilespmem:s14+$0x12C10] =	vst v3;
	v2 =	vpop (erf)  }
0x24d: {  	s15 =	simm.s32 @!p0 $0xE100;
	s14 =	simm.s32 @!p0 $0x68;
	[tilespmem:s12+$0x13C00] =	vst v2;
	s12 =	sadd.s32 @!p0 $0xA28, s10  }
0x24e: {  	[tilespmem:s15], [sflag:$0x6] =	stream.indirect.gather @!p0 [hbm4b:s4+s14], $0x20, s12, s14, $0xb8;
	[tilespmem:$0x14420] =	vst v63  }
0x24f: {  	s12 =	sadd.s32 @!p0 $0xA90, s10;
	s14 =	simm.s32 @!p0 $0x60;
	s15 =	simm.s32 @!p0 $0xEE00  }
0x250: {  	[tilespmem:s15], [sflag:$0x6] =	stream.indirect.gather @!p0 [hbm4b:s4+s14], $0x20, s12, s14, $0xb8;
	[tilespmem:$0x14420] =	vst v63  }
0x251: {  	_ =	swait.ge [sflag:s28], $0x1900  }
0x252: {  	[sflag:s28] =	ssyncset.done $0x0  }
0x253: {  	s12 =	simm.s32 $0x0;
	[sflag:s28] =	ssyncadd.s32 $0xFFFFE700  }
0x254: {  	v4 =	vld [tilespmem:s12+$0xFA80]  }
0x255: {  	v6 =	vld [tilespmem:s12+$0xFA90]  }
0x256: {  	v5 =	vld [tilespmem:s12+$0xFAA0]  }
0x257: {  	v7 =	vld [tilespmem:s12+$0xFAB0]  }
0x258: {  	v2 =	vld [tilespmem:s12+$0xFAC0]  }
0x259: {  	v3 =	vld [tilespmem:s12+$0xFAD0]  }
0x25a: {  	v20 =	vld [tilespmem:s12+$0xFA00]  }
0x25b: {  	v22 =	vld [tilespmem:s12+$0xFA10]  }
0x25c: {  	v19 =	vld [tilespmem:s12+$0xFA20]  }
0x25d: {  	v21 =	vld [tilespmem:s12+$0xFA30]  }
0x25e: {  	v13 =	vimm.f32 $0.0e+00;
	v14 =	vimm.f32 $0.0e+00;
	v16 =	vld [tilespmem:s12+$0xFA40]  }
0x25f: {  	v15 =	vimm.f32 $0.0e+00;
	v11 =	vimm.f32 $0.0e+00;
	v12 =	vimm.f32 $0.0e+00;
	v17 =	vld [tilespmem:s12+$0xFA50]  }
0x260: {  	v10 =	vimm.f32 $0.0e+00;
	v8 =	vimm.f32 $0.0e+00;
	v9 =	vimm.f32 $0.0e+00;
	s14 =	simm.s32 $0x400;
	v18 =	vld [tilespmem:s12+$0xFA60]  }
.LBB2_15:
0x261: {  	p1 =	sne.s32 s14, $0x6000;
	v12 =	vadd.f32 v20, v12;
	v13 =	vadd.f32 v22, v13;
	v20 =	vld [tilespmem:s12+$0xFA70]  }
0x262: {  	v14 =	vadd.f32 v19, v14;
	v15 =	vadd.f32 v21, v15;
	v19 =	vld [tilespmem:s12+$0xFAE0]  }
0x263: {  	v12 =	vadd.f32 v4, v12;
	v13 =	vadd.f32 v6, v13;
	v21 =	vld [tilespmem:s12+$0xFAF0];
	s12 =	sshra.s32 s14, $0x2  }
0x264: {  	v14 =	vadd.f32 v5, v14;
	v4 =	vld [tilespmem:s12+$0xFA80];
	v15 =	vadd.f32 v7, v15  }
0x265: {  	v8 =	vadd.f32 v16, v8;
	v9 =	vadd.f32 v17, v9;
	v6 =	vld [tilespmem:s12+$0xFA90]  }
0x266: {  	v11 =	vadd.f32 v18, v11;
	v5 =	vld [tilespmem:s12+$0xFAA0];
	v10 =	vadd.f32 v20, v10  }
0x267: {  	v8 =	vadd.f32 v2, v8;
	v9 =	vadd.f32 v3, v9;
	v7 =	vld [tilespmem:s12+$0xFAB0]  }
0x268: {  	v11 =	vadd.f32 v19, v11;
	v2 =	vld [tilespmem:s12+$0xFAC0];
	v10 =	vadd.f32 v21, v10  }
0x269: {  	v3 =	vld [tilespmem:s12+$0xFAD0]  }
0x26a: {  	v20 =	vld [tilespmem:s12+$0xFA00]  }
0x26b: {  	v22 =	vld [tilespmem:s12+$0xFA10]  }
.Ltmp8:
0x26c: {  	v19 =	vld [tilespmem:s12+$0xFA20];
	(pc) =	sbr.rel @p1 .LBB2_15-.Ltmp8, $4  }
0x26d: {  	v21 =	vld [tilespmem:s12+$0xFA30]  }
0x26e: {  	v16 =	vld [tilespmem:s12+$0xFA40]  }
0x26f: {  	v17 =	vld [tilespmem:s12+$0xFA50]  }
0x270: {  	s14 =	sadd.s32 $0x400, s14;
	v18 =	vld [tilespmem:s12+$0xFA60]  }
0x271: {  	v12 =	vadd.f32 v20, v12;
	v13 =	vadd.f32 v22, v13;
	v20 =	vld [tilespmem:s12+$0xFA70]  }
0x272: {  	v14 =	vadd.f32 v19, v14;
	v19 =	vld [tilespmem:s12+$0xFAE0];
	v15 =	vadd.f32 v21, v15  }
0x273: {  	v4 =	vadd.f32 v4, v12;
	v6 =	vadd.f32 v6, v13;
	v12 =	vld [tilespmem:s12+$0xFAF0]  }
0x274: {  	v5 =	vadd.f32 v5, v14;
	v8 =	vadd.f32 v16, v8  }
0x275: {  	v7 =	vadd.f32 v7, v15;
	v11 =	vadd.f32 v18, v11  }
0x276: {  	v9 =	vadd.f32 v17, v9;
	v10 =	vadd.f32 v20, v10  }
0x277: {  	v2 =	vadd.f32 v2, v8;
	v8 =	vadd.f32 v19, v11  }
0x278: {  	v3 =	vadd.f32 v3, v9;
	v9 =	vadd.f32 v12, v10  }
0x279: {  	v4 =	vadd.f32 v5, v4;
	v2 =	vadd.f32 v8, v2  }
0x27a: {  	v5 =	vadd.f32 v7, v6;
	v3 =	vadd.f32 v9, v3  }
0x27b: {  	v2 =	vadd.f32 v2, v4  }
0x27c: {  	v3 =	vadd.f32 v3, v5  }
0x27d: {  	v2 =	vmul.f32 $4.999999890e-03, v2  }
0x27e: {  	v3 =	vmul.f32 $4.999999890e-03, v3  }
0x27f: {  	v2 =	vadd.f32 v2, v0  }
0x280: {  	v4 =	vadd.f32 v3, v1  }
0x281: {  	(xrf0) =	vmax.scan.msk.f32 $0xffff, v2  }
0x282: {  	(xrf0) =	vmax.scan.msk.f32 $0xffff, v4;
	_ =	sdelay $0x4  }
0x283: {  	v5, _, _ =	vpop (xrf0)  }
0x284: {  	(v2sf) =	vpush v5, $0xF;
	v5, _, _ =	vpop (xrf0)  }
0x285: {  	(v2sf) =	vpush v5, $0xF;
	_ =	sdelay $0xd  }
0x286: {  	s15 =	spop (v2sf)  }
0x287: {  	s14 =	spop (v2sf)  }
0x288: {  	s12 =	smax.f32 s15, s14  }
0x289: {  	v5 =	vmov s12  }
0x28a: {  	v2 =	vsub.f32 v2, v5  }
0x28b: {  	v4 =	vsub.f32 v4, v5  }
0x28c: {  	v2 =	vmul.f32 $1.442695020e+00, v2  }
0x28d: {  	v4 =	vmul.f32 $1.442695020e+00, v4  }
0x28e: {  	(erf) = vpow2.f32 v2  }
0x28f: {  	(erf) = vpow2.f32 v4;
	_ =	sdelay $0x7  }
0x290: {  	v2 =	vpop (erf)  }
0x291: {  	v4 =	vpop (erf);
	(xrf2) =	vadd.scan.msk.f32 $0xffff, v2  }
0x292: {  	(xrf2) =	vadd.scan.msk.f32 $0xffff, v4;
	_ =	sdelay $0x8  }
0x293: {  	v5, _, _ =	vpop (xrf2)  }
0x294: {  	(v2sf) =	vpush v5, $0xF;
	v5, _, _ =	vpop (xrf2)  }
0x295: {  	(v2sf) =	vpush v5, $0xF;
	_ =	sdelay $0xd  }
0x296: {  	s14 =	spop (v2sf)  }
0x297: {  	s15 =	spop (v2sf)  }
0x298: {  	v3 =	vsub.f32 $0.0e+00, v3;
	s12 =	sadd.f32 s15, s14;
	_ =	sdelay $0x1  }
0x299: {  	v3 =	vmul.f32 $1.442695020e+00, v3;
	v5 =	vmov s12  }
0x29a: {  	(erf) = vrcp.f32 v5  }
0x29b: {  	(erf) = vpow2.f32 v3;
	_ =	sdelay $0x7  }
0x29c: {  	v3 =	vpop (erf)  }
0x29d: {  	v5 =	vpop (erf)  }
0x29e: {  	v5 =	vadd.f32 $1.000000000e+00, v5;
	_ =	sdelay $0x1  }
0x29f: {  	(erf) = vrcp.f32 v5;
	_ =	sdelay $0x4  }
0x2a0: {  	s12 =	sor.u32 $0x6, s2;
	v2 =	vmul.f32 v3, v2  }
0x2a1: {  	s15 =	sshll.u32 s12, $0x5  }
0x2a2: {  	s14 =	sand.u32 $0x3FFFFFE0, s15;
	v3 =	vmul.f32 v3, v4  }
0x2a3: {  	s12 =	sshll.u32 s12, $0x4;
	[tilespmem:s14+$0x12C00] =	vst v2  }
0x2a4: {  	s12 =	sand.u32 $0x3FFFFFF0, s12;
	[tilespmem:s14+$0x12C10] =	vst v3;
	v2 =	vpop (erf)  }
0x2a5: {  	s15 =	simm.s32 @!p0 $0xFA00;
	s14 =	simm.s32 @!p0 $0x68;
	[tilespmem:s12+$0x13C00] =	vst v2;
	s12 =	sadd.s32 @!p0 $0xAF0, s10  }
0x2a6: {  	[tilespmem:s15], [sflag:$0x7] =	stream.indirect.gather @!p0 [hbm4b:s4+s14], $0x20, s12, s14, $0xb8;
	[tilespmem:$0x14420] =	vst v63  }
0x2a7: {  	s10 =	sadd.s32 @!p0 $0xB58, s10;
	s12 =	simm.s32 @!p0 $0x60;
	s14 =	simm.s32 @!p0 $0x10700  }
0x2a8: {  	[tilespmem:s14], [sflag:$0x7] =	stream.indirect.gather @!p0 [hbm4b:s4+s12], $0x20, s10, s12, $0xb8;
	[tilespmem:$0x14420] =	vst v63  }
0x2a9: {  	_ =	swait.ge [sflag:s29], $0x1900  }
0x2aa: {  	[sflag:s29] =	ssyncset.done $0x0  }
0x2ab: {  	s10 =	simm.s32 $0x0;
	[sflag:s29] =	ssyncadd.s32 $0xFFFFE700  }
0x2ac: {  	v4 =	vld [tilespmem:s10+$0x11380]  }
0x2ad: {  	v6 =	vld [tilespmem:s10+$0x11390]  }
0x2ae: {  	v5 =	vld [tilespmem:s10+$0x113A0]  }
0x2af: {  	v7 =	vld [tilespmem:s10+$0x113B0]  }
0x2b0: {  	v2 =	vld [tilespmem:s10+$0x113C0]  }
0x2b1: {  	v3 =	vld [tilespmem:s10+$0x113D0]  }
0x2b2: {  	v20 =	vld [tilespmem:s10+$0x11300]  }
0x2b3: {  	v22 =	vld [tilespmem:s10+$0x11310]  }
0x2b4: {  	v19 =	vld [tilespmem:s10+$0x11320]  }
0x2b5: {  	v21 =	vld [tilespmem:s10+$0x11330]  }
0x2b6: {  	v13 =	vimm.f32 $0.0e+00;
	v14 =	vimm.f32 $0.0e+00;
	v16 =	vld [tilespmem:s10+$0x11340]  }
0x2b7: {  	v15 =	vimm.f32 $0.0e+00;
	v11 =	vimm.f32 $0.0e+00;
	v12 =	vimm.f32 $0.0e+00;
	v17 =	vld [tilespmem:s10+$0x11350]  }
0x2b8: {  	v10 =	vimm.f32 $0.0e+00;
	v8 =	vimm.f32 $0.0e+00;
	v9 =	vimm.f32 $0.0e+00;
	s12 =	simm.s32 $0x400;
	v18 =	vld [tilespmem:s10+$0x11360]  }
.LBB2_17:
0x2b9: {  	p1 =	sne.s32 s12, $0x6000;
	v12 =	vadd.f32 v20, v12;
	v13 =	vadd.f32 v22, v13;
	v20 =	vld [tilespmem:s10+$0x11370]  }
0x2ba: {  	v14 =	vadd.f32 v19, v14;
	v15 =	vadd.f32 v21, v15;
	v19 =	vld [tilespmem:s10+$0x113E0]  }
0x2bb: {  	v12 =	vadd.f32 v4, v12;
	v13 =	vadd.f32 v6, v13;
	v21 =	vld [tilespmem:s10+$0x113F0];
	s10 =	sshra.s32 s12, $0x2  }
0x2bc: {  	v14 =	vadd.f32 v5, v14;
	v4 =	vld [tilespmem:s10+$0x11380];
	v15 =	vadd.f32 v7, v15  }
0x2bd: {  	v8 =	vadd.f32 v16, v8;
	v9 =	vadd.f32 v17, v9;
	v6 =	vld [tilespmem:s10+$0x11390]  }
0x2be: {  	v11 =	vadd.f32 v18, v11;
	v5 =	vld [tilespmem:s10+$0x113A0];
	v10 =	vadd.f32 v20, v10  }
0x2bf: {  	v8 =	vadd.f32 v2, v8;
	v9 =	vadd.f32 v3, v9;
	v7 =	vld [tilespmem:s10+$0x113B0]  }
0x2c0: {  	v11 =	vadd.f32 v19, v11;
	v2 =	vld [tilespmem:s10+$0x113C0];
	v10 =	vadd.f32 v21, v10  }
0x2c1: {  	v3 =	vld [tilespmem:s10+$0x113D0]  }
0x2c2: {  	v20 =	vld [tilespmem:s10+$0x11300]  }
0x2c3: {  	v22 =	vld [tilespmem:s10+$0x11310]  }
.Ltmp9:
0x2c4: {  	v19 =	vld [tilespmem:s10+$0x11320];
	(pc) =	sbr.rel @p1 .LBB2_17-.Ltmp9, $4  }
0x2c5: {  	v21 =	vld [tilespmem:s10+$0x11330]  }
0x2c6: {  	v16 =	vld [tilespmem:s10+$0x11340]  }
0x2c7: {  	v17 =	vld [tilespmem:s10+$0x11350]  }
0x2c8: {  	s12 =	sadd.s32 $0x400, s12;
	v18 =	vld [tilespmem:s10+$0x11360]  }
0x2c9: {  	v12 =	vadd.f32 v20, v12;
	v13 =	vadd.f32 v22, v13;
	v50 =	vld [tilespmem:s10+$0x11370]  }
0x2ca: {  	v14 =	vadd.f32 v19, v14;
	v51 =	vld [tilespmem:s10+$0x113E0];
	v15 =	vadd.f32 v21, v15  }
0x2cb: {  	v52 =	vld [tilespmem:s10+$0x113F0];
	v4 =	vadd.f32 v4, v12;
	v6 =	vadd.f32 v6, v13  }
0x2cc: {  	v5 =	vadd.f32 v5, v14;
	v8 =	vadd.f32 v16, v8  }
0x2cd: {  	v7 =	vadd.f32 v7, v15;
	v11 =	vadd.f32 v18, v11  }
0x2ce: {  	v9 =	vadd.f32 v17, v9;
	v10 =	vadd.f32 v50, v10  }
0x2cf: {  	v2 =	vadd.f32 v2, v8;
	v53 =	vadd.f32 v51, v11  }
0x2d0: {  	v3 =	vadd.f32 v3, v9;
	v54 =	vadd.f32 v52, v10  }
0x2d1: {  	v4 =	vadd.f32 v5, v4;
	v2 =	vadd.f32 v53, v2  }
0x2d2: {  	v55 =	vadd.f32 v7, v6;
	v3 =	vadd.f32 v54, v3  }
0x2d3: {  	v2 =	vadd.f32 v2, v4  }
0x2d4: {  	v3 =	vadd.f32 v3, v55  }
0x2d5: {  	v2 =	vmul.f32 $4.999999890e-03, v2  }
0x2d6: {  	v3 =	vmul.f32 $4.999999890e-03, v3  }
0x2d7: {  	v2 =	vadd.f32 v2, v0  }
0x2d8: {  	v56 =	vadd.f32 v3, v1  }
0x2d9: {  	(xrf0) =	vmax.scan.msk.f32 $0xffff, v2  }
0x2da: {  	(xrf0) =	vmax.scan.msk.f32 $0xffff, v56;
	_ =	sdelay $0x4  }
0x2db: {  	v57, _, _ =	vpop (xrf0)  }
0x2dc: {  	(v2sf) =	vpush v57, $0xF;
	v58, _, _ =	vpop (xrf0)  }
0x2dd: {  	(v2sf) =	vpush v58, $0xF;
	_ =	sdelay $0xd  }
0x2de: {  	s15 =	spop (v2sf)  }
0x2df: {  	s12 =	spop (v2sf)  }
0x2e0: {  	s10 =	smax.f32 s15, s12  }
0x2e1: {  	v59 =	vmov s10  }
0x2e2: {  	v2 =	vsub.f32 v2, v59  }
0x2e3: {  	v4 =	vsub.f32 v56, v59  }
0x2e4: {  	v2 =	vmul.f32 $1.442695020e+00, v2  }
0x2e5: {  	v4 =	vmul.f32 $1.442695020e+00, v4  }
0x2e6: {  	(erf) = vpow2.f32 v2  }
0x2e7: {  	(erf) = vpow2.f32 v4;
	_ =	sdelay $0x7  }
0x2e8: {  	v2 =	vpop (erf)  }
0x2e9: {  	v4 =	vpop (erf);
	(xrf2) =	vadd.scan.msk.f32 $0xffff, v2  }
0x2ea: {  	(xrf2) =	vadd.scan.msk.f32 $0xffff, v4;
	_ =	sdelay $0x8  }
0x2eb: {  	v60, _, _ =	vpop (xrf2)  }
0x2ec: {  	(v2sf) =	vpush v60, $0xF;
	v61, _, _ =	vpop (xrf2)  }
0x2ed: {  	(v2sf) =	vpush v61, $0xF;
	_ =	sdelay $0xd  }
0x2ee: {  	s12 =	spop (v2sf)  }
0x2ef: {  	s14 =	spop (v2sf)  }
0x2f0: {  	v3 =	vsub.f32 $0.0e+00, v3;
	s10 =	sadd.f32 s14, s12;
	_ =	sdelay $0x1  }
0x2f1: {  	v3 =	vmul.f32 $1.442695020e+00, v3;
	v62 =	vmov s10  }
0x2f2: {  	(erf) = vrcp.f32 v62  }
0x2f3: {  	(erf) = vpow2.f32 v3;
	_ =	sdelay $0x7  }
0x2f4: {  	v3 =	vpop (erf)  }
0x2f5: {  	v63 =	vpop (erf)  }
0x2f6: {  	v5 =	vadd.f32 $1.000000000e+00, v63;
	_ =	sdelay $0x1  }
0x2f7: {  	(erf) = vrcp.f32 v5;
	_ =	sdelay $0x4  }
0x2f8: {  	s2 =	sor.u32 $0x7, s2;
	v2 =	vmul.f32 v3, v2  }
.Ltmp10:
0x2f9: {  	s15 =	sshll.u32 s2, $0x5;
	(pc) =	sbr.rel @p0 .LBB2_20-.Ltmp10, $4  }
0x2fa: {  	s10 =	sand.u32 $0x3FFFFFE0, s15;
	v3 =	vmul.f32 v3, v4  }
0x2fb: {  	s2 =	sshll.u32 s2, $0x4;
	[tilespmem:s10+$0x12C00] =	vst v2  }
0x2fc: {  	s2 =	sand.u32 $0x3FFFFFF0, s2;
	[tilespmem:s10+$0x12C10] =	vst v3;
	v2 =	vpop (erf)  }
0x2fd: {  	[tilespmem:s2+$0x13C00] =	vst v2  }
0x2fe: {  	s2 =	smul.u32 $0x1900, s0;
	_ =	sdelay $0x1  }
.Ltmp11:
0x2ff: {  	s2 =	sshra.s32 s2, $0x2;
	(pc) =	sbr.rel .LBB2_2-.Ltmp11, $4  }
0x300: {  	s10 =	sadd.s32 $0xBB8, s2  }
0x301: {  	[tilespmem:s18], [sflag:$0x8] =	stream.indirect.gather [hbm4b:s4+s11], $0x20, s10, s11, $0xb8;
	[tilespmem:$0x14420] =	vst v63  }
0x302: {  	s0 =	sadd.s32 $0x1, s0;
	s2 =	sadd.s32 $0xC20, s2  }
0x303: {  	[tilespmem:s20], [sflag:$0x8] =	stream.indirect.gather [hbm4b:s4+s13], $0x20, s2, s13, $0xb8;
	[tilespmem:$0x14420] =	vst v63  }
.LBB2_21:
0x304: {  	_ =	sfence.sel $0x180000  }
0x305: {  	[bflag:$0x0] =	sbarrier.arrive $0xFFFF  }
0x306: {  	_ =	strace $0x90000047  }
0x307: {  	s0 =	stileid.u32;
	[bflag:$0x2] =	sbarrier.arrive $0xFFFF  }
0x308: {  	p0 =	sne.s32 s0, $0x0;
	s0 =	rddreg [dreg:$0x3]  }
0x309: {  	s0 =	sadd.s32 @!p0 $0x100000, s0  }
0x30a: {  	[sflag:s0] =	ssyncadd.tile.s32 @!p0 $0x1;
	_ =	shalt  }
.Lfunc_end2:
_tile_overlayer_lowered:
.L_overlay_start_2:
0x30b: {  	(tag) =	ssettag $0x2  }
0x30c: {  	s0 =	rddreg [dreg:$0x0];
	s2 =	stileid.u32  }
0x30d: {  	s1 =	rddreg [dreg:$0x1];
	p0 =	sne.s32 s2, $0x0  }
0x30e: {  	s3 =	rddreg [dreg:$0x2];
	[bflag:$0x3] =	sbarrier.arrive $0xFFFF;
	s2 =	simm.s32 @!p0 $0x1C09  }
0x30f: {  	[timem:s3], [sflag:s2] =	dma.local @!p0 [hbm:s0], s1  }
0x310: {  	s0 =	simm.s32 @!p0 $0x9  }
0x311: {  	_ =	swait.ge @!p0 [sflag:s0], s1  }
0x312: {  	s1 =	ssub.s32 @!p0 $0x0, s1;
	[sflag:s0] =	ssyncset.done @!p0 $0x0  }
0x313: {  	[sflag:s0] =	ssyncadd.s32 @!p0 s1  }
0x314: {  	[bflag:$0x3] =	sbarrier.arrive $0xFFFF  }
0x315: {  	_ =	shalt  }

</sc_bundles>
